<compile_context>
chip_gen: v7x
topology: tpu7x:2x2x1
jax: 0.10.2.dev20260603
libtpu: 0.0.44.dev20260713+nightly
codegen_flags: <defaults>
</compile_context>

<pallas_src>
import functools

import jax
import jax.numpy as jnp
from jax import lax
from jax.experimental import pallas as pl
from jax.experimental.pallas import tpu as pltpu
from jax.experimental.pallas import tpu_sc as plsc

F32 = jnp.float32
I32 = jnp.int32


def _sc_gather(table, idx, k):
    n = idx.shape[0]
    d = table.shape[1]
    info = plsc.get_sparse_core_info()
    nc, ns = info.num_cores, info.num_subcores
    nw = nc * ns
    per_w = n // nw
    nblk = per_w // k
    assert nblk % 2 == 0

    mesh = plsc.VectorSubcoreMesh(core_axis_name="c", subcore_axis_name="s")

    @functools.partial(
        pl.kernel,
        out_type=jax.ShapeDtypeStruct((n, d), F32),
        mesh=mesh,
        scratch_types=[
            pltpu.VMEM((per_w,), I32),
            pltpu.VMEM((k, d), F32),
            pltpu.VMEM((k, d), F32),
            pltpu.SemaphoreType.DMA,
            pltpu.SemaphoreType.DMA,
            pltpu.SemaphoreType.DMA,
            pltpu.SemaphoreType.DMA,
        ],
    )
    def gk(table_hbm, idx_hbm, out_hbm, idx_all, rows0, rows1,
           semg0, semg1, semw0, semw1):
        wid = lax.axis_index("s") * nc + lax.axis_index("c")
        base = wid * per_w
        rows = (rows0, rows1)
        semg = (semg0, semg1)
        semw = (semw0, semw1)

        pltpu.sync_copy(idx_hbm.at[pl.ds(base, per_w)], idx_all)

        def gath(j, s):
            pltpu.async_copy(
                table_hbm.at[idx_all.at[pl.ds(j * k, k)]], rows[s], semg[s]
            )

        gath(0, 0)
        gath(1, 1)

        def body(j2, carry):
            for s in (0, 1):
                j = j2 * 2 + s
                dst = out_hbm.at[pl.ds(base + j * k, k)]
                pltpu.make_async_copy(rows[s], dst, semg[s]).wait()
                pltpu.async_copy(rows[s], dst, semw[s])
                pltpu.make_async_copy(rows[s], dst, semw[s]).wait()

                @pl.when(j + 2 < nblk)
                def _():
                    gath(j + 2, s)

            return carry

        lax.fori_loop(0, nblk // 2, body, 0)

    return gk(table, idx)


def _sc_gather_small(table, idx, k, t_rows):
    n = idx.shape[0]
    d = table.shape[1]
    info = plsc.get_sparse_core_info()
    nc, ns = info.num_cores, info.num_subcores
    nw = nc * ns
    per_w = n // nw
    nblk = per_w // k
    assert nblk % 2 == 0 and t_rows % (8 * ns) == 0
    stage = t_rows // ns

    mesh = plsc.VectorSubcoreMesh(core_axis_name="c", subcore_axis_name="s")

    @functools.partial(
        pl.kernel,
        out_type=jax.ShapeDtypeStruct((n, d), F32),
        mesh=mesh,
        scratch_types=[
            pltpu.VMEM((per_w,), I32),
            pltpu.VMEM((k, d), F32),
            pltpu.VMEM((k, d), F32),
            pltpu.SemaphoreType.DMA,
            pltpu.SemaphoreType.DMA,
            pltpu.SemaphoreType.DMA,
            pltpu.SemaphoreType.DMA,
            pltpu.VMEM_SHARED((t_rows, d), F32),
        ],
    )
    def gk(table_hbm, idx_hbm, out_hbm, idx_all, rows0, rows1,
           semg0, semg1, semw0, semw1, spm):
        sid = lax.axis_index("s")
        wid = sid * nc + lax.axis_index("c")
        base = wid * per_w
        rows = (rows0, rows1)
        semg = (semg0, semg1)
        semw = (semw0, semw1)

        my_stage = pl.ds(sid * stage, stage)
        pltpu.sync_copy(table_hbm.at[my_stage], spm.at[my_stage])
        pltpu.sync_copy(idx_hbm.at[pl.ds(base, per_w)], idx_all)
        plsc.subcore_barrier()

        def gath(j, s):
            pltpu.async_copy(
                spm.at[idx_all.at[pl.ds(j * k, k)]], rows[s], semg[s]
            )

        gath(0, 0)
        gath(1, 1)

        def body(j2, carry):
            for s in (0, 1):
                j = j2 * 2 + s
                dst = out_hbm.at[pl.ds(base + j * k, k)]
                pltpu.make_async_copy(rows[s], dst, semg[s]).wait()
                pltpu.async_copy(rows[s], dst, semw[s])
                pltpu.make_async_copy(rows[s], dst, semw[s]).wait()

                @pl.when(j + 2 < nblk)
                def _():
                    gath(j + 2, s)

            return carry

        lax.fori_loop(0, nblk // 2, body, 0)

    return gk(table, idx)


def _sc_scatter_add(ext0, ext1, dst_idx, nd, k):
    e, dext = ext0.shape
    info = plsc.get_sparse_core_info()
    nc, ns = info.num_cores, info.num_subcores
    per_tile = e // ns
    nblk = per_tile // k
    assert nblk % 2 == 0
    rows_per_tile = ((nd + 8 * ns - 1) // (8 * ns)) * 8
    nd_pad = rows_per_tile * ns

    zeros = jnp.zeros((rows_per_tile, dext), F32)
    mesh = plsc.VectorSubcoreMesh(core_axis_name="c", subcore_axis_name="s")

    @functools.partial(
        pl.kernel,
        out_type=(
            jax.ShapeDtypeStruct((nd_pad, dext), F32),
            jax.ShapeDtypeStruct((nd_pad, dext), F32),
        ),
        mesh=mesh,
        scratch_types=[
            pltpu.VMEM((k,), I32), pltpu.VMEM((k,), I32),
            pltpu.VMEM((k,), I32), pltpu.VMEM((k,), I32),
            pltpu.VMEM((k, dext), F32), pltpu.VMEM((k, dext), F32),
            pltpu.VMEM((k, dext), F32), pltpu.VMEM((k, dext), F32),
            pltpu.SemaphoreType.DMA, pltpu.SemaphoreType.DMA,
            pltpu.SemaphoreType.DMA, pltpu.SemaphoreType.DMA,
            pltpu.SemaphoreType.DMA, pltpu.SemaphoreType.DMA,
            pltpu.SemaphoreType.DMA, pltpu.SemaphoreType.DMA,
            pltpu.SemaphoreType.DMA, pltpu.SemaphoreType.DMA,
            pltpu.SemaphoreType.DMA, pltpu.SemaphoreType.DMA,
            pltpu.VMEM_SHARED((nd_pad, dext), F32),
        ],
    )
    def sk(e0_hbm, e1_hbm, dst_hbm, z_hbm, out0, out1,
           idx0, idx1, idx2, idx3, rows0, rows1, rows2, rows3,
           semi0, semi1, semi2, semi3, seml0, seml1, seml2, seml3,
           sems0, sems1, sems2, sems3, acc):
        cid = lax.axis_index("c")
        sid = lax.axis_index("s")
        my_rows = pl.ds(sid * rows_per_tile, rows_per_tile)
        idxv = (idx0, idx1, idx2, idx3)
        rows = (rows0, rows1, rows2, rows3)
        semi = (semi0, semi1, semi2, semi3)
        seml = (seml0, seml1, seml2, seml3)
        sems = (sems0, sems1, sems2, sems3)

        pltpu.sync_copy(z_hbm, acc.at[my_rows])
        plsc.subcore_barrier()

        base = sid * per_tile
        assert nblk % 4 == 2

        def body(ext_hbm):
            def load(j, s):
                pltpu.async_copy(dst_hbm.at[pl.ds(base + j * k, k)], idxv[s],
                                 semi[s])
                pltpu.async_copy(ext_hbm.at[pl.ds(base + j * k, k)], rows[s],
                                 seml[s])

            def wait_load(s):
                pltpu.make_async_copy(dst_hbm.at[pl.ds(base, k)], idxv[s],
                                      semi[s]).wait()
                pltpu.make_async_copy(ext_hbm.at[pl.ds(base, k)], rows[s],
                                      seml[s]).wait()

            def scat(j, s):
                pltpu.async_copy(rows[s], acc.at[idxv[s]], sems[s], add=True)

            def wait_scat(s):
                pltpu.make_async_copy(ext_hbm.at[pl.ds(base, k)], rows[s],
                                      sems[s]).wait()

            load(0, 0)
            load(1, 1)
            for j in (0, 1, 2, 3):
                wait_load(j)
                scat(j, j)
                if j >= 2:
                    wait_scat((j + 2) % 4)
                load(j + 2, (j + 2) % 4)

            def step(j4, carry):
                for s in (0, 1, 2, 3):
                    j = j4 * 4 + s
                    wait_load(s)
                    scat(j, s)
                    wait_scat((s + 2) % 4)
                    load(j + 2, (s + 2) % 4)
                return carry

            lax.fori_loop(1, nblk // 4, step, 0)
            for t, s in ((nblk - 2, (nblk - 2) % 4), (nblk - 1, (nblk - 1) % 4)):
                wait_load(s)
                scat(t, s)
            for s in (0, 1, 2, 3):
                wait_scat(s)

        @pl.when(cid == 0)
        def _():
            body(e0_hbm)

        @pl.when(cid == 1)
        def _():
            body(e1_hbm)

        plsc.subcore_barrier()

        @pl.when(cid == 0)
        def _():
            pltpu.sync_copy(acc.at[my_rows], out0.at[my_rows])

        @pl.when(cid == 1)
        def _():
            pltpu.sync_copy(acc.at[my_rows], out1.at[my_rows])

    return sk(ext0, ext1, dst_idx, zeros)


def _tc_edge_pass(src_data, qe_raw, edge_feat, dt2, wq_parts, wk_parts, wv_parts,
                  twp, tbp, e, nd, b, dh, dext):
    wqn_t, bqp = wq_parts
    wkn_t, wke_t, wkt_t, bk2 = wk_parts
    wvn_t, wve_t, wvt_t, bv2 = wv_parts
    row_off = nd // b
    de = edge_feat.shape[1]

    _C = (1.0, -19.739208221435547, 64.93939208984375, -85.4566879272461,
          60.24246597290039, -26.406761169433594, 7.8066086769104,
          -1.4609479904174805)

    def body(kv_ref, qe_ref, ef_ref, dt_ref,
             wqn, bqr, wkn, wke, wkt, bkr, wvn, wve, wvt, bvr, twr, tbr,
             o0_ref, o1_ref):
        u = dt_ref[...] * twr[...] + tbr[...]
        fr = u - jnp.floor(u + 0.5)
        t = fr * fr
        tf = _C[7]
        for c in (_C[6], _C[5], _C[4], _C[3], _C[2], _C[1], _C[0]):
            tf = tf * t + c
        kv = kv_ref[...]
        ef = ef_ref[...]
        q_mat = jnp.dot(qe_ref[...], wqn[...], preferred_element_type=F32) + bqr[...]
        k_mat = (
            jnp.dot(kv, wkn[...], preferred_element_type=F32)
            + jnp.dot(ef, wke[...], preferred_element_type=F32)
            + jnp.dot(tf, wkt[...], preferred_element_type=F32)
            + bkr[...]
        )
        v_mat = (
            jnp.dot(kv, wvn[...], preferred_element_type=F32)
            + jnp.dot(ef, wve[...], preferred_element_type=F32)
            + jnp.dot(tf, wvt[...], preferred_element_type=F32)
            + bvr[...]
        )
        s = q_mat * k_mat
        ones_h = jnp.ones((dh, 1), F32)
        d0 = jnp.dot(s[:, :dh], ones_h, preferred_element_type=F32)
        d1 = jnp.dot(s[:, dh:], ones_h, preferred_element_type=F32)
        l0 = jnp.where(d0 >= 0, d0, 0.2 * d0)
        l1 = jnp.where(d1 >= 0, d1, 0.2 * d1)
        ex0 = jnp.exp(jnp.minimum(l0, 75.0))
        ex1 = jnp.exp(jnp.minimum(l1, 75.0))
        z = jnp.zeros((b, dext - dh - 1), F32)
        o0_ref[...] = jnp.concatenate(
            [v_mat[:, :dh] * jnp.broadcast_to(ex0, (b, dh)), ex0, z], axis=1
        )
        o1_ref[...] = jnp.concatenate(
            [v_mat[:, dh:] * jnp.broadcast_to(ex1, (b, dh)), ex1, z], axis=1
        )

    wspec = lambda shape: pl.BlockSpec(shape, lambda i: (0, 0))
    return pl.pallas_call(
        body,
        grid=(e // b,),
        in_specs=[
            pl.BlockSpec((b, 128), lambda i: (i + row_off, 0)),
            pl.BlockSpec((b, 128), lambda i: (i, 0)),
            pl.BlockSpec((b, de), lambda i: (i, 0)),
            pl.BlockSpec((b, 1), lambda i: (i, 0)),
            wspec((128, 128)), wspec((1, 128)),
            wspec((128, 128)), wspec((de, 128)), wspec((128, 128)), wspec((1, 128)),
            wspec((128, 128)), wspec((de, 128)), wspec((128, 128)), wspec((1, 128)),
            wspec((1, 128)), wspec((1, 128)),
        ],
        out_specs=(
            pl.BlockSpec((b, dext), lambda i: (i, 0)),
            pl.BlockSpec((b, dext), lambda i: (i, 0)),
        ),
        out_shape=(
            jax.ShapeDtypeStruct((e, dext), F32),
            jax.ShapeDtypeStruct((e, dext), F32),
        ),
        compiler_params=pltpu.CompilerParams(
            dimension_semantics=("parallel",)
        ),
    )(src_data, qe_raw, edge_feat, dt2, wqn_t, bqp,
      wkn_t, wke_t, wkt_t, bk2, wvn_t, wve_t, wvt_t, bv2, twp, tbp)


def _tc_final(p0, p1, src_data, wod_t, wos_t, bo2, g2, b2, nd, b, dh, dext):
    def body(p0_ref, p1_ref, q_ref, wod, wos, bor, gr, br, o_ref):
        p0 = p0_ref[...]
        p1 = p1_ref[...]
        den0 = jnp.maximum(p0[:, dh : dh + 1], 1e-16)
        den1 = jnp.maximum(p1[:, dh : dh + 1], 1e-16)
        dst_h = jnp.concatenate(
            [p0[:, :dh] / jnp.broadcast_to(den0, (b, dh)),
             p1[:, :dh] / jnp.broadcast_to(den1, (b, dh))], axis=1
        )
        r = (
            jnp.dot(dst_h, wod[...], preferred_element_type=F32)
            + jnp.dot(q_ref[...], wos[...], preferred_element_type=F32)
            + bor[...]
        )
        r = jnp.maximum(r, 0.0)
        mu = jnp.mean(r, axis=1, keepdims=True)
        var = jnp.mean((r - mu) ** 2, axis=1, keepdims=True)
        o_ref[...] = (r - mu) / jnp.sqrt(var + 1e-5) * gr[...] + br[...]

    wspec = lambda shape: pl.BlockSpec(shape, lambda i: (0, 0))
    return pl.pallas_call(
        body,
        grid=(nd // b,),
        in_specs=[
            pl.BlockSpec((b, dext), lambda i: (i, 0)),
            pl.BlockSpec((b, dext), lambda i: (i, 0)),
            pl.BlockSpec((b, 128), lambda i: (i, 0)),
            wspec((128, 128)), wspec((128, 128)),
            wspec((1, 128)), wspec((1, 128)), wspec((1, 128)),
        ],
        out_specs=pl.BlockSpec((b, 128), lambda i: (i, 0)),
        out_shape=jax.ShapeDtypeStruct((nd, 128), F32),
        compiler_params=pltpu.CompilerParams(
            dimension_semantics=("parallel",)
        ),
    )(p0, p1, src_data, wod_t, wos_t, bo2, g2, b2)


def kernel(h, src_idx, edge_dt, edge_feat, edge_dst, num_dst, time_w, time_b,
           Wq, bq, Wk, bk, Wv, bv, Wo, bo, ln_g, ln_b):
    e = edge_dst.shape[0]
    n_src, dn = h.shape
    nd = n_src - e
    dt_dim = time_w.shape[0]
    dout = Wq.shape[0]
    dh = dout // 2
    de = edge_feat.shape[1]
    dext = 128
    b = 400
    k = 80
    nw = 32

    wqn_t = Wq[:, :dn].T
    bqp = (bq + jnp.cos(time_b) @ Wq[:, dn:].T).reshape(1, dout)
    wkn_t = Wk[:, :dn].T
    wke_t = Wk[:, dn : dn + de].T
    wkt_t = jnp.pad(Wk[:, dn + de :].T, ((0, 128 - dt_dim), (0, 0)))
    wvn_t = Wv[:, :dn].T
    wve_t = Wv[:, dn : dn + de].T
    wvt_t = jnp.pad(Wv[:, dn + de :].T, ((0, 128 - dt_dim), (0, 0)))
    inv2pi = 1.0 / (2.0 * jnp.pi)
    twp = (jnp.pad(time_w[:, 0], (0, 128 - dt_dim)) * inv2pi).reshape(1, 128)
    tbp = (jnp.pad(time_b, (0, 128 - dt_dim)) * inv2pi).reshape(1, 128)
    wod_t = Wo[:, :dout].T
    wos_t = Wo[:, dout:].T
    bo2 = bo.reshape(1, dout)
    g2 = ln_g.reshape(1, dout)
    b2 = ln_b.reshape(1, dout)
    bk2 = bk.reshape(1, dout)
    bv2 = bv.reshape(1, dout)

    k0 = 120
    chunk = nw * k0 * 2
    n_pad = ((n_src + chunk - 1) // chunk) * chunk
    si = jnp.pad(src_idx.astype(I32), (0, n_pad - n_src))
    src_data = _sc_gather(h, si, k0)

    dst_i = edge_dst.astype(I32)
    k2 = 128
    chunk2 = nw * k2 * 2
    e_pad = ((e + chunk2 - 1) // chunk2) * chunk2
    dst_pad = jnp.pad(dst_i, (0, e_pad - e))
    qe_raw = _sc_gather_small(src_data, dst_pad, k2, 10240)

    b3 = 2000
    dt2 = edge_dt.reshape(e, 1)
    ext0, ext1 = _tc_edge_pass(src_data, qe_raw, edge_feat, dt2,
                               (wqn_t, bqp),
                               (wkn_t, wke_t, wkt_t, bk2), (wvn_t, wve_t, wvt_t, bv2),
                               twp, tbp, e, nd, b3, dh, dext)

    p0, p1 = _sc_scatter_add(ext0, ext1, dst_i, nd, k)

    return _tc_final(p0, p1, src_data, wod_t, wos_t, bo2, g2, b2, nd, b, dh, dext)

# --- scband reference (transcript-rebuilt; emitter-appended) ---
"""Pipeline reference for scband-transfomer-attention-layer-17171279250051 (READ-ONLY COPY).

The authoritative reference and input builder live on the scoring server;
editing this copy changes nothing except your own understanding.
"""

import jax, jax.numpy as jnp
import numpy as np

N_DST = 10000
E = 320000
N_SRC = N_DST + E
D_NODE = 128
D_EDGE = 16
D_TIME = 100
D_OUT = 128
N_HEAD = 2


def setup_inputs(seed: int = 0) -> dict:
    key = jax.random.key(seed)
    ks = [jax.random.fold_in(key, i) for i in range(16)]
    h = jax.random.normal(ks[0], (N_SRC, D_NODE), dtype=jnp.float32)
    src_idx = jax.random.randint(ks[1], (N_SRC,), 0, N_SRC)
    edge_dt = jax.random.uniform(ks[2], (E,), dtype=jnp.float32) * 1000.0
    edge_feat = jax.random.normal(ks[3], (E, D_EDGE), dtype=jnp.float32)
    edge_dst = jax.random.randint(ks[4], (E,), 0, N_DST)
    time_w = jnp.asarray((1.0 / 10 ** np.linspace(0, 9, D_TIME, dtype=np.float32)).reshape(D_TIME, 1))
    time_b = jnp.zeros((D_TIME,), dtype=jnp.float32)

    def lin(k, dout, din):
        s = 1.0 / float(np.sqrt(din))
        kw, kb = jax.random.split(k)
        W = jax.random.uniform(kw, (dout, din), minval=-s, maxval=s, dtype=jnp.float32)
        b = jax.random.uniform(kb, (dout,), minval=-s, maxval=s, dtype=jnp.float32)
        return W, b

    Wq, bq = lin(ks[5], D_OUT, D_NODE + D_TIME)
    Wk, bk = lin(ks[6], D_OUT, D_NODE + D_EDGE + D_TIME)
    Wv, bv = lin(ks[7], D_OUT, D_NODE + D_EDGE + D_TIME)
    Wo, bo = lin(ks[8], D_OUT, D_NODE + D_OUT)
    ln_g = jnp.ones((D_OUT,), dtype=jnp.float32)
    ln_b = jnp.zeros((D_OUT,), dtype=jnp.float32)
    return {"h": h, "src_idx": src_idx, "edge_dt": edge_dt, "edge_feat": edge_feat,
            "edge_dst": edge_dst, "num_dst": N_DST, "time_w": time_w, "time_b": time_b,
            "Wq": Wq, "bq": bq, "Wk": Wk, "bk": bk, "Wv": Wv, "bv": bv,
            "Wo": Wo, "bo": bo, "ln_g": ln_g, "ln_b": ln_b}


def reference(h, src_idx, edge_dt, edge_feat, edge_dst, num_dst, time_w, time_b,
              Wq, bq, Wk, bk, Wv, bv, Wo, bo, ln_g, ln_b):
    nd = h.shape[0] - edge_dst.shape[0]
    # TimeEncode: cos(Linear(t))
    time_feat = jnp.cos(edge_dt.reshape(-1, 1) @ time_w.T + time_b)
    zero_time = jnp.zeros((nd, 1), jnp.float32) * jnp.asarray(num_dst, jnp.float32)
    zero_time_feat = jnp.cos(zero_time @ time_w.T + time_b)
    # gather src features (b.srcdata['h'][b.src_idx_cuda])
    src_data = h[src_idx]
    q_data = src_data[:nd]
    kv_data = src_data[nd:]
    Qn = jnp.concatenate([q_data, zero_time_feat], axis=1) @ Wq.T + bq
    Q = Qn[edge_dst]  # per-edge gather of dst query
    kv_in = jnp.concatenate([kv_data, edge_feat, time_feat], axis=1)
    K = kv_in @ Wk.T + bk
    V = kv_in @ Wv.T + bv
    Q = Q.reshape(Q.shape[0], N_HEAD, -1)
    K = K.reshape(K.shape[0], N_HEAD, -1)
    V = V.reshape(V.shape[0], N_HEAD, -1)
    logits = jax.nn.leaky_relu(jnp.sum(Q * K, axis=2), 0.2)  # [E, H]
    # dgl.ops.edge_softmax: softmax over edges grouped by dst node
    m = jax.ops.segment_max(logits, edge_dst, num_segments=nd)
    m = jnp.where(jnp.isfinite(m), m, 0.0)
    ex = jnp.exp(logits - m[edge_dst])
    den = jax.ops.segment_sum(ex, edge_dst, num_segments=nd)
    att = ex / jnp.maximum(den[edge_dst], 1e-16)
    Vw = (V * att[:, :, None]).reshape(V.shape[0], -1)
    # update_all(copy_e, sum): scatter-add edge messages to dst nodes
    dst_h = jax.ops.segment_sum(Vw, edge_dst, num_segments=nd)
    rst = jnp.concatenate([dst_h, src_data[:nd]], axis=1) @ Wo.T + bo
    rst = jax.nn.relu(rst)  # dropout is identity (p=0)
    mu = jnp.mean(rst, axis=-1, keepdims=True)
    var = jnp.var(rst, axis=-1, keepdims=True)
    return (rst - mu) / jnp.sqrt(var + 1e-5) * ln_g + ln_b

if __name__ == "__main__":
    import jax
    _d = setup_inputs()
    print(jax.jit(kernel)(*tuple(_d.values())))

</pallas_src>

<mosaic_0001>
#map = affine_map<(d0, d1) -> (0, 0)>
#map1 = affine_map<(d0, d1) -> (0)>
module attributes {stable_mosaic.version = 14 : i64} {
  func.func @gk(%arg0: i32, %arg1: i32, %arg2: memref<330000x128xf32, #tpu.memory_space<hbm>>, %arg3: memref<330240xi32, #tpu.memory_space<hbm>>, %arg4: memref<330240x128xf32, #tpu.memory_space<hbm>>, %arg5: memref<10320xi32, #tpu.memory_space<vmem>>, %arg6: memref<120x128xf32, #tpu.memory_space<vmem>>, %arg7: memref<120x128xf32, #tpu.memory_space<vmem>>, %arg8: memref<!tpu.dma_semaphore, #tpu.memory_space<semaphore_mem>>, %arg9: memref<!tpu.dma_semaphore, #tpu.memory_space<semaphore_mem>>, %arg10: memref<!tpu.dma_semaphore, #tpu.memory_space<semaphore_mem>>, %arg11: memref<!tpu.dma_semaphore, #tpu.memory_space<semaphore_mem>>) attributes {dimension_semantics = [#tpu.dimension_semantics<core_parallel>, #tpu.dimension_semantics<subcore_parallel>], iteration_bounds = array<i64: 2, 16>, scalar_prefetch = 0 : i64, scratch_operands = 7 : i64, tpu.core_type = #tpu.core_type<sc_vector_subcore>, window_params = [{transform_indices = #map}, {transform_indices = #map1}, {transform_indices = #map}]} {
    %mul3A = arith.constant 2 : i32
    %mul3A_0 = arith.muli %arg1, %mul3A : i32
    %add3A = arith.addi %mul3A_0, %arg0 : i32
    %mul3A_1 = arith.constant 10320 : i32
    %mul3A_2 = arith.muli %add3A, %mul3A_1 : i32
    "tpu.region"() ({
      %run_scoped3A = tpu.sem_alloc : memref<!tpu.dma_semaphore, #tpu.memory_space<semaphore_mem>>
      %dma_start3A_17 = tpu.memref_slice %arg3[%mul3A_2] : memref<330240xi32, #tpu.memory_space<hbm>> -> memref<10320xi32, #tpu.memory_space<hbm>>
      %dma_start3A_18 = tpu.memref_slice %arg3[%mul3A_2] : memref<330240xi32, #tpu.memory_space<hbm>> -> memref<10320xi32, #tpu.memory_space<hbm>>
      tpu.enqueue_dma source(%dma_start3A_18 : memref<10320xi32, #tpu.memory_space<hbm>>) target(%arg5 : memref<10320xi32, #tpu.memory_space<vmem>>) target_semaphore(%run_scoped3A : memref<!tpu.dma_semaphore, #tpu.memory_space<semaphore_mem>>)
      %dma_wait3A = tpu.memref_slice %arg3[%mul3A_2] : memref<330240xi32, #tpu.memory_space<hbm>> -> memref<10320xi32, #tpu.memory_space<hbm>>
      %dma_wait3A_19 = tpu.memref_slice %arg3[%mul3A_2] : memref<330240xi32, #tpu.memory_space<hbm>> -> memref<10320xi32, #tpu.memory_space<hbm>>
      tpu.wait_dma2 semaphore(%run_scoped3A : memref<!tpu.dma_semaphore, #tpu.memory_space<semaphore_mem>>) src(%dma_wait3A_19 : memref<10320xi32, #tpu.memory_space<hbm>>) dst(%arg5 : memref<10320xi32, #tpu.memory_space<vmem>>)
      tpu.yield
    }) : () -> ()
    %dma_start3A = arith.constant 0 : i32
    %dma_start3A_3 = tpu.memref_slice %arg5[%dma_start3A] : memref<10320xi32, #tpu.memory_space<vmem>> -> memref<120xi32, #tpu.memory_space<vmem>>
    %dma_start3A_4 = arith.constant 0 : i32
    %dma_start3A_5 = arith.constant 0 : i32
    %dma_start3A_6 = tpu.memref_slice %arg2[%dma_start3A_4, %dma_start3A_5] : memref<330000x128xf32, #tpu.memory_space<hbm>> -> memref<330000x128xf32, #tpu.memory_space<hbm>>
    tpu.enqueue_indirect_dma source(%dma_start3A_6 : memref<330000x128xf32, #tpu.memory_space<hbm>>) target(%arg6 : memref<120x128xf32, #tpu.memory_space<vmem>>) offsets(%dma_start3A_3 : memref<120xi32, #tpu.memory_space<vmem>>) semaphore(%arg8 : memref<!tpu.dma_semaphore, #tpu.memory_space<semaphore_mem>>)
    %dma_start3A_7 = arith.constant 120 : i32
    %dma_start3A_8 = tpu.memref_slice %arg5[%dma_start3A_7] : memref<10320xi32, #tpu.memory_space<vmem>> -> memref<120xi32, #tpu.memory_space<vmem>>
    %dma_start3A_9 = arith.constant 0 : i32
    %dma_start3A_10 = arith.constant 0 : i32
    %dma_start3A_11 = tpu.memref_slice %arg2[%dma_start3A_9, %dma_start3A_10] : memref<330000x128xf32, #tpu.memory_space<hbm>> -> memref<330000x128xf32, #tpu.memory_space<hbm>>
    tpu.enqueue_indirect_dma source(%dma_start3A_11 : memref<330000x128xf32, #tpu.memory_space<hbm>>) target(%arg7 : memref<120x128xf32, #tpu.memory_space<vmem>>) offsets(%dma_start3A_8 : memref<120xi32, #tpu.memory_space<vmem>>) semaphore(%arg9 : memref<!tpu.dma_semaphore, #tpu.memory_space<semaphore_mem>>)
    %scan3A = arith.constant 0 : i32
    %scan3A_12 = arith.constant 0 : i32
    %scan3A_13 = arith.constant 43 : i32
    %scan3A_14 = arith.addi %scan3A_12, %scan3A_13 : i32
    %scan3A_15 = arith.constant 1 : i32
    scf.for %scan3A_17 = %scan3A_12 to %scan3A_14 step %scan3A_15  : i32 {
      %mul3A_18 = arith.constant 2 : i32
      %mul3A_19 = arith.muli %scan3A_17, %mul3A_18 : i32
      %add3A_20 = arith.constant 0 : i32
      %add3A_21 = arith.addi %mul3A_19, %add3A_20 : i32
      %mul3A_22 = arith.constant 120 : i32
      %mul3A_23 = arith.muli %add3A_21, %mul3A_22 : i32
      %add3A_24 = arith.addi %mul3A_2, %mul3A_23 : i32
      %dma_wait3A = arith.constant 0 : i32
      %dma_wait3A_25 = tpu.memref_slice %arg4[%add3A_24, %dma_wait3A] : memref<330240x128xf32, #tpu.memory_space<hbm>> -> memref<120x128xf32, #tpu.memory_space<hbm>>
      %dma_wait3A_26 = arith.constant 0 : i32
      %dma_wait3A_27 = tpu.memref_slice %arg4[%add3A_24, %dma_wait3A_26] : memref<330240x128xf32, #tpu.memory_space<hbm>> -> memref<120x128xf32, #tpu.memory_space<hbm>>
      tpu.wait_dma2 semaphore(%arg8 : memref<!tpu.dma_semaphore, #tpu.memory_space<semaphore_mem>>) src(%arg6 : memref<120x128xf32, #tpu.memory_space<vmem>>) dst(%dma_wait3A_27 : memref<120x128xf32, #tpu.memory_space<hbm>>)
      %dma_start3A_28 = arith.constant 0 : i32
      %dma_start3A_29 = tpu.memref_slice %arg4[%add3A_24, %dma_start3A_28] : memref<330240x128xf32, #tpu.memory_space<hbm>> -> memref<120x128xf32, #tpu.memory_space<hbm>>
      %dma_start3A_30 = arith.constant 0 : i32
      %dma_start3A_31 = tpu.memref_slice %arg4[%add3A_24, %dma_start3A_30] : memref<330240x128xf32, #tpu.memory_space<hbm>> -> memref<120x128xf32, #tpu.memory_space<hbm>>
      tpu.enqueue_dma source(%arg6 : memref<120x128xf32, #tpu.memory_space<vmem>>) target(%dma_start3A_31 : memref<120x128xf32, #tpu.memory_space<hbm>>) target_semaphore(%arg10 : memref<!tpu.dma_semaphore, #tpu.memory_space<semaphore_mem>>)
      %dma_wait3A_32 = arith.constant 0 : i32
      %dma_wait3A_33 = tpu.memref_slice %arg4[%add3A_24, %dma_wait3A_32] : memref<330240x128xf32, #tpu.memory_space<hbm>> -> memref<120x128xf32, #tpu.memory_space<hbm>>
      %dma_wait3A_34 = arith.constant 0 : i32
      %dma_wait3A_35 = tpu.memref_slice %arg4[%add3A_24, %dma_wait3A_34] : memref<330240x128xf32, #tpu.memory_space<hbm>> -> memref<120x128xf32, #tpu.memory_space<hbm>>
      tpu.wait_dma2 semaphore(%arg10 : memref<!tpu.dma_semaphore, #tpu.memory_space<semaphore_mem>>) src(%arg6 : memref<120x128xf32, #tpu.memory_space<vmem>>) dst(%dma_wait3A_35 : memref<120x128xf32, #tpu.memory_space<hbm>>)
      %add3A_36 = arith.constant 2 : i32
      %add3A_37 = arith.addi %add3A_21, %add3A_36 : i32
      %lt3A = arith.constant 86 : i32
      %lt3A_38 = arith.cmpi slt, %add3A_37, %lt3A : i32
      %convert_element_type3A = arith.extui %lt3A_38 : i1 to i32
      %cond3A = arith.constant 0 : i32
      %cond3A_39 = arith.cmpi ne, %convert_element_type3A, %cond3A : i32
      scf.if %cond3A_39 {
        %add3A_66 = arith.constant 2 : i32
        %add3A_67 = arith.addi %add3A_21, %add3A_66 : i32
        %mul3A_68 = arith.constant 120 : i32
        %mul3A_69 = arith.muli %add3A_67, %mul3A_68 : i32
        %dma_start3A_70 = tpu.memref_slice %arg5[%mul3A_69] : memref<10320xi32, #tpu.memory_space<vmem>> -> memref<120xi32, #tpu.memory_space<vmem>>
        %dma_start3A_71 = arith.constant 0 : i32
        %dma_start3A_72 = arith.constant 0 : i32
        %dma_start3A_73 = tpu.memref_slice %arg2[%dma_start3A_71, %dma_start3A_72] : memref<330000x128xf32, #tpu.memory_space<hbm>> -> memref<330000x128xf32, #tpu.memory_space<hbm>>
        tpu.enqueue_indirect_dma source(%dma_start3A_73 : memref<330000x128xf32, #tpu.memory_space<hbm>>) target(%arg6 : memref<120x128xf32, #tpu.memory_space<vmem>>) offsets(%dma_start3A_70 : memref<120xi32, #tpu.memory_space<vmem>>) semaphore(%arg8 : memref<!tpu.dma_semaphore, #tpu.memory_space<semaphore_mem>>)
      } else {
      }
      %mul3A_40 = arith.constant 2 : i32
      %mul3A_41 = arith.muli %scan3A_17, %mul3A_40 : i32
      %add3A_42 = arith.constant 1 : i32
      %add3A_43 = arith.addi %mul3A_41, %add3A_42 : i32
      %mul3A_44 = arith.constant 120 : i32
      %mul3A_45 = arith.muli %add3A_43, %mul3A_44 : i32
      %add3A_46 = arith.addi %mul3A_2, %mul3A_45 : i32
      %dma_wait3A_47 = arith.constant 0 : i32
      %dma_wait3A_48 = tpu.memref_slice %arg4[%add3A_46, %dma_wait3A_47] : memref<330240x128xf32, #tpu.memory_space<hbm>> -> memref<120x128xf32, #tpu.memory_space<hbm>>
      %dma_wait3A_49 = arith.constant 0 : i32
      %dma_wait3A_50 = tpu.memref_slice %arg4[%add3A_46, %dma_wait3A_49] : memref<330240x128xf32, #tpu.memory_space<hbm>> -> memref<120x128xf32, #tpu.memory_space<hbm>>
      tpu.wait_dma2 semaphore(%arg9 : memref<!tpu.dma_semaphore, #tpu.memory_space<semaphore_mem>>) src(%arg7 : memref<120x128xf32, #tpu.memory_space<vmem>>) dst(%dma_wait3A_50 : memref<120x128xf32, #tpu.memory_space<hbm>>)
      %dma_start3A_51 = arith.constant 0 : i32
      %dma_start3A_52 = tpu.memref_slice %arg4[%add3A_46, %dma_start3A_51] : memref<330240x128xf32, #tpu.memory_space<hbm>> -> memref<120x128xf32, #tpu.memory_space<hbm>>
      %dma_start3A_53 = arith.constant 0 : i32
      %dma_start3A_54 = tpu.memref_slice %arg4[%add3A_46, %dma_start3A_53] : memref<330240x128xf32, #tpu.memory_space<hbm>> -> memref<120x128xf32, #tpu.memory_space<hbm>>
      tpu.enqueue_dma source(%arg7 : memref<120x128xf32, #tpu.memory_space<vmem>>) target(%dma_start3A_54 : memref<120x128xf32, #tpu.memory_space<hbm>>) target_semaphore(%arg11 : memref<!tpu.dma_semaphore, #tpu.memory_space<semaphore_mem>>)
      %dma_wait3A_55 = arith.constant 0 : i32
      %dma_wait3A_56 = tpu.memref_slice %arg4[%add3A_46, %dma_wait3A_55] : memref<330240x128xf32, #tpu.memory_space<hbm>> -> memref<120x128xf32, #tpu.memory_space<hbm>>
      %dma_wait3A_57 = arith.constant 0 : i32
      %dma_wait3A_58 = tpu.memref_slice %arg4[%add3A_46, %dma_wait3A_57] : memref<330240x128xf32, #tpu.memory_space<hbm>> -> memref<120x128xf32, #tpu.memory_space<hbm>>
      tpu.wait_dma2 semaphore(%arg11 : memref<!tpu.dma_semaphore, #tpu.memory_space<semaphore_mem>>) src(%arg7 : memref<120x128xf32, #tpu.memory_space<vmem>>) dst(%dma_wait3A_58 : memref<120x128xf32, #tpu.memory_space<hbm>>)
      %add3A_59 = arith.constant 2 : i32
      %add3A_60 = arith.addi %add3A_43, %add3A_59 : i32
      %lt3A_61 = arith.constant 86 : i32
      %lt3A_62 = arith.cmpi slt, %add3A_60, %lt3A_61 : i32
      %convert_element_type3A_63 = arith.extui %lt3A_62 : i1 to i32
      %cond3A_64 = arith.constant 0 : i32
      %cond3A_65 = arith.cmpi ne, %convert_element_type3A_63, %cond3A_64 : i32
      scf.if %cond3A_65 {
        %add3A_66 = arith.constant 2 : i32
        %add3A_67 = arith.addi %add3A_43, %add3A_66 : i32
        %mul3A_68 = arith.constant 120 : i32
        %mul3A_69 = arith.muli %add3A_67, %mul3A_68 : i32
        %dma_start3A_70 = tpu.memref_slice %arg5[%mul3A_69] : memref<10320xi32, #tpu.memory_space<vmem>> -> memref<120xi32, #tpu.memory_space<vmem>>
        %dma_start3A_71 = arith.constant 0 : i32
        %dma_start3A_72 = arith.constant 0 : i32
        %dma_start3A_73 = tpu.memref_slice %arg2[%dma_start3A_71, %dma_start3A_72] : memref<330000x128xf32, #tpu.memory_space<hbm>> -> memref<330000x128xf32, #tpu.memory_space<hbm>>
        tpu.enqueue_indirect_dma source(%dma_start3A_73 : memref<330000x128xf32, #tpu.memory_space<hbm>>) target(%arg7 : memref<120x128xf32, #tpu.memory_space<vmem>>) offsets(%dma_start3A_70 : memref<120xi32, #tpu.memory_space<vmem>>) semaphore(%arg9 : memref<!tpu.dma_semaphore, #tpu.memory_space<semaphore_mem>>)
      } else {
      }
    }
    %scan3A_16 = arith.constant 43 : i32
    return
  }
}

#map = affine_map<(d0, d1) -> (0, 0)>
#map1 = affine_map<(d0, d1) -> (0)>
module attributes {stable_mosaic.version = 14 : i64} {
  func.func @sk(%arg0: i32, %arg1: i32, %arg2: memref<320000x128xf32, #tpu.memory_space<hbm>>, %arg3: memref<320000x128xf32, #tpu.memory_space<hbm>>, %arg4: memref<320000xi32, #tpu.memory_space<hbm>>, %arg5: memref<632x128xf32, #tpu.memory_space<hbm>>, %arg6: memref<10112x128xf32, #tpu.memory_space<hbm>>, %arg7: memref<10112x128xf32, #tpu.memory_space<hbm>>, %arg8: memref<80xi32, #tpu.memory_space<vmem>>, %arg9: memref<80xi32, #tpu.memory_space<vmem>>, %arg10: memref<80xi32, #tpu.memory_space<vmem>>, %arg11: memref<80xi32, #tpu.memory_space<vmem>>, %arg12: memref<80x128xf32, #tpu.memory_space<vmem>>, %arg13: memref<80x128xf32, #tpu.memory_space<vmem>>, %arg14: memref<80x128xf32, #tpu.memory_space<vmem>>, %arg15: memref<80x128xf32, #tpu.memory_space<vmem>>, %arg16: memref<!tpu.dma_semaphore, #tpu.memory_space<semaphore_mem>>, %arg17: memref<!tpu.dma_semaphore, #tpu.memory_space<semaphore_mem>>, %arg18: memref<!tpu.dma_semaphore, #tpu.memory_space<semaphore_mem>>, %arg19: memref<!tpu.dma_semaphore, #tpu.memory_space<semaphore_mem>>, %arg20: memref<!tpu.dma_semaphore, #tpu.memory_space<semaphore_mem>>, %arg21: memref<!tpu.dma_semaphore, #tpu.memory_space<semaphore_mem>>, %arg22: memref<!tpu.dma_semaphore, #tpu.memory_space<semaphore_mem>>, %arg23: memref<!tpu.dma_semaphore, #tpu.memory_space<semaphore_mem>>, %arg24: memref<!tpu.dma_semaphore, #tpu.memory_space<semaphore_mem>>, %arg25: memref<!tpu.dma_semaphore, #tpu.memory_space<semaphore_mem>>, %arg26: memref<!tpu.dma_semaphore, #tpu.memory_space<semaphore_mem>>, %arg27: memref<!tpu.dma_semaphore, #tpu.memory_space<semaphore_mem>>, %arg28: memref<10112x128xf32, #tpu.memory_space<vmem_shared>>) attributes {dimension_semantics = [#tpu.dimension_semantics<core_parallel>, #tpu.dimension_semantics<subcore_parallel>], iteration_bounds = array<i64: 2, 16>, scalar_prefetch = 0 : i64, scratch_operands = 21 : i64, tpu.core_type = #tpu.core_type<sc_vector_subcore>, window_params = [{transform_indices = #map}, {transform_indices = #map}, {transform_indices = #map1}, {transform_indices = #map}, {transform_indices = #map}, {transform_indices = #map}]} {
    %mul3A = arith.constant 632 : i32
    %mul3A_0 = arith.muli %arg1, %mul3A : i32
    "tpu.region"() ({
      %run_scoped3A = tpu.sem_alloc : memref<!tpu.dma_semaphore, #tpu.memory_space<semaphore_mem>>
      %dma_start3A = arith.constant 0 : i32
      %dma_start3A_21 = tpu.memref_slice %arg28[%mul3A_0, %dma_start3A] : memref<10112x128xf32, #tpu.memory_space<vmem_shared>> -> memref<632x128xf32, #tpu.memory_space<vmem_shared>>
      tpu.enqueue_dma source(%arg5 : memref<632x128xf32, #tpu.memory_space<hbm>>) target(%dma_start3A_21 : memref<632x128xf32, #tpu.memory_space<vmem_shared>>) target_semaphore(%run_scoped3A : memref<!tpu.dma_semaphore, #tpu.memory_space<semaphore_mem>>)
      %dma_wait3A = arith.constant 0 : i32
      %dma_wait3A_22 = tpu.memref_slice %arg28[%mul3A_0, %dma_wait3A] : memref<10112x128xf32, #tpu.memory_space<vmem_shared>> -> memref<632x128xf32, #tpu.memory_space<vmem_shared>>
      tpu.wait_dma2 semaphore(%run_scoped3A : memref<!tpu.dma_semaphore, #tpu.memory_space<semaphore_mem>>) src(%arg5 : memref<632x128xf32, #tpu.memory_space<hbm>>) dst(%dma_wait3A_22 : memref<632x128xf32, #tpu.memory_space<vmem_shared>>)
      tpu.yield
    }) : () -> ()
    %barrier3A = arith.constant 0 : index
    tpu.barrier barrier_id(%barrier3A)
    %mul3A_1 = arith.constant 20000 : i32
    %mul3A_2 = arith.muli %arg1, %mul3A_1 : i32
    %eq3A = arith.constant 0 : i32
    %eq3A_3 = arith.cmpi eq, %arg0, %eq3A : i32
    %convert_element_type3A = arith.extui %eq3A_3 : i1 to i32
    %cond3A = arith.constant 0 : i32
    %cond3A_4 = arith.cmpi ne, %convert_element_type3A, %cond3A : i32
    scf.if %cond3A_4 {
      %add3A = arith.constant 0 : i32
      %add3A_21 = arith.addi %mul3A_2, %add3A : i32
      %dma_start3A = tpu.memref_slice %arg4[%add3A_21] : memref<320000xi32, #tpu.memory_space<hbm>> -> memref<80xi32, #tpu.memory_space<hbm>>
      %dma_start3A_22 = tpu.memref_slice %arg4[%add3A_21] : memref<320000xi32, #tpu.memory_space<hbm>> -> memref<80xi32, #tpu.memory_space<hbm>>
      tpu.enqueue_dma source(%dma_start3A_22 : memref<80xi32, #tpu.memory_space<hbm>>) target(%arg8 : memref<80xi32, #tpu.memory_space<vmem>>) target_semaphore(%arg16 : memref<!tpu.dma_semaphore, #tpu.memory_space<semaphore_mem>>)
      %add3A_23 = arith.constant 0 : i32
      %add3A_24 = arith.addi %mul3A_2, %add3A_23 : i32
      %dma_start3A_25 = arith.constant 0 : i32
      %dma_start3A_26 = tpu.memref_slice %arg2[%add3A_24, %dma_start3A_25] : memref<320000x128xf32, #tpu.memory_space<hbm>> -> memref<80x128xf32, #tpu.memory_space<hbm>>
      %dma_start3A_27 = arith.constant 0 : i32
      %dma_start3A_28 = tpu.memref_slice %arg2[%add3A_24, %dma_start3A_27] : memref<320000x128xf32, #tpu.memory_space<hbm>> -> memref<80x128xf32, #tpu.memory_space<hbm>>
      tpu.enqueue_dma source(%dma_start3A_28 : memref<80x128xf32, #tpu.memory_space<hbm>>) target(%arg12 : memref<80x128xf32, #tpu.memory_space<vmem>>) target_semaphore(%arg20 : memref<!tpu.dma_semaphore, #tpu.memory_space<semaphore_mem>>)
      %add3A_29 = arith.constant 80 : i32
      %add3A_30 = arith.addi %mul3A_2, %add3A_29 : i32
      %dma_start3A_31 = tpu.memref_slice %arg4[%add3A_30] : memref<320000xi32, #tpu.memory_space<hbm>> -> memref<80xi32, #tpu.memory_space<hbm>>
      %dma_start3A_32 = tpu.memref_slice %arg4[%add3A_30] : memref<320000xi32, #tpu.memory_space<hbm>> -> memref<80xi32, #tpu.memory_space<hbm>>
      tpu.enqueue_dma source(%dma_start3A_32 : memref<80xi32, #tpu.memory_space<hbm>>) target(%arg9 : memref<80xi32, #tpu.memory_space<vmem>>) target_semaphore(%arg17 : memref<!tpu.dma_semaphore, #tpu.memory_space<semaphore_mem>>)
      %add3A_33 = arith.constant 80 : i32
      %add3A_34 = arith.addi %mul3A_2, %add3A_33 : i32
      %dma_start3A_35 = arith.constant 0 : i32
      %dma_start3A_36 = tpu.memref_slice %arg2[%add3A_34, %dma_start3A_35] : memref<320000x128xf32, #tpu.memory_space<hbm>> -> memref<80x128xf32, #tpu.memory_space<hbm>>
      %dma_start3A_37 = arith.constant 0 : i32
      %dma_start3A_38 = tpu.memref_slice %arg2[%add3A_34, %dma_start3A_37] : memref<320000x128xf32, #tpu.memory_space<hbm>> -> memref<80x128xf32, #tpu.memory_space<hbm>>
      tpu.enqueue_dma source(%dma_start3A_38 : memref<80x128xf32, #tpu.memory_space<hbm>>) target(%arg13 : memref<80x128xf32, #tpu.memory_space<vmem>>) target_semaphore(%arg21 : memref<!tpu.dma_semaphore, #tpu.memory_space<semaphore_mem>>)
      %dma_wait3A = tpu.memref_slice %arg4[%mul3A_2] : memref<320000xi32, #tpu.memory_space<hbm>> -> memref<80xi32, #tpu.memory_space<hbm>>
      %dma_wait3A_39 = tpu.memref_slice %arg4[%mul3A_2] : memref<320000xi32, #tpu.memory_space<hbm>> -> memref<80xi32, #tpu.memory_space<hbm>>
      tpu.wait_dma2 semaphore(%arg16 : memref<!tpu.dma_semaphore, #tpu.memory_space<semaphore_mem>>) src(%dma_wait3A_39 : memref<80xi32, #tpu.memory_space<hbm>>) dst(%arg8 : memref<80xi32, #tpu.memory_space<vmem>>)
      %dma_wait3A_40 = arith.constant 0 : i32
      %dma_wait3A_41 = tpu.memref_slice %arg2[%mul3A_2, %dma_wait3A_40] : memref<320000x128xf32, #tpu.memory_space<hbm>> -> memref<80x128xf32, #tpu.memory_space<hbm>>
      %dma_wait3A_42 = arith.constant 0 : i32
      %dma_wait3A_43 = tpu.memref_slice %arg2[%mul3A_2, %dma_wait3A_42] : memref<320000x128xf32, #tpu.memory_space<hbm>> -> memref<80x128xf32, #tpu.memory_space<hbm>>
      tpu.wait_dma2 semaphore(%arg20 : memref<!tpu.dma_semaphore, #tpu.memory_space<semaphore_mem>>) src(%dma_wait3A_43 : memref<80x128xf32, #tpu.memory_space<hbm>>) dst(%arg12 : memref<80x128xf32, #tpu.memory_space<vmem>>)
      %dma_start3A_44 = arith.constant 0 : i32
      %dma_start3A_45 = arith.constant 0 : i32
      %dma_start3A_46 = tpu.memref_slice %arg28[%dma_start3A_44, %dma_start3A_45] : memref<10112x128xf32, #tpu.memory_space<vmem_shared>> -> memref<10112x128xf32, #tpu.memory_space<vmem_shared>>
      tpu.enqueue_indirect_dma source(%arg12 : memref<80x128xf32, #tpu.memory_space<vmem>>) target(%dma_start3A_46 : memref<10112x128xf32, #tpu.memory_space<vmem_shared>>) offsets(%arg8 : memref<80xi32, #tpu.memory_space<vmem>>) semaphore(%arg24 : memref<!tpu.dma_semaphore, #tpu.memory_space<semaphore_mem>>) {add = true}
      %add3A_47 = arith.constant 160 : i32
      %add3A_48 = arith.addi %mul3A_2, %add3A_47 : i32
      %dma_start3A_49 = tpu.memref_slice %arg4[%add3A_48] : memref<320000xi32, #tpu.memory_space<hbm>> -> memref<80xi32, #tpu.memory_space<hbm>>
      %dma_start3A_50 = tpu.memref_slice %arg4[%add3A_48] : memref<320000xi32, #tpu.memory_space<hbm>> -> memref<80xi32, #tpu.memory_space<hbm>>
      tpu.enqueue_dma source(%dma_start3A_50 : memref<80xi32, #tpu.memory_space<hbm>>) target(%arg10 : memref<80xi32, #tpu.memory_space<vmem>>) target_semaphore(%arg18 : memref<!tpu.dma_semaphore, #tpu.memory_space<semaphore_mem>>)
      %add3A_51 = arith.constant 160 : i32
      %add3A_52 = arith.addi %mul3A_2, %add3A_51 : i32
      %dma_start3A_53 = arith.constant 0 : i32
      %dma_start3A_54 = tpu.memref_slice %arg2[%add3A_52, %dma_start3A_53] : memref<320000x128xf32, #tpu.memory_space<hbm>> -> memref<80x128xf32, #tpu.memory_space<hbm>>
      %dma_start3A_55 = arith.constant 0 : i32
      %dma_start3A_56 = tpu.memref_slice %arg2[%add3A_52, %dma_start3A_55] : memref<320000x128xf32, #tpu.memory_space<hbm>> -> memref<80x128xf32, #tpu.memory_space<hbm>>
      tpu.enqueue_dma source(%dma_start3A_56 : memref<80x128xf32, #tpu.memory_space<hbm>>) target(%arg14 : memref<80x128xf32, #tpu.memory_space<vmem>>) target_semaphore(%arg22 : memref<!tpu.dma_semaphore, #tpu.memory_space<semaphore_mem>>)
      %dma_wait3A_57 = tpu.memref_slice %arg4[%mul3A_2] : memref<320000xi32, #tpu.memory_space<hbm>> -> memref<80xi32, #tpu.memory_space<hbm>>
      %dma_wait3A_58 = tpu.memref_slice %arg4[%mul3A_2] : memref<320000xi32, #tpu.memory_space<hbm>> -> memref<80xi32, #tpu.memory_space<hbm>>
      tpu.wait_dma2 semaphore(%arg17 : memref<!tpu.dma_semaphore, #tpu.memory_space<semaphore_mem>>) src(%dma_wait3A_58 : memref<80xi32, #tpu.memory_space<hbm>>) dst(%arg9 : memref<80xi32, #tpu.memory_space<vmem>>)
      %dma_wait3A_59 = arith.constant 0 : i32
      %dma_wait3A_60 = tpu.memref_slice %arg2[%mul3A_2, %dma_wait3A_59] : memref<320000x128xf32, #tpu.memory_space<hbm>> -> memref<80x128xf32, #tpu.memory_space<hbm>>
      %dma_wait3A_61 = arith.constant 0 : i32
      %dma_wait3A_62 = tpu.memref_slice %arg2[%mul3A_2, %dma_wait3A_61] : memref<320000x128xf32, #tpu.memory_space<hbm>> -> memref<80x128xf32, #tpu.memory_space<hbm>>
      tpu.wait_dma2 semaphore(%arg21 : memref<!tpu.dma_semaphore, #tpu.memory_space<semaphore_mem>>) src(%dma_wait3A_62 : memref<80x128xf32, #tpu.memory_space<hbm>>) dst(%arg13 : memref<80x128xf32, #tpu.memory_space<vmem>>)
      %dma_start3A_63 = arith.constant 0 : i32
      %dma_start3A_64 = arith.constant 0 : i32
      %dma_start3A_65 = tpu.memref_slice %arg28[%dma_start3A_63, %dma_start3A_64] : memref<10112x128xf32, #tpu.memory_space<vmem_shared>> -> memref<10112x128xf32, #tpu.memory_space<vmem_shared>>
      tpu.enqueue_indirect_dma source(%arg13 : memref<80x128xf32, #tpu.memory_space<vmem>>) target(%dma_start3A_65 : memref<10112x128xf32, #tpu.memory_space<vmem_shared>>) offsets(%arg9 : memref<80xi32, #tpu.memory_space<vmem>>) semaphore(%arg25 : memref<!tpu.dma_semaphore, #tpu.memory_space<semaphore_mem>>) {add = true}
      %add3A_66 = arith.constant 240 : i32
      %add3A_67 = arith.addi %mul3A_2, %add3A_66 : i32
      %dma_start3A_68 = tpu.memref_slice %arg4[%add3A_67] : memref<320000xi32, #tpu.memory_space<hbm>> -> memref<80xi32, #tpu.memory_space<hbm>>
      %dma_start3A_69 = tpu.memref_slice %arg4[%add3A_67] : memref<320000xi32, #tpu.memory_space<hbm>> -> memref<80xi32, #tpu.memory_space<hbm>>
      tpu.enqueue_dma source(%dma_start3A_69 : memref<80xi32, #tpu.memory_space<hbm>>) target(%arg11 : memref<80xi32, #tpu.memory_space<vmem>>) target_semaphore(%arg19 : memref<!tpu.dma_semaphore, #tpu.memory_space<semaphore_mem>>)
      %add3A_70 = arith.constant 240 : i32
      %add3A_71 = arith.addi %mul3A_2, %add3A_70 : i32
      %dma_start3A_72 = arith.constant 0 : i32
      %dma_start3A_73 = tpu.memref_slice %arg2[%add3A_71, %dma_start3A_72] : memref<320000x128xf32, #tpu.memory_space<hbm>> -> memref<80x128xf32, #tpu.memory_space<hbm>>
      %dma_start3A_74 = arith.constant 0 : i32
      %dma_start3A_75 = tpu.memref_slice %arg2[%add3A_71, %dma_start3A_74] : memref<320000x128xf32, #tpu.memory_space<hbm>> -> memref<80x128xf32, #tpu.memory_space<hbm>>
      tpu.enqueue_dma source(%dma_start3A_75 : memref<80x128xf32, #tpu.memory_space<hbm>>) target(%arg15 : memref<80x128xf32, #tpu.memory_space<vmem>>) target_semaphore(%arg23 : memref<!tpu.dma_semaphore, #tpu.memory_space<semaphore_mem>>)
      %dma_wait3A_76 = tpu.memref_slice %arg4[%mul3A_2] : memref<320000xi32, #tpu.memory_space<hbm>> -> memref<80xi32, #tpu.memory_space<hbm>>
      %dma_wait3A_77 = tpu.memref_slice %arg4[%mul3A_2] : memref<320000xi32, #tpu.memory_space<hbm>> -> memref<80xi32, #tpu.memory_space<hbm>>
      tpu.wait_dma2 semaphore(%arg18 : memref<!tpu.dma_semaphore, #tpu.memory_space<semaphore_mem>>) src(%dma_wait3A_77 : memref<80xi32, #tpu.memory_space<hbm>>) dst(%arg10 : memref<80xi32, #tpu.memory_space<vmem>>)
      %dma_wait3A_78 = arith.constant 0 : i32
      %dma_wait3A_79 = tpu.memref_slice %arg2[%mul3A_2, %dma_wait3A_78] : memref<320000x128xf32, #tpu.memory_space<hbm>> -> memref<80x128xf32, #tpu.memory_space<hbm>>
      %dma_wait3A_80 = arith.constant 0 : i32
      %dma_wait3A_81 = tpu.memref_slice %arg2[%mul3A_2, %dma_wait3A_80] : memref<320000x128xf32, #tpu.memory_space<hbm>> -> memref<80x128xf32, #tpu.memory_space<hbm>>
      tpu.wait_dma2 semaphore(%arg22 : memref<!tpu.dma_semaphore, #tpu.memory_space<semaphore_mem>>) src(%dma_wait3A_81 : memref<80x128xf32, #tpu.memory_space<hbm>>) dst(%arg14 : memref<80x128xf32, #tpu.memory_space<vmem>>)
      %dma_start3A_82 = arith.constant 0 : i32
      %dma_start3A_83 = arith.constant 0 : i32
      %dma_start3A_84 = tpu.memref_slice %arg28[%dma_start3A_82, %dma_start3A_83] : memref<10112x128xf32, #tpu.memory_space<vmem_shared>> -> memref<10112x128xf32, #tpu.memory_space<vmem_shared>>
      tpu.enqueue_indirect_dma source(%arg14 : memref<80x128xf32, #tpu.memory_space<vmem>>) target(%dma_start3A_84 : memref<10112x128xf32, #tpu.memory_space<vmem_shared>>) offsets(%arg10 : memref<80xi32, #tpu.memory_space<vmem>>) semaphore(%arg26 : memref<!tpu.dma_semaphore, #tpu.memory_space<semaphore_mem>>) {add = true}
      %dma_wait3A_85 = arith.constant 0 : i32
      %dma_wait3A_86 = tpu.memref_slice %arg2[%mul3A_2, %dma_wait3A_85] : memref<320000x128xf32, #tpu.memory_space<hbm>> -> memref<80x128xf32, #tpu.memory_space<hbm>>
      %dma_wait3A_87 = arith.constant 0 : i32
      %dma_wait3A_88 = tpu.memref_slice %arg2[%mul3A_2, %dma_wait3A_87] : memref<320000x128xf32, #tpu.memory_space<hbm>> -> memref<80x128xf32, #tpu.memory_space<hbm>>
      tpu.wait_dma2 semaphore(%arg24 : memref<!tpu.dma_semaphore, #tpu.memory_space<semaphore_mem>>) src(%dma_wait3A_88 : memref<80x128xf32, #tpu.memory_space<hbm>>) dst(%arg12 : memref<80x128xf32, #tpu.memory_space<vmem>>)
      %add3A_89 = arith.constant 320 : i32
      %add3A_90 = arith.addi %mul3A_2, %add3A_89 : i32
      %dma_start3A_91 = tpu.memref_slice %arg4[%add3A_90] : memref<320000xi32, #tpu.memory_space<hbm>> -> memref<80xi32, #tpu.memory_space<hbm>>
      %dma_start3A_92 = tpu.memref_slice %arg4[%add3A_90] : memref<320000xi32, #tpu.memory_space<hbm>> -> memref<80xi32, #tpu.memory_space<hbm>>
      tpu.enqueue_dma source(%dma_start3A_92 : memref<80xi32, #tpu.memory_space<hbm>>) target(%arg8 : memref<80xi32, #tpu.memory_space<vmem>>) target_semaphore(%arg16 : memref<!tpu.dma_semaphore, #tpu.memory_space<semaphore_mem>>)
      %add3A_93 = arith.constant 320 : i32
      %add3A_94 = arith.addi %mul3A_2, %add3A_93 : i32
      %dma_start3A_95 = arith.constant 0 : i32
      %dma_start3A_96 = tpu.memref_slice %arg2[%add3A_94, %dma_start3A_95] : memref<320000x128xf32, #tpu.memory_space<hbm>> -> memref<80x128xf32, #tpu.memory_space<hbm>>
      %dma_start3A_97 = arith.constant 0 : i32
      %dma_start3A_98 = tpu.memref_slice %arg2[%add3A_94, %dma_start3A_97] : memref<320000x128xf32, #tpu.memory_space<hbm>> -> memref<80x128xf32, #tpu.memory_space<hbm>>
      tpu.enqueue_dma source(%dma_start3A_98 : memref<80x128xf32, #tpu.memory_space<hbm>>) target(%arg12 : memref<80x128xf32, #tpu.memory_space<vmem>>) target_semaphore(%arg20 : memref<!tpu.dma_semaphore, #tpu.memory_space<semaphore_mem>>)
      %dma_wait3A_99 = tpu.memref_slice %arg4[%mul3A_2] : memref<320000xi32, #tpu.memory_space<hbm>> -> memref<80xi32, #tpu.memory_space<hbm>>
      %dma_wait3A_100 = tpu.memref_slice %arg4[%mul3A_2] : memref<320000xi32, #tpu.memory_space<hbm>> -> memref<80xi32, #tpu.memory_space<hbm>>
      tpu.wait_dma2 semaphore(%arg19 : memref<!tpu.dma_semaphore, #tpu.memory_space<semaphore_mem>>) src(%dma_wait3A_100 : memref<80xi32, #tpu.memory_space<hbm>>) dst(%arg11 : memref<80xi32, #tpu.memory_space<vmem>>)
      %dma_wait3A_101 = arith.constant 0 : i32
      %dma_wait3A_102 = tpu.memref_slice %arg2[%mul3A_2, %dma_wait3A_101] : memref<320000x128xf32, #tpu.memory_space<hbm>> -> memref<80x128xf32, #tpu.memory_space<hbm>>
      %dma_wait3A_103 = arith.constant 0 : i32
      %dma_wait3A_104 = tpu.memref_slice %arg2[%mul3A_2, %dma_wait3A_103] : memref<320000x128xf32, #tpu.memory_space<hbm>> -> memref<80x128xf32, #tpu.memory_space<hbm>>
      tpu.wait_dma2 semaphore(%arg23 : memref<!tpu.dma_semaphore, #tpu.memory_space<semaphore_mem>>) src(%dma_wait3A_104 : memref<80x128xf32, #tpu.memory_space<hbm>>) dst(%arg15 : memref<80x128xf32, #tpu.memory_space<vmem>>)
      %dma_start3A_105 = arith.constant 0 : i32
      %dma_start3A_106 = arith.constant 0 : i32
      %dma_start3A_107 = tpu.memref_slice %arg28[%dma_start3A_105, %dma_start3A_106] : memref<10112x128xf32, #tpu.memory_space<vmem_shared>> -> memref<10112x128xf32, #tpu.memory_space<vmem_shared>>
      tpu.enqueue_indirect_dma source(%arg15 : memref<80x128xf32, #tpu.memory_space<vmem>>) target(%dma_start3A_107 : memref<10112x128xf32, #tpu.memory_space<vmem_shared>>) offsets(%arg11 : memref<80xi32, #tpu.memory_space<vmem>>) semaphore(%arg27 : memref<!tpu.dma_semaphore, #tpu.memory_space<semaphore_mem>>) {add = true}
      %dma_wait3A_108 = arith.constant 0 : i32
      %dma_wait3A_109 = tpu.memref_slice %arg2[%mul3A_2, %dma_wait3A_108] : memref<320000x128xf32, #tpu.memory_space<hbm>> -> memref<80x128xf32, #tpu.memory_space<hbm>>
      %dma_wait3A_110 = arith.constant 0 : i32
      %dma_wait3A_111 = tpu.memref_slice %arg2[%mul3A_2, %dma_wait3A_110] : memref<320000x128xf32, #tpu.memory_space<hbm>> -> memref<80x128xf32, #tpu.memory_space<hbm>>
      tpu.wait_dma2 semaphore(%arg25 : memref<!tpu.dma_semaphore, #tpu.memory_space<semaphore_mem>>) src(%dma_wait3A_111 : memref<80x128xf32, #tpu.memory_space<hbm>>) dst(%arg13 : memref<80x128xf32, #tpu.memory_space<vmem>>)
      %add3A_112 = arith.constant 400 : i32
      %add3A_113 = arith.addi %mul3A_2, %add3A_112 : i32
      %dma_start3A_114 = tpu.memref_slice %arg4[%add3A_113] : memref<320000xi32, #tpu.memory_space<hbm>> -> memref<80xi32, #tpu.memory_space<hbm>>
      %dma_start3A_115 = tpu.memref_slice %arg4[%add3A_113] : memref<320000xi32, #tpu.memory_space<hbm>> -> memref<80xi32, #tpu.memory_space<hbm>>
      tpu.enqueue_dma source(%dma_start3A_115 : memref<80xi32, #tpu.memory_space<hbm>>) target(%arg9 : memref<80xi32, #tpu.memory_space<vmem>>) target_semaphore(%arg17 : memref<!tpu.dma_semaphore, #tpu.memory_space<semaphore_mem>>)
      %add3A_116 = arith.constant 400 : i32
      %add3A_117 = arith.addi %mul3A_2, %add3A_116 : i32
      %dma_start3A_118 = arith.constant 0 : i32
      %dma_start3A_119 = tpu.memref_slice %arg2[%add3A_117, %dma_start3A_118] : memref<320000x128xf32, #tpu.memory_space<hbm>> -> memref<80x128xf32, #tpu.memory_space<hbm>>
      %dma_start3A_120 = arith.constant 0 : i32
      %dma_start3A_121 = tpu.memref_slice %arg2[%add3A_117, %dma_start3A_120] : memref<320000x128xf32, #tpu.memory_space<hbm>> -> memref<80x128xf32, #tpu.memory_space<hbm>>
      tpu.enqueue_dma source(%dma_start3A_121 : memref<80x128xf32, #tpu.memory_space<hbm>>) target(%arg13 : memref<80x128xf32, #tpu.memory_space<vmem>>) target_semaphore(%arg21 : memref<!tpu.dma_semaphore, #tpu.memory_space<semaphore_mem>>)
      %scan3A = arith.constant 0 : i32
      %scan3A_122 = arith.constant 1 : i32
      %scan3A_123 = arith.constant 61 : i32
      %scan3A_124 = arith.addi %scan3A_122, %scan3A_123 : i32
      %scan3A_125 = arith.constant 1 : i32
      scf.for %scan3A_161 = %scan3A_122 to %scan3A_124 step %scan3A_125  : i32 {
        %mul3A_162 = arith.constant 4 : i32
        %mul3A_163 = arith.muli %scan3A_161, %mul3A_162 : i32
        %add3A_164 = arith.constant 0 : i32
        %add3A_165 = arith.addi %mul3A_163, %add3A_164 : i32
        %dma_wait3A_166 = tpu.memref_slice %arg4[%mul3A_2] : memref<320000xi32, #tpu.memory_space<hbm>> -> memref<80xi32, #tpu.memory_space<hbm>>
        %dma_wait3A_167 = tpu.memref_slice %arg4[%mul3A_2] : memref<320000xi32, #tpu.memory_space<hbm>> -> memref<80xi32, #tpu.memory_space<hbm>>
        tpu.wait_dma2 semaphore(%arg16 : memref<!tpu.dma_semaphore, #tpu.memory_space<semaphore_mem>>) src(%dma_wait3A_167 : memref<80xi32, #tpu.memory_space<hbm>>) dst(%arg8 : memref<80xi32, #tpu.memory_space<vmem>>)
        %dma_wait3A_168 = arith.constant 0 : i32
        %dma_wait3A_169 = tpu.memref_slice %arg2[%mul3A_2, %dma_wait3A_168] : memref<320000x128xf32, #tpu.memory_space<hbm>> -> memref<80x128xf32, #tpu.memory_space<hbm>>
        %dma_wait3A_170 = arith.constant 0 : i32
        %dma_wait3A_171 = tpu.memref_slice %arg2[%mul3A_2, %dma_wait3A_170] : memref<320000x128xf32, #tpu.memory_space<hbm>> -> memref<80x128xf32, #tpu.memory_space<hbm>>
        tpu.wait_dma2 semaphore(%arg20 : memref<!tpu.dma_semaphore, #tpu.memory_space<semaphore_mem>>) src(%dma_wait3A_171 : memref<80x128xf32, #tpu.memory_space<hbm>>) dst(%arg12 : memref<80x128xf32, #tpu.memory_space<vmem>>)
        %dma_start3A_172 = arith.constant 0 : i32
        %dma_start3A_173 = arith.constant 0 : i32
        %dma_start3A_174 = tpu.memref_slice %arg28[%dma_start3A_172, %dma_start3A_173] : memref<10112x128xf32, #tpu.memory_space<vmem_shared>> -> memref<10112x128xf32, #tpu.memory_space<vmem_shared>>
        tpu.enqueue_indirect_dma source(%arg12 : memref<80x128xf32, #tpu.memory_space<vmem>>) target(%dma_start3A_174 : memref<10112x128xf32, #tpu.memory_space<vmem_shared>>) offsets(%arg8 : memref<80xi32, #tpu.memory_space<vmem>>) semaphore(%arg24 : memref<!tpu.dma_semaphore, #tpu.memory_space<semaphore_mem>>) {add = true}
        %dma_wait3A_175 = arith.constant 0 : i32
        %dma_wait3A_176 = tpu.memref_slice %arg2[%mul3A_2, %dma_wait3A_175] : memref<320000x128xf32, #tpu.memory_space<hbm>> -> memref<80x128xf32, #tpu.memory_space<hbm>>
        %dma_wait3A_177 = arith.constant 0 : i32
        %dma_wait3A_178 = tpu.memref_slice %arg2[%mul3A_2, %dma_wait3A_177] : memref<320000x128xf32, #tpu.memory_space<hbm>> -> memref<80x128xf32, #tpu.memory_space<hbm>>
        tpu.wait_dma2 semaphore(%arg26 : memref<!tpu.dma_semaphore, #tpu.memory_space<semaphore_mem>>) src(%dma_wait3A_178 : memref<80x128xf32, #tpu.memory_space<hbm>>) dst(%arg14 : memref<80x128xf32, #tpu.memory_space<vmem>>)
        %add3A_179 = arith.constant 2 : i32
        %add3A_180 = arith.addi %add3A_165, %add3A_179 : i32
        %mul3A_181 = arith.constant 80 : i32
        %mul3A_182 = arith.muli %add3A_180, %mul3A_181 : i32
        %add3A_183 = arith.addi %mul3A_2, %mul3A_182 : i32
        %dma_start3A_184 = tpu.memref_slice %arg4[%add3A_183] : memref<320000xi32, #tpu.memory_space<hbm>> -> memref<80xi32, #tpu.memory_space<hbm>>
        %dma_start3A_185 = tpu.memref_slice %arg4[%add3A_183] : memref<320000xi32, #tpu.memory_space<hbm>> -> memref<80xi32, #tpu.memory_space<hbm>>
        tpu.enqueue_dma source(%dma_start3A_185 : memref<80xi32, #tpu.memory_space<hbm>>) target(%arg10 : memref<80xi32, #tpu.memory_space<vmem>>) target_semaphore(%arg18 : memref<!tpu.dma_semaphore, #tpu.memory_space<semaphore_mem>>)
        %mul3A_186 = arith.constant 80 : i32
        %mul3A_187 = arith.muli %add3A_180, %mul3A_186 : i32
        %add3A_188 = arith.addi %mul3A_2, %mul3A_187 : i32
        %dma_start3A_189 = arith.constant 0 : i32
        %dma_start3A_190 = tpu.memref_slice %arg2[%add3A_188, %dma_start3A_189] : memref<320000x128xf32, #tpu.memory_space<hbm>> -> memref<80x128xf32, #tpu.memory_space<hbm>>
        %dma_start3A_191 = arith.constant 0 : i32
        %dma_start3A_192 = tpu.memref_slice %arg2[%add3A_188, %dma_start3A_191] : memref<320000x128xf32, #tpu.memory_space<hbm>> -> memref<80x128xf32, #tpu.memory_space<hbm>>
        tpu.enqueue_dma source(%dma_start3A_192 : memref<80x128xf32, #tpu.memory_space<hbm>>) target(%arg14 : memref<80x128xf32, #tpu.memory_space<vmem>>) target_semaphore(%arg22 : memref<!tpu.dma_semaphore, #tpu.memory_space<semaphore_mem>>)
        %mul3A_193 = arith.constant 4 : i32
        %mul3A_194 = arith.muli %scan3A_161, %mul3A_193 : i32
        %add3A_195 = arith.constant 1 : i32
        %add3A_196 = arith.addi %mul3A_194, %add3A_195 : i32
        %dma_wait3A_197 = tpu.memref_slice %arg4[%mul3A_2] : memref<320000xi32, #tpu.memory_space<hbm>> -> memref<80xi32, #tpu.memory_space<hbm>>
        %dma_wait3A_198 = tpu.memref_slice %arg4[%mul3A_2] : memref<320000xi32, #tpu.memory_space<hbm>> -> memref<80xi32, #tpu.memory_space<hbm>>
        tpu.wait_dma2 semaphore(%arg17 : memref<!tpu.dma_semaphore, #tpu.memory_space<semaphore_mem>>) src(%dma_wait3A_198 : memref<80xi32, #tpu.memory_space<hbm>>) dst(%arg9 : memref<80xi32, #tpu.memory_space<vmem>>)
        %dma_wait3A_199 = arith.constant 0 : i32
        %dma_wait3A_200 = tpu.memref_slice %arg2[%mul3A_2, %dma_wait3A_199] : memref<320000x128xf32, #tpu.memory_space<hbm>> -> memref<80x128xf32, #tpu.memory_space<hbm>>
        %dma_wait3A_201 = arith.constant 0 : i32
        %dma_wait3A_202 = tpu.memref_slice %arg2[%mul3A_2, %dma_wait3A_201] : memref<320000x128xf32, #tpu.memory_space<hbm>> -> memref<80x128xf32, #tpu.memory_space<hbm>>
        tpu.wait_dma2 semaphore(%arg21 : memref<!tpu.dma_semaphore, #tpu.memory_space<semaphore_mem>>) src(%dma_wait3A_202 : memref<80x128xf32, #tpu.memory_space<hbm>>) dst(%arg13 : memref<80x128xf32, #tpu.memory_space<vmem>>)
        %dma_start3A_203 = arith.constant 0 : i32
        %dma_start3A_204 = arith.constant 0 : i32
        %dma_start3A_205 = tpu.memref_slice %arg28[%dma_start3A_203, %dma_start3A_204] : memref<10112x128xf32, #tpu.memory_space<vmem_shared>> -> memref<10112x128xf32, #tpu.memory_space<vmem_shared>>
        tpu.enqueue_indirect_dma source(%arg13 : memref<80x128xf32, #tpu.memory_space<vmem>>) target(%dma_start3A_205 : memref<10112x128xf32, #tpu.memory_space<vmem_shared>>) offsets(%arg9 : memref<80xi32, #tpu.memory_space<vmem>>) semaphore(%arg25 : memref<!tpu.dma_semaphore, #tpu.memory_space<semaphore_mem>>) {add = true}
        %dma_wait3A_206 = arith.constant 0 : i32
        %dma_wait3A_207 = tpu.memref_slice %arg2[%mul3A_2, %dma_wait3A_206] : memref<320000x128xf32, #tpu.memory_space<hbm>> -> memref<80x128xf32, #tpu.memory_space<hbm>>
        %dma_wait3A_208 = arith.constant 0 : i32
        %dma_wait3A_209 = tpu.memref_slice %arg2[%mul3A_2, %dma_wait3A_208] : memref<320000x128xf32, #tpu.memory_space<hbm>> -> memref<80x128xf32, #tpu.memory_space<hbm>>
        tpu.wait_dma2 semaphore(%arg27 : memref<!tpu.dma_semaphore, #tpu.memory_space<semaphore_mem>>) src(%dma_wait3A_209 : memref<80x128xf32, #tpu.memory_space<hbm>>) dst(%arg15 : memref<80x128xf32, #tpu.memory_space<vmem>>)
        %add3A_210 = arith.constant 2 : i32
        %add3A_211 = arith.addi %add3A_196, %add3A_210 : i32
        %mul3A_212 = arith.constant 80 : i32
        %mul3A_213 = arith.muli %add3A_211, %mul3A_212 : i32
        %add3A_214 = arith.addi %mul3A_2, %mul3A_213 : i32
        %dma_start3A_215 = tpu.memref_slice %arg4[%add3A_214] : memref<320000xi32, #tpu.memory_space<hbm>> -> memref<80xi32, #tpu.memory_space<hbm>>
        %dma_start3A_216 = tpu.memref_slice %arg4[%add3A_214] : memref<320000xi32, #tpu.memory_space<hbm>> -> memref<80xi32, #tpu.memory_space<hbm>>
        tpu.enqueue_dma source(%dma_start3A_216 : memref<80xi32, #tpu.memory_space<hbm>>) target(%arg11 : memref<80xi32, #tpu.memory_space<vmem>>) target_semaphore(%arg19 : memref<!tpu.dma_semaphore, #tpu.memory_space<semaphore_mem>>)
        %mul3A_217 = arith.constant 80 : i32
        %mul3A_218 = arith.muli %add3A_211, %mul3A_217 : i32
        %add3A_219 = arith.addi %mul3A_2, %mul3A_218 : i32
        %dma_start3A_220 = arith.constant 0 : i32
        %dma_start3A_221 = tpu.memref_slice %arg2[%add3A_219, %dma_start3A_220] : memref<320000x128xf32, #tpu.memory_space<hbm>> -> memref<80x128xf32, #tpu.memory_space<hbm>>
        %dma_start3A_222 = arith.constant 0 : i32
        %dma_start3A_223 = tpu.memref_slice %arg2[%add3A_219, %dma_start3A_222] : memref<320000x128xf32, #tpu.memory_space<hbm>> -> memref<80x128xf32, #tpu.memory_space<hbm>>
        tpu.enqueue_dma source(%dma_start3A_223 : memref<80x128xf32, #tpu.memory_space<hbm>>) target(%arg15 : memref<80x128xf32, #tpu.memory_space<vmem>>) target_semaphore(%arg23 : memref<!tpu.dma_semaphore, #tpu.memory_space<semaphore_mem>>)
        %mul3A_224 = arith.constant 4 : i32
        %mul3A_225 = arith.muli %scan3A_161, %mul3A_224 : i32
        %add3A_226 = arith.constant 2 : i32
        %add3A_227 = arith.addi %mul3A_225, %add3A_226 : i32
        %dma_wait3A_228 = tpu.memref_slice %arg4[%mul3A_2] : memref<320000xi32, #tpu.memory_space<hbm>> -> memref<80xi32, #tpu.memory_space<hbm>>
        %dma_wait3A_229 = tpu.memref_slice %arg4[%mul3A_2] : memref<320000xi32, #tpu.memory_space<hbm>> -> memref<80xi32, #tpu.memory_space<hbm>>
        tpu.wait_dma2 semaphore(%arg18 : memref<!tpu.dma_semaphore, #tpu.memory_space<semaphore_mem>>) src(%dma_wait3A_229 : memref<80xi32, #tpu.memory_space<hbm>>) dst(%arg10 : memref<80xi32, #tpu.memory_space<vmem>>)
        %dma_wait3A_230 = arith.constant 0 : i32
        %dma_wait3A_231 = tpu.memref_slice %arg2[%mul3A_2, %dma_wait3A_230] : memref<320000x128xf32, #tpu.memory_space<hbm>> -> memref<80x128xf32, #tpu.memory_space<hbm>>
        %dma_wait3A_232 = arith.constant 0 : i32
        %dma_wait3A_233 = tpu.memref_slice %arg2[%mul3A_2, %dma_wait3A_232] : memref<320000x128xf32, #tpu.memory_space<hbm>> -> memref<80x128xf32, #tpu.memory_space<hbm>>
        tpu.wait_dma2 semaphore(%arg22 : memref<!tpu.dma_semaphore, #tpu.memory_space<semaphore_mem>>) src(%dma_wait3A_233 : memref<80x128xf32, #tpu.memory_space<hbm>>) dst(%arg14 : memref<80x128xf32, #tpu.memory_space<vmem>>)
        %dma_start3A_234 = arith.constant 0 : i32
        %dma_start3A_235 = arith.constant 0 : i32
        %dma_start3A_236 = tpu.memref_slice %arg28[%dma_start3A_234, %dma_start3A_235] : memref<10112x128xf32, #tpu.memory_space<vmem_shared>> -> memref<10112x128xf32, #tpu.memory_space<vmem_shared>>
        tpu.enqueue_indirect_dma source(%arg14 : memref<80x128xf32, #tpu.memory_space<vmem>>) target(%dma_start3A_236 : memref<10112x128xf32, #tpu.memory_space<vmem_shared>>) offsets(%arg10 : memref<80xi32, #tpu.memory_space<vmem>>) semaphore(%arg26 : memref<!tpu.dma_semaphore, #tpu.memory_space<semaphore_mem>>) {add = true}
        %dma_wait3A_237 = arith.constant 0 : i32
        %dma_wait3A_238 = tpu.memref_slice %arg2[%mul3A_2, %dma_wait3A_237] : memref<320000x128xf32, #tpu.memory_space<hbm>> -> memref<80x128xf32, #tpu.memory_space<hbm>>
        %dma_wait3A_239 = arith.constant 0 : i32
        %dma_wait3A_240 = tpu.memref_slice %arg2[%mul3A_2, %dma_wait3A_239] : memref<320000x128xf32, #tpu.memory_space<hbm>> -> memref<80x128xf32, #tpu.memory_space<hbm>>
        tpu.wait_dma2 semaphore(%arg24 : memref<!tpu.dma_semaphore, #tpu.memory_space<semaphore_mem>>) src(%dma_wait3A_240 : memref<80x128xf32, #tpu.memory_space<hbm>>) dst(%arg12 : memref<80x128xf32, #tpu.memory_space<vmem>>)
        %add3A_241 = arith.constant 2 : i32
        %add3A_242 = arith.addi %add3A_227, %add3A_241 : i32
        %mul3A_243 = arith.constant 80 : i32
        %mul3A_244 = arith.muli %add3A_242, %mul3A_243 : i32
        %add3A_245 = arith.addi %mul3A_2, %mul3A_244 : i32
        %dma_start3A_246 = tpu.memref_slice %arg4[%add3A_245] : memref<320000xi32, #tpu.memory_space<hbm>> -> memref<80xi32, #tpu.memory_space<hbm>>
        %dma_start3A_247 = tpu.memref_slice %arg4[%add3A_245] : memref<320000xi32, #tpu.memory_space<hbm>> -> memref<80xi32, #tpu.memory_space<hbm>>
        tpu.enqueue_dma source(%dma_start3A_247 : memref<80xi32, #tpu.memory_space<hbm>>) target(%arg8 : memref<80xi32, #tpu.memory_space<vmem>>) target_semaphore(%arg16 : memref<!tpu.dma_semaphore, #tpu.memory_space<semaphore_mem>>)
        %mul3A_248 = arith.constant 80 : i32
        %mul3A_249 = arith.muli %add3A_242, %mul3A_248 : i32
        %add3A_250 = arith.addi %mul3A_2, %mul3A_249 : i32
        %dma_start3A_251 = arith.constant 0 : i32
        %dma_start3A_252 = tpu.memref_slice %arg2[%add3A_250, %dma_start3A_251] : memref<320000x128xf32, #tpu.memory_space<hbm>> -> memref<80x128xf32, #tpu.memory_space<hbm>>
        %dma_start3A_253 = arith.constant 0 : i32
        %dma_start3A_254 = tpu.memref_slice %arg2[%add3A_250, %dma_start3A_253] : memref<320000x128xf32, #tpu.memory_space<hbm>> -> memref<80x128xf32, #tpu.memory_space<hbm>>
        tpu.enqueue_dma source(%dma_start3A_254 : memref<80x128xf32, #tpu.memory_space<hbm>>) target(%arg12 : memref<80x128xf32, #tpu.memory_space<vmem>>) target_semaphore(%arg20 : memref<!tpu.dma_semaphore, #tpu.memory_space<semaphore_mem>>)
        %mul3A_255 = arith.constant 4 : i32
        %mul3A_256 = arith.muli %scan3A_161, %mul3A_255 : i32
        %add3A_257 = arith.constant 3 : i32
        %add3A_258 = arith.addi %mul3A_256, %add3A_257 : i32
        %dma_wait3A_259 = tpu.memref_slice %arg4[%mul3A_2] : memref<320000xi32, #tpu.memory_space<hbm>> -> memref<80xi32, #tpu.memory_space<hbm>>
        %dma_wait3A_260 = tpu.memref_slice %arg4[%mul3A_2] : memref<320000xi32, #tpu.memory_space<hbm>> -> memref<80xi32, #tpu.memory_space<hbm>>
        tpu.wait_dma2 semaphore(%arg19 : memref<!tpu.dma_semaphore, #tpu.memory_space<semaphore_mem>>) src(%dma_wait3A_260 : memref<80xi32, #tpu.memory_space<hbm>>) dst(%arg11 : memref<80xi32, #tpu.memory_space<vmem>>)
        %dma_wait3A_261 = arith.constant 0 : i32
        %dma_wait3A_262 = tpu.memref_slice %arg2[%mul3A_2, %dma_wait3A_261] : memref<320000x128xf32, #tpu.memory_space<hbm>> -> memref<80x128xf32, #tpu.memory_space<hbm>>
        %dma_wait3A_263 = arith.constant 0 : i32
        %dma_wait3A_264 = tpu.memref_slice %arg2[%mul3A_2, %dma_wait3A_263] : memref<320000x128xf32, #tpu.memory_space<hbm>> -> memref<80x128xf32, #tpu.memory_space<hbm>>
        tpu.wait_dma2 semaphore(%arg23 : memref<!tpu.dma_semaphore, #tpu.memory_space<semaphore_mem>>) src(%dma_wait3A_264 : memref<80x128xf32, #tpu.memory_space<hbm>>) dst(%arg15 : memref<80x128xf32, #tpu.memory_space<vmem>>)
        %dma_start3A_265 = arith.constant 0 : i32
        %dma_start3A_266 = arith.constant 0 : i32
        %dma_start3A_267 = tpu.memref_slice %arg28[%dma_start3A_265, %dma_start3A_266] : memref<10112x128xf32, #tpu.memory_space<vmem_shared>> -> memref<10112x128xf32, #tpu.memory_space<vmem_shared>>
        tpu.enqueue_indirect_dma source(%arg15 : memref<80x128xf32, #tpu.memory_space<vmem>>) target(%dma_start3A_267 : memref<10112x128xf32, #tpu.memory_space<vmem_shared>>) offsets(%arg11 : memref<80xi32, #tpu.memory_space<vmem>>) semaphore(%arg27 : memref<!tpu.dma_semaphore, #tpu.memory_space<semaphore_mem>>) {add = true}
        %dma_wait3A_268 = arith.constant 0 : i32
        %dma_wait3A_269 = tpu.memref_slice %arg2[%mul3A_2, %dma_wait3A_268] : memref<320000x128xf32, #tpu.memory_space<hbm>> -> memref<80x128xf32, #tpu.memory_space<hbm>>
        %dma_wait3A_270 = arith.constant 0 : i32
        %dma_wait3A_271 = tpu.memref_slice %arg2[%mul3A_2, %dma_wait3A_270] : memref<320000x128xf32, #tpu.memory_space<hbm>> -> memref<80x128xf32, #tpu.memory_space<hbm>>
        tpu.wait_dma2 semaphore(%arg25 : memref<!tpu.dma_semaphore, #tpu.memory_space<semaphore_mem>>) src(%dma_wait3A_271 : memref<80x128xf32, #tpu.memory_space<hbm>>) dst(%arg13 : memref<80x128xf32, #tpu.memory_space<vmem>>)
        %add3A_272 = arith.constant 2 : i32
        %add3A_273 = arith.addi %add3A_258, %add3A_272 : i32
        %mul3A_274 = arith.constant 80 : i32
        %mul3A_275 = arith.muli %add3A_273, %mul3A_274 : i32
        %add3A_276 = arith.addi %mul3A_2, %mul3A_275 : i32
        %dma_start3A_277 = tpu.memref_slice %arg4[%add3A_276] : memref<320000xi32, #tpu.memory_space<hbm>> -> memref<80xi32, #tpu.memory_space<hbm>>
        %dma_start3A_278 = tpu.memref_slice %arg4[%add3A_276] : memref<320000xi32, #tpu.memory_space<hbm>> -> memref<80xi32, #tpu.memory_space<hbm>>
        tpu.enqueue_dma source(%dma_start3A_278 : memref<80xi32, #tpu.memory_space<hbm>>) target(%arg9 : memref<80xi32, #tpu.memory_space<vmem>>) target_semaphore(%arg17 : memref<!tpu.dma_semaphore, #tpu.memory_space<semaphore_mem>>)
        %mul3A_279 = arith.constant 80 : i32
        %mul3A_280 = arith.muli %add3A_273, %mul3A_279 : i32
        %add3A_281 = arith.addi %mul3A_2, %mul3A_280 : i32
        %dma_start3A_282 = arith.constant 0 : i32
        %dma_start3A_283 = tpu.memref_slice %arg2[%add3A_281, %dma_start3A_282] : memref<320000x128xf32, #tpu.memory_space<hbm>> -> memref<80x128xf32, #tpu.memory_space<hbm>>
        %dma_start3A_284 = arith.constant 0 : i32
        %dma_start3A_285 = tpu.memref_slice %arg2[%add3A_281, %dma_start3A_284] : memref<320000x128xf32, #tpu.memory_space<hbm>> -> memref<80x128xf32, #tpu.memory_space<hbm>>
        tpu.enqueue_dma source(%dma_start3A_285 : memref<80x128xf32, #tpu.memory_space<hbm>>) target(%arg13 : memref<80x128xf32, #tpu.memory_space<vmem>>) target_semaphore(%arg21 : memref<!tpu.dma_semaphore, #tpu.memory_space<semaphore_mem>>)
      }
      %scan3A_126 = arith.constant 61 : i32
      %dma_wait3A_127 = tpu.memref_slice %arg4[%mul3A_2] : memref<320000xi32, #tpu.memory_space<hbm>> -> memref<80xi32, #tpu.memory_space<hbm>>
      %dma_wait3A_128 = tpu.memref_slice %arg4[%mul3A_2] : memref<320000xi32, #tpu.memory_space<hbm>> -> memref<80xi32, #tpu.memory_space<hbm>>
      tpu.wait_dma2 semaphore(%arg16 : memref<!tpu.dma_semaphore, #tpu.memory_space<semaphore_mem>>) src(%dma_wait3A_128 : memref<80xi32, #tpu.memory_space<hbm>>) dst(%arg8 : memref<80xi32, #tpu.memory_space<vmem>>)
      %dma_wait3A_129 = arith.constant 0 : i32
      %dma_wait3A_130 = tpu.memref_slice %arg2[%mul3A_2, %dma_wait3A_129] : memref<320000x128xf32, #tpu.memory_space<hbm>> -> memref<80x128xf32, #tpu.memory_space<hbm>>
      %dma_wait3A_131 = arith.constant 0 : i32
      %dma_wait3A_132 = tpu.memref_slice %arg2[%mul3A_2, %dma_wait3A_131] : memref<320000x128xf32, #tpu.memory_space<hbm>> -> memref<80x128xf32, #tpu.memory_space<hbm>>
      tpu.wait_dma2 semaphore(%arg20 : memref<!tpu.dma_semaphore, #tpu.memory_space<semaphore_mem>>) src(%dma_wait3A_132 : memref<80x128xf32, #tpu.memory_space<hbm>>) dst(%arg12 : memref<80x128xf32, #tpu.memory_space<vmem>>)
      %dma_start3A_133 = arith.constant 0 : i32
      %dma_start3A_134 = arith.constant 0 : i32
      %dma_start3A_135 = tpu.memref_slice %arg28[%dma_start3A_133, %dma_start3A_134] : memref<10112x128xf32, #tpu.memory_space<vmem_shared>> -> memref<10112x128xf32, #tpu.memory_space<vmem_shared>>
      tpu.enqueue_indirect_dma source(%arg12 : memref<80x128xf32, #tpu.memory_space<vmem>>) target(%dma_start3A_135 : memref<10112x128xf32, #tpu.memory_space<vmem_shared>>) offsets(%arg8 : memref<80xi32, #tpu.memory_space<vmem>>) semaphore(%arg24 : memref<!tpu.dma_semaphore, #tpu.memory_space<semaphore_mem>>) {add = true}
      %dma_wait3A_136 = tpu.memref_slice %arg4[%mul3A_2] : memref<320000xi32, #tpu.memory_space<hbm>> -> memref<80xi32, #tpu.memory_space<hbm>>
      %dma_wait3A_137 = tpu.memref_slice %arg4[%mul3A_2] : memref<320000xi32, #tpu.memory_space<hbm>> -> memref<80xi32, #tpu.memory_space<hbm>>
      tpu.wait_dma2 semaphore(%arg17 : memref<!tpu.dma_semaphore, #tpu.memory_space<semaphore_mem>>) src(%dma_wait3A_137 : memref<80xi32, #tpu.memory_space<hbm>>) dst(%arg9 : memref<80xi32, #tpu.memory_space<vmem>>)
      %dma_wait3A_138 = arith.constant 0 : i32
      %dma_wait3A_139 = tpu.memref_slice %arg2[%mul3A_2, %dma_wait3A_138] : memref<320000x128xf32, #tpu.memory_space<hbm>> -> memref<80x128xf32, #tpu.memory_space<hbm>>
      %dma_wait3A_140 = arith.constant 0 : i32
      %dma_wait3A_141 = tpu.memref_slice %arg2[%mul3A_2, %dma_wait3A_140] : memref<320000x128xf32, #tpu.memory_space<hbm>> -> memref<80x128xf32, #tpu.memory_space<hbm>>
      tpu.wait_dma2 semaphore(%arg21 : memref<!tpu.dma_semaphore, #tpu.memory_space<semaphore_mem>>) src(%dma_wait3A_141 : memref<80x128xf32, #tpu.memory_space<hbm>>) dst(%arg13 : memref<80x128xf32, #tpu.memory_space<vmem>>)
      %dma_start3A_142 = arith.constant 0 : i32
      %dma_start3A_143 = arith.constant 0 : i32
      %dma_start3A_144 = tpu.memref_slice %arg28[%dma_start3A_142, %dma_start3A_143] : memref<10112x128xf32, #tpu.memory_space<vmem_shared>> -> memref<10112x128xf32, #tpu.memory_space<vmem_shared>>
      tpu.enqueue_indirect_dma source(%arg13 : memref<80x128xf32, #tpu.memory_space<vmem>>) target(%dma_start3A_144 : memref<10112x128xf32, #tpu.memory_space<vmem_shared>>) offsets(%arg9 : memref<80xi32, #tpu.memory_space<vmem>>) semaphore(%arg25 : memref<!tpu.dma_semaphore, #tpu.memory_space<semaphore_mem>>) {add = true}
      %dma_wait3A_145 = arith.constant 0 : i32
      %dma_wait3A_146 = tpu.memref_slice %arg2[%mul3A_2, %dma_wait3A_145] : memref<320000x128xf32, #tpu.memory_space<hbm>> -> memref<80x128xf32, #tpu.memory_space<hbm>>
      %dma_wait3A_147 = arith.constant 0 : i32
      %dma_wait3A_148 = tpu.memref_slice %arg2[%mul3A_2, %dma_wait3A_147] : memref<320000x128xf32, #tpu.memory_space<hbm>> -> memref<80x128xf32, #tpu.memory_space<hbm>>
      tpu.wait_dma2 semaphore(%arg24 : memref<!tpu.dma_semaphore, #tpu.memory_space<semaphore_mem>>) src(%dma_wait3A_148 : memref<80x128xf32, #tpu.memory_space<hbm>>) dst(%arg12 : memref<80x128xf32, #tpu.memory_space<vmem>>)
      %dma_wait3A_149 = arith.constant 0 : i32
      %dma_wait3A_150 = tpu.memref_slice %arg2[%mul3A_2, %dma_wait3A_149] : memref<320000x128xf32, #tpu.memory_space<hbm>> -> memref<80x128xf32, #tpu.memory_space<hbm>>
      %dma_wait3A_151 = arith.constant 0 : i32
      %dma_wait3A_152 = tpu.memref_slice %arg2[%mul3A_2, %dma_wait3A_151] : memref<320000x128xf32, #tpu.memory_space<hbm>> -> memref<80x128xf32, #tpu.memory_space<hbm>>
      tpu.wait_dma2 semaphore(%arg25 : memref<!tpu.dma_semaphore, #tpu.memory_space<semaphore_mem>>) src(%dma_wait3A_152 : memref<80x128xf32, #tpu.memory_space<hbm>>) dst(%arg13 : memref<80x128xf32, #tpu.memory_space<vmem>>)
      %dma_wait3A_153 = arith.constant 0 : i32
      %dma_wait3A_154 = tpu.memref_slice %arg2[%mul3A_2, %dma_wait3A_153] : memref<320000x128xf32, #tpu.memory_space<hbm>> -> memref<80x128xf32, #tpu.memory_space<hbm>>
      %dma_wait3A_155 = arith.constant 0 : i32
      %dma_wait3A_156 = tpu.memref_slice %arg2[%mul3A_2, %dma_wait3A_155] : memref<320000x128xf32, #tpu.memory_space<hbm>> -> memref<80x128xf32, #tpu.memory_space<hbm>>
      tpu.wait_dma2 semaphore(%arg26 : memref<!tpu.dma_semaphore, #tpu.memory_space<semaphore_mem>>) src(%dma_wait3A_156 : memref<80x128xf32, #tpu.memory_space<hbm>>) dst(%arg14 : memref<80x128xf32, #tpu.memory_space<vmem>>)
      %dma_wait3A_157 = arith.constant 0 : i32
      %dma_wait3A_158 = tpu.memref_slice %arg2[%mul3A_2, %dma_wait3A_157] : memref<320000x128xf32, #tpu.memory_space<hbm>> -> memref<80x128xf32, #tpu.memory_space<hbm>>
      %dma_wait3A_159 = arith.constant 0 : i32
      %dma_wait3A_160 = tpu.memref_slice %arg2[%mul3A_2, %dma_wait3A_159] : memref<320000x128xf32, #tpu.memory_space<hbm>> -> memref<80x128xf32, #tpu.memory_space<hbm>>
      tpu.wait_dma2 semaphore(%arg27 : memref<!tpu.dma_semaphore, #tpu.memory_space<semaphore_mem>>) src(%dma_wait3A_160 : memref<80x128xf32, #tpu.memory_space<hbm>>) dst(%arg15 : memref<80x128xf32, #tpu.memory_space<vmem>>)
    } else {
    }
    %eq3A_5 = arith.constant 1 : i32
    %eq3A_6 = arith.cmpi eq, %arg0, %eq3A_5 : i32
    %convert_element_type3A_7 = arith.extui %eq3A_6 : i1 to i32
    %cond3A_8 = arith.constant 0 : i32
    %cond3A_9 = arith.cmpi ne, %convert_element_type3A_7, %cond3A_8 : i32
    scf.if %cond3A_9 {
      %add3A = arith.constant 0 : i32
      %add3A_21 = arith.addi %mul3A_2, %add3A : i32
      %dma_start3A = tpu.memref_slice %arg4[%add3A_21] : memref<320000xi32, #tpu.memory_space<hbm>> -> memref<80xi32, #tpu.memory_space<hbm>>
      %dma_start3A_22 = tpu.memref_slice %arg4[%add3A_21] : memref<320000xi32, #tpu.memory_space<hbm>> -> memref<80xi32, #tpu.memory_space<hbm>>
      tpu.enqueue_dma source(%dma_start3A_22 : memref<80xi32, #tpu.memory_space<hbm>>) target(%arg8 : memref<80xi32, #tpu.memory_space<vmem>>) target_semaphore(%arg16 : memref<!tpu.dma_semaphore, #tpu.memory_space<semaphore_mem>>)
      %add3A_23 = arith.constant 0 : i32
      %add3A_24 = arith.addi %mul3A_2, %add3A_23 : i32
      %dma_start3A_25 = arith.constant 0 : i32
      %dma_start3A_26 = tpu.memref_slice %arg3[%add3A_24, %dma_start3A_25] : memref<320000x128xf32, #tpu.memory_space<hbm>> -> memref<80x128xf32, #tpu.memory_space<hbm>>
      %dma_start3A_27 = arith.constant 0 : i32
      %dma_start3A_28 = tpu.memref_slice %arg3[%add3A_24, %dma_start3A_27] : memref<320000x128xf32, #tpu.memory_space<hbm>> -> memref<80x128xf32, #tpu.memory_space<hbm>>
      tpu.enqueue_dma source(%dma_start3A_28 : memref<80x128xf32, #tpu.memory_space<hbm>>) target(%arg12 : memref<80x128xf32, #tpu.memory_space<vmem>>) target_semaphore(%arg20 : memref<!tpu.dma_semaphore, #tpu.memory_space<semaphore_mem>>)
      %add3A_29 = arith.constant 80 : i32
      %add3A_30 = arith.addi %mul3A_2, %add3A_29 : i32
      %dma_start3A_31 = tpu.memref_slice %arg4[%add3A_30] : memref<320000xi32, #tpu.memory_space<hbm>> -> memref<80xi32, #tpu.memory_space<hbm>>
      %dma_start3A_32 = tpu.memref_slice %arg4[%add3A_30] : memref<320000xi32, #tpu.memory_space<hbm>> -> memref<80xi32, #tpu.memory_space<hbm>>
      tpu.enqueue_dma source(%dma_start3A_32 : memref<80xi32, #tpu.memory_space<hbm>>) target(%arg9 : memref<80xi32, #tpu.memory_space<vmem>>) target_semaphore(%arg17 : memref<!tpu.dma_semaphore, #tpu.memory_space<semaphore_mem>>)
      %add3A_33 = arith.constant 80 : i32
      %add3A_34 = arith.addi %mul3A_2, %add3A_33 : i32
      %dma_start3A_35 = arith.constant 0 : i32
      %dma_start3A_36 = tpu.memref_slice %arg3[%add3A_34, %dma_start3A_35] : memref<320000x128xf32, #tpu.memory_space<hbm>> -> memref<80x128xf32, #tpu.memory_space<hbm>>
      %dma_start3A_37 = arith.constant 0 : i32
      %dma_start3A_38 = tpu.memref_slice %arg3[%add3A_34, %dma_start3A_37] : memref<320000x128xf32, #tpu.memory_space<hbm>> -> memref<80x128xf32, #tpu.memory_space<hbm>>
      tpu.enqueue_dma source(%dma_start3A_38 : memref<80x128xf32, #tpu.memory_space<hbm>>) target(%arg13 : memref<80x128xf32, #tpu.memory_space<vmem>>) target_semaphore(%arg21 : memref<!tpu.dma_semaphore, #tpu.memory_space<semaphore_mem>>)
      %dma_wait3A = tpu.memref_slice %arg4[%mul3A_2] : memref<320000xi32, #tpu.memory_space<hbm>> -> memref<80xi32, #tpu.memory_space<hbm>>
      %dma_wait3A_39 = tpu.memref_slice %arg4[%mul3A_2] : memref<320000xi32, #tpu.memory_space<hbm>> -> memref<80xi32, #tpu.memory_space<hbm>>
      tpu.wait_dma2 semaphore(%arg16 : memref<!tpu.dma_semaphore, #tpu.memory_space<semaphore_mem>>) src(%dma_wait3A_39 : memref<80xi32, #tpu.memory_space<hbm>>) dst(%arg8 : memref<80xi32, #tpu.memory_space<vmem>>)
      %dma_wait3A_40 = arith.constant 0 : i32
      %dma_wait3A_41 = tpu.memref_slice %arg3[%mul3A_2, %dma_wait3A_40] : memref<320000x128xf32, #tpu.memory_space<hbm>> -> memref<80x128xf32, #tpu.memory_space<hbm>>
      %dma_wait3A_42 = arith.constant 0 : i32
      %dma_wait3A_43 = tpu.memref_slice %arg3[%mul3A_2, %dma_wait3A_42] : memref<320000x128xf32, #tpu.memory_space<hbm>> -> memref<80x128xf32, #tpu.memory_space<hbm>>
      tpu.wait_dma2 semaphore(%arg20 : memref<!tpu.dma_semaphore, #tpu.memory_space<semaphore_mem>>) src(%dma_wait3A_43 : memref<80x128xf32, #tpu.memory_space<hbm>>) dst(%arg12 : memref<80x128xf32, #tpu.memory_space<vmem>>)
      %dma_start3A_44 = arith.constant 0 : i32
      %dma_start3A_45 = arith.constant 0 : i32
      %dma_start3A_46 = tpu.memref_slice %arg28[%dma_start3A_44, %dma_start3A_45] : memref<10112x128xf32, #tpu.memory_space<vmem_shared>> -> memref<10112x128xf32, #tpu.memory_space<vmem_shared>>
      tpu.enqueue_indirect_dma source(%arg12 : memref<80x128xf32, #tpu.memory_space<vmem>>) target(%dma_start3A_46 : memref<10112x128xf32, #tpu.memory_space<vmem_shared>>) offsets(%arg8 : memref<80xi32, #tpu.memory_space<vmem>>) semaphore(%arg24 : memref<!tpu.dma_semaphore, #tpu.memory_space<semaphore_mem>>) {add = true}
      %add3A_47 = arith.constant 160 : i32
      %add3A_48 = arith.addi %mul3A_2, %add3A_47 : i32
      %dma_start3A_49 = tpu.memref_slice %arg4[%add3A_48] : memref<320000xi32, #tpu.memory_space<hbm>> -> memref<80xi32, #tpu.memory_space<hbm>>
      %dma_start3A_50 = tpu.memref_slice %arg4[%add3A_48] : memref<320000xi32, #tpu.memory_space<hbm>> -> memref<80xi32, #tpu.memory_space<hbm>>
      tpu.enqueue_dma source(%dma_start3A_50 : memref<80xi32, #tpu.memory_space<hbm>>) target(%arg10 : memref<80xi32, #tpu.memory_space<vmem>>) target_semaphore(%arg18 : memref<!tpu.dma_semaphore, #tpu.memory_space<semaphore_mem>>)
      %add3A_51 = arith.constant 160 : i32
      %add3A_52 = arith.addi %mul3A_2, %add3A_51 : i32
      %dma_start3A_53 = arith.constant 0 : i32
      %dma_start3A_54 = tpu.memref_slice %arg3[%add3A_52, %dma_start3A_53] : memref<320000x128xf32, #tpu.memory_space<hbm>> -> memref<80x128xf32, #tpu.memory_space<hbm>>
      %dma_start3A_55 = arith.constant 0 : i32
      %dma_start3A_56 = tpu.memref_slice %arg3[%add3A_52, %dma_start3A_55] : memref<320000x128xf32, #tpu.memory_space<hbm>> -> memref<80x128xf32, #tpu.memory_space<hbm>>
      tpu.enqueue_dma source(%dma_start3A_56 : memref<80x128xf32, #tpu.memory_space<hbm>>) target(%arg14 : memref<80x128xf32, #tpu.memory_space<vmem>>) target_semaphore(%arg22 : memref<!tpu.dma_semaphore, #tpu.memory_space<semaphore_mem>>)
      %dma_wait3A_57 = tpu.memref_slice %arg4[%mul3A_2] : memref<320000xi32, #tpu.memory_space<hbm>> -> memref<80xi32, #tpu.memory_space<hbm>>
      %dma_wait3A_58 = tpu.memref_slice %arg4[%mul3A_2] : memref<320000xi32, #tpu.memory_space<hbm>> -> memref<80xi32, #tpu.memory_space<hbm>>
      tpu.wait_dma2 semaphore(%arg17 : memref<!tpu.dma_semaphore, #tpu.memory_space<semaphore_mem>>) src(%dma_wait3A_58 : memref<80xi32, #tpu.memory_space<hbm>>) dst(%arg9 : memref<80xi32, #tpu.memory_space<vmem>>)
      %dma_wait3A_59 = arith.constant 0 : i32
      %dma_wait3A_60 = tpu.memref_slice %arg3[%mul3A_2, %dma_wait3A_59] : memref<320000x128xf32, #tpu.memory_space<hbm>> -> memref<80x128xf32, #tpu.memory_space<hbm>>
      %dma_wait3A_61 = arith.constant 0 : i32
      %dma_wait3A_62 = tpu.memref_slice %arg3[%mul3A_2, %dma_wait3A_61] : memref<320000x128xf32, #tpu.memory_space<hbm>> -> memref<80x128xf32, #tpu.memory_space<hbm>>
      tpu.wait_dma2 semaphore(%arg21 : memref<!tpu.dma_semaphore, #tpu.memory_space<semaphore_mem>>) src(%dma_wait3A_62 : memref<80x128xf32, #tpu.memory_space<hbm>>) dst(%arg13 : memref<80x128xf32, #tpu.memory_space<vmem>>)
      %dma_start3A_63 = arith.constant 0 : i32
      %dma_start3A_64 = arith.constant 0 : i32
      %dma_start3A_65 = tpu.memref_slice %arg28[%dma_start3A_63, %dma_start3A_64] : memref<10112x128xf32, #tpu.memory_space<vmem_shared>> -> memref<10112x128xf32, #tpu.memory_space<vmem_shared>>
      tpu.enqueue_indirect_dma source(%arg13 : memref<80x128xf32, #tpu.memory_space<vmem>>) target(%dma_start3A_65 : memref<10112x128xf32, #tpu.memory_space<vmem_shared>>) offsets(%arg9 : memref<80xi32, #tpu.memory_space<vmem>>) semaphore(%arg25 : memref<!tpu.dma_semaphore, #tpu.memory_space<semaphore_mem>>) {add = true}
      %add3A_66 = arith.constant 240 : i32
      %add3A_67 = arith.addi %mul3A_2, %add3A_66 : i32
      %dma_start3A_68 = tpu.memref_slice %arg4[%add3A_67] : memref<320000xi32, #tpu.memory_space<hbm>> -> memref<80xi32, #tpu.memory_space<hbm>>
      %dma_start3A_69 = tpu.memref_slice %arg4[%add3A_67] : memref<320000xi32, #tpu.memory_space<hbm>> -> memref<80xi32, #tpu.memory_space<hbm>>
      tpu.enqueue_dma source(%dma_start3A_69 : memref<80xi32, #tpu.memory_space<hbm>>) target(%arg11 : memref<80xi32, #tpu.memory_space<vmem>>) target_semaphore(%arg19 : memref<!tpu.dma_semaphore, #tpu.memory_space<semaphore_mem>>)
      %add3A_70 = arith.constant 240 : i32
      %add3A_71 = arith.addi %mul3A_2, %add3A_70 : i32
      %dma_start3A_72 = arith.constant 0 : i32
      %dma_start3A_73 = tpu.memref_slice %arg3[%add3A_71, %dma_start3A_72] : memref<320000x128xf32, #tpu.memory_space<hbm>> -> memref<80x128xf32, #tpu.memory_space<hbm>>
      %dma_start3A_74 = arith.constant 0 : i32
      %dma_start3A_75 = tpu.memref_slice %arg3[%add3A_71, %dma_start3A_74] : memref<320000x128xf32, #tpu.memory_space<hbm>> -> memref<80x128xf32, #tpu.memory_space<hbm>>
      tpu.enqueue_dma source(%dma_start3A_75 : memref<80x128xf32, #tpu.memory_space<hbm>>) target(%arg15 : memref<80x128xf32, #tpu.memory_space<vmem>>) target_semaphore(%arg23 : memref<!tpu.dma_semaphore, #tpu.memory_space<semaphore_mem>>)
      %dma_wait3A_76 = tpu.memref_slice %arg4[%mul3A_2] : memref<320000xi32, #tpu.memory_space<hbm>> -> memref<80xi32, #tpu.memory_space<hbm>>
      %dma_wait3A_77 = tpu.memref_slice %arg4[%mul3A_2] : memref<320000xi32, #tpu.memory_space<hbm>> -> memref<80xi32, #tpu.memory_space<hbm>>
      tpu.wait_dma2 semaphore(%arg18 : memref<!tpu.dma_semaphore, #tpu.memory_space<semaphore_mem>>) src(%dma_wait3A_77 : memref<80xi32, #tpu.memory_space<hbm>>) dst(%arg10 : memref<80xi32, #tpu.memory_space<vmem>>)
      %dma_wait3A_78 = arith.constant 0 : i32
      %dma_wait3A_79 = tpu.memref_slice %arg3[%mul3A_2, %dma_wait3A_78] : memref<320000x128xf32, #tpu.memory_space<hbm>> -> memref<80x128xf32, #tpu.memory_space<hbm>>
      %dma_wait3A_80 = arith.constant 0 : i32
      %dma_wait3A_81 = tpu.memref_slice %arg3[%mul3A_2, %dma_wait3A_80] : memref<320000x128xf32, #tpu.memory_space<hbm>> -> memref<80x128xf32, #tpu.memory_space<hbm>>
      tpu.wait_dma2 semaphore(%arg22 : memref<!tpu.dma_semaphore, #tpu.memory_space<semaphore_mem>>) src(%dma_wait3A_81 : memref<80x128xf32, #tpu.memory_space<hbm>>) dst(%arg14 : memref<80x128xf32, #tpu.memory_space<vmem>>)
      %dma_start3A_82 = arith.constant 0 : i32
      %dma_start3A_83 = arith.constant 0 : i32
      %dma_start3A_84 = tpu.memref_slice %arg28[%dma_start3A_82, %dma_start3A_83] : memref<10112x128xf32, #tpu.memory_space<vmem_shared>> -> memref<10112x128xf32, #tpu.memory_space<vmem_shared>>
      tpu.enqueue_indirect_dma source(%arg14 : memref<80x128xf32, #tpu.memory_space<vmem>>) target(%dma_start3A_84 : memref<10112x128xf32, #tpu.memory_space<vmem_shared>>) offsets(%arg10 : memref<80xi32, #tpu.memory_space<vmem>>) semaphore(%arg26 : memref<!tpu.dma_semaphore, #tpu.memory_space<semaphore_mem>>) {add = true}
      %dma_wait3A_85 = arith.constant 0 : i32
      %dma_wait3A_86 = tpu.memref_slice %arg3[%mul3A_2, %dma_wait3A_85] : memref<320000x128xf32, #tpu.memory_space<hbm>> -> memref<80x128xf32, #tpu.memory_space<hbm>>
      %dma_wait3A_87 = arith.constant 0 : i32
      %dma_wait3A_88 = tpu.memref_slice %arg3[%mul3A_2, %dma_wait3A_87] : memref<320000x128xf32, #tpu.memory_space<hbm>> -> memref<80x128xf32, #tpu.memory_space<hbm>>
      tpu.wait_dma2 semaphore(%arg24 : memref<!tpu.dma_semaphore, #tpu.memory_space<semaphore_mem>>) src(%dma_wait3A_88 : memref<80x128xf32, #tpu.memory_space<hbm>>) dst(%arg12 : memref<80x128xf32, #tpu.memory_space<vmem>>)
      %add3A_89 = arith.constant 320 : i32
      %add3A_90 = arith.addi %mul3A_2, %add3A_89 : i32
      %dma_start3A_91 = tpu.memref_slice %arg4[%add3A_90] : memref<320000xi32, #tpu.memory_space<hbm>> -> memref<80xi32, #tpu.memory_space<hbm>>
      %dma_start3A_92 = tpu.memref_slice %arg4[%add3A_90] : memref<320000xi32, #tpu.memory_space<hbm>> -> memref<80xi32, #tpu.memory_space<hbm>>
      tpu.enqueue_dma source(%dma_start3A_92 : memref<80xi32, #tpu.memory_space<hbm>>) target(%arg8 : memref<80xi32, #tpu.memory_space<vmem>>) target_semaphore(%arg16 : memref<!tpu.dma_semaphore, #tpu.memory_space<semaphore_mem>>)
      %add3A_93 = arith.constant 320 : i32
      %add3A_94 = arith.addi %mul3A_2, %add3A_93 : i32
      %dma_start3A_95 = arith.constant 0 : i32
      %dma_start3A_96 = tpu.memref_slice %arg3[%add3A_94, %dma_start3A_95] : memref<320000x128xf32, #tpu.memory_space<hbm>> -> memref<80x128xf32, #tpu.memory_space<hbm>>
      %dma_start3A_97 = arith.constant 0 : i32
      %dma_start3A_98 = tpu.memref_slice %arg3[%add3A_94, %dma_start3A_97] : memref<320000x128xf32, #tpu.memory_space<hbm>> -> memref<80x128xf32, #tpu.memory_space<hbm>>
      tpu.enqueue_dma source(%dma_start3A_98 : memref<80x128xf32, #tpu.memory_space<hbm>>) target(%arg12 : memref<80x128xf32, #tpu.memory_space<vmem>>) target_semaphore(%arg20 : memref<!tpu.dma_semaphore, #tpu.memory_space<semaphore_mem>>)
      %dma_wait3A_99 = tpu.memref_slice %arg4[%mul3A_2] : memref<320000xi32, #tpu.memory_space<hbm>> -> memref<80xi32, #tpu.memory_space<hbm>>
      %dma_wait3A_100 = tpu.memref_slice %arg4[%mul3A_2] : memref<320000xi32, #tpu.memory_space<hbm>> -> memref<80xi32, #tpu.memory_space<hbm>>
      tpu.wait_dma2 semaphore(%arg19 : memref<!tpu.dma_semaphore, #tpu.memory_space<semaphore_mem>>) src(%dma_wait3A_100 : memref<80xi32, #tpu.memory_space<hbm>>) dst(%arg11 : memref<80xi32, #tpu.memory_space<vmem>>)
      %dma_wait3A_101 = arith.constant 0 : i32
      %dma_wait3A_102 = tpu.memref_slice %arg3[%mul3A_2, %dma_wait3A_101] : memref<320000x128xf32, #tpu.memory_space<hbm>> -> memref<80x128xf32, #tpu.memory_space<hbm>>
      %dma_wait3A_103 = arith.constant 0 : i32
      %dma_wait3A_104 = tpu.memref_slice %arg3[%mul3A_2, %dma_wait3A_103] : memref<320000x128xf32, #tpu.memory_space<hbm>> -> memref<80x128xf32, #tpu.memory_space<hbm>>
      tpu.wait_dma2 semaphore(%arg23 : memref<!tpu.dma_semaphore, #tpu.memory_space<semaphore_mem>>) src(%dma_wait3A_104 : memref<80x128xf32, #tpu.memory_space<hbm>>) dst(%arg15 : memref<80x128xf32, #tpu.memory_space<vmem>>)
      %dma_start3A_105 = arith.constant 0 : i32
      %dma_start3A_106 = arith.constant 0 : i32
      %dma_start3A_107 = tpu.memref_slice %arg28[%dma_start3A_105, %dma_start3A_106] : memref<10112x128xf32, #tpu.memory_space<vmem_shared>> -> memref<10112x128xf32, #tpu.memory_space<vmem_shared>>
      tpu.enqueue_indirect_dma source(%arg15 : memref<80x128xf32, #tpu.memory_space<vmem>>) target(%dma_start3A_107 : memref<10112x128xf32, #tpu.memory_space<vmem_shared>>) offsets(%arg11 : memref<80xi32, #tpu.memory_space<vmem>>) semaphore(%arg27 : memref<!tpu.dma_semaphore, #tpu.memory_space<semaphore_mem>>) {add = true}
      %dma_wait3A_108 = arith.constant 0 : i32
      %dma_wait3A_109 = tpu.memref_slice %arg3[%mul3A_2, %dma_wait3A_108] : memref<320000x128xf32, #tpu.memory_space<hbm>> -> memref<80x128xf32, #tpu.memory_space<hbm>>
      %dma_wait3A_110 = arith.constant 0 : i32
      %dma_wait3A_111 = tpu.memref_slice %arg3[%mul3A_2, %dma_wait3A_110] : memref<320000x128xf32, #tpu.memory_space<hbm>> -> memref<80x128xf32, #tpu.memory_space<hbm>>
      tpu.wait_dma2 semaphore(%arg25 : memref<!tpu.dma_semaphore, #tpu.memory_space<semaphore_mem>>) src(%dma_wait3A_111 : memref<80x128xf32, #tpu.memory_space<hbm>>) dst(%arg13 : memref<80x128xf32, #tpu.memory_space<vmem>>)
      %add3A_112 = arith.constant 400 : i32
      %add3A_113 = arith.addi %mul3A_2, %add3A_112 : i32
      %dma_start3A_114 = tpu.memref_slice %arg4[%add3A_113] : memref<320000xi32, #tpu.memory_space<hbm>> -> memref<80xi32, #tpu.memory_space<hbm>>
      %dma_start3A_115 = tpu.memref_slice %arg4[%add3A_113] : memref<320000xi32, #tpu.memory_space<hbm>> -> memref<80xi32, #tpu.memory_space<hbm>>
      tpu.enqueue_dma source(%dma_start3A_115 : memref<80xi32, #tpu.memory_space<hbm>>) target(%arg9 : memref<80xi32, #tpu.memory_space<vmem>>) target_semaphore(%arg17 : memref<!tpu.dma_semaphore, #tpu.memory_space<semaphore_mem>>)
      %add3A_116 = arith.constant 400 : i32
      %add3A_117 = arith.addi %mul3A_2, %add3A_116 : i32
      %dma_start3A_118 = arith.constant 0 : i32
      %dma_start3A_119 = tpu.memref_slice %arg3[%add3A_117, %dma_start3A_118] : memref<320000x128xf32, #tpu.memory_space<hbm>> -> memref<80x128xf32, #tpu.memory_space<hbm>>
      %dma_start3A_120 = arith.constant 0 : i32
      %dma_start3A_121 = tpu.memref_slice %arg3[%add3A_117, %dma_start3A_120] : memref<320000x128xf32, #tpu.memory_space<hbm>> -> memref<80x128xf32, #tpu.memory_space<hbm>>
      tpu.enqueue_dma source(%dma_start3A_121 : memref<80x128xf32, #tpu.memory_space<hbm>>) target(%arg13 : memref<80x128xf32, #tpu.memory_space<vmem>>) target_semaphore(%arg21 : memref<!tpu.dma_semaphore, #tpu.memory_space<semaphore_mem>>)
      %scan3A = arith.constant 0 : i32
      %scan3A_122 = arith.constant 1 : i32
      %scan3A_123 = arith.constant 61 : i32
      %scan3A_124 = arith.addi %scan3A_122, %scan3A_123 : i32
      %scan3A_125 = arith.constant 1 : i32
      scf.for %scan3A_161 = %scan3A_122 to %scan3A_124 step %scan3A_125  : i32 {
        %mul3A_162 = arith.constant 4 : i32
        %mul3A_163 = arith.muli %scan3A_161, %mul3A_162 : i32
        %add3A_164 = arith.constant 0 : i32
        %add3A_165 = arith.addi %mul3A_163, %add3A_164 : i32
        %dma_wait3A_166 = tpu.memref_slice %arg4[%mul3A_2] : memref<320000xi32, #tpu.memory_space<hbm>> -> memref<80xi32, #tpu.memory_space<hbm>>
        %dma_wait3A_167 = tpu.memref_slice %arg4[%mul3A_2] : memref<320000xi32, #tpu.memory_space<hbm>> -> memref<80xi32, #tpu.memory_space<hbm>>
        tpu.wait_dma2 semaphore(%arg16 : memref<!tpu.dma_semaphore, #tpu.memory_space<semaphore_mem>>) src(%dma_wait3A_167 : memref<80xi32, #tpu.memory_space<hbm>>) dst(%arg8 : memref<80xi32, #tpu.memory_space<vmem>>)
        %dma_wait3A_168 = arith.constant 0 : i32
        %dma_wait3A_169 = tpu.memref_slice %arg3[%mul3A_2, %dma_wait3A_168] : memref<320000x128xf32, #tpu.memory_space<hbm>> -> memref<80x128xf32, #tpu.memory_space<hbm>>
        %dma_wait3A_170 = arith.constant 0 : i32
        %dma_wait3A_171 = tpu.memref_slice %arg3[%mul3A_2, %dma_wait3A_170] : memref<320000x128xf32, #tpu.memory_space<hbm>> -> memref<80x128xf32, #tpu.memory_space<hbm>>
        tpu.wait_dma2 semaphore(%arg20 : memref<!tpu.dma_semaphore, #tpu.memory_space<semaphore_mem>>) src(%dma_wait3A_171 : memref<80x128xf32, #tpu.memory_space<hbm>>) dst(%arg12 : memref<80x128xf32, #tpu.memory_space<vmem>>)
        %dma_start3A_172 = arith.constant 0 : i32
        %dma_start3A_173 = arith.constant 0 : i32
        %dma_start3A_174 = tpu.memref_slice %arg28[%dma_start3A_172, %dma_start3A_173] : memref<10112x128xf32, #tpu.memory_space<vmem_shared>> -> memref<10112x128xf32, #tpu.memory_space<vmem_shared>>
        tpu.enqueue_indirect_dma source(%arg12 : memref<80x128xf32, #tpu.memory_space<vmem>>) target(%dma_start3A_174 : memref<10112x128xf32, #tpu.memory_space<vmem_shared>>) offsets(%arg8 : memref<80xi32, #tpu.memory_space<vmem>>) semaphore(%arg24 : memref<!tpu.dma_semaphore, #tpu.memory_space<semaphore_mem>>) {add = true}
        %dma_wait3A_175 = arith.constant 0 : i32
        %dma_wait3A_176 = tpu.memref_slice %arg3[%mul3A_2, %dma_wait3A_175] : memref<320000x128xf32, #tpu.memory_space<hbm>> -> memref<80x128xf32, #tpu.memory_space<hbm>>
        %dma_wait3A_177 = arith.constant 0 : i32
        %dma_wait3A_178 = tpu.memref_slice %arg3[%mul3A_2, %dma_wait3A_177] : memref<320000x128xf32, #tpu.memory_space<hbm>> -> memref<80x128xf32, #tpu.memory_space<hbm>>
        tpu.wait_dma2 semaphore(%arg26 : memref<!tpu.dma_semaphore, #tpu.memory_space<semaphore_mem>>) src(%dma_wait3A_178 : memref<80x128xf32, #tpu.memory_space<hbm>>) dst(%arg14 : memref<80x128xf32, #tpu.memory_space<vmem>>)
        %add3A_179 = arith.constant 2 : i32
        %add3A_180 = arith.addi %add3A_165, %add3A_179 : i32
        %mul3A_181 = arith.constant 80 : i32
        %mul3A_182 = arith.muli %add3A_180, %mul3A_181 : i32
        %add3A_183 = arith.addi %mul3A_2, %mul3A_182 : i32
        %dma_start3A_184 = tpu.memref_slice %arg4[%add3A_183] : memref<320000xi32, #tpu.memory_space<hbm>> -> memref<80xi32, #tpu.memory_space<hbm>>
        %dma_start3A_185 = tpu.memref_slice %arg4[%add3A_183] : memref<320000xi32, #tpu.memory_space<hbm>> -> memref<80xi32, #tpu.memory_space<hbm>>
        tpu.enqueue_dma source(%dma_start3A_185 : memref<80xi32, #tpu.memory_space<hbm>>) target(%arg10 : memref<80xi32, #tpu.memory_space<vmem>>) target_semaphore(%arg18 : memref<!tpu.dma_semaphore, #tpu.memory_space<semaphore_mem>>)
        %mul3A_186 = arith.constant 80 : i32
        %mul3A_187 = arith.muli %add3A_180, %mul3A_186 : i32
        %add3A_188 = arith.addi %mul3A_2, %mul3A_187 : i32
        %dma_start3A_189 = arith.constant 0 : i32
        %dma_start3A_190 = tpu.memref_slice %arg3[%add3A_188, %dma_start3A_189] : memref<320000x128xf32, #tpu.memory_space<hbm>> -> memref<80x128xf32, #tpu.memory_space<hbm>>
        %dma_start3A_191 = arith.constant 0 : i32
        %dma_start3A_192 = tpu.memref_slice %arg3[%add3A_188, %dma_start3A_191] : memref<320000x128xf32, #tpu.memory_space<hbm>> -> memref<80x128xf32, #tpu.memory_space<hbm>>
        tpu.enqueue_dma source(%dma_start3A_192 : memref<80x128xf32, #tpu.memory_space<hbm>>) target(%arg14 : memref<80x128xf32, #tpu.memory_space<vmem>>) target_semaphore(%arg22 : memref<!tpu.dma_semaphore, #tpu.memory_space<semaphore_mem>>)
        %mul3A_193 = arith.constant 4 : i32
        %mul3A_194 = arith.muli %scan3A_161, %mul3A_193 : i32
        %add3A_195 = arith.constant 1 : i32
        %add3A_196 = arith.addi %mul3A_194, %add3A_195 : i32
        %dma_wait3A_197 = tpu.memref_slice %arg4[%mul3A_2] : memref<320000xi32, #tpu.memory_space<hbm>> -> memref<80xi32, #tpu.memory_space<hbm>>
        %dma_wait3A_198 = tpu.memref_slice %arg4[%mul3A_2] : memref<320000xi32, #tpu.memory_space<hbm>> -> memref<80xi32, #tpu.memory_space<hbm>>
        tpu.wait_dma2 semaphore(%arg17 : memref<!tpu.dma_semaphore, #tpu.memory_space<semaphore_mem>>) src(%dma_wait3A_198 : memref<80xi32, #tpu.memory_space<hbm>>) dst(%arg9 : memref<80xi32, #tpu.memory_space<vmem>>)
        %dma_wait3A_199 = arith.constant 0 : i32
        %dma_wait3A_200 = tpu.memref_slice %arg3[%mul3A_2, %dma_wait3A_199] : memref<320000x128xf32, #tpu.memory_space<hbm>> -> memref<80x128xf32, #tpu.memory_space<hbm>>
        %dma_wait3A_201 = arith.constant 0 : i32
        %dma_wait3A_202 = tpu.memref_slice %arg3[%mul3A_2, %dma_wait3A_201] : memref<320000x128xf32, #tpu.memory_space<hbm>> -> memref<80x128xf32, #tpu.memory_space<hbm>>
        tpu.wait_dma2 semaphore(%arg21 : memref<!tpu.dma_semaphore, #tpu.memory_space<semaphore_mem>>) src(%dma_wait3A_202 : memref<80x128xf32, #tpu.memory_space<hbm>>) dst(%arg13 : memref<80x128xf32, #tpu.memory_space<vmem>>)
        %dma_start3A_203 = arith.constant 0 : i32
        %dma_start3A_204 = arith.constant 0 : i32
        %dma_start3A_205 = tpu.memref_slice %arg28[%dma_start3A_203, %dma_start3A_204] : memref<10112x128xf32, #tpu.memory_space<vmem_shared>> -> memref<10112x128xf32, #tpu.memory_space<vmem_shared>>
        tpu.enqueue_indirect_dma source(%arg13 : memref<80x128xf32, #tpu.memory_space<vmem>>) target(%dma_start3A_205 : memref<10112x128xf32, #tpu.memory_space<vmem_shared>>) offsets(%arg9 : memref<80xi32, #tpu.memory_space<vmem>>) semaphore(%arg25 : memref<!tpu.dma_semaphore, #tpu.memory_space<semaphore_mem>>) {add = true}
        %dma_wait3A_206 = arith.constant 0 : i32
        %dma_wait3A_207 = tpu.memref_slice %arg3[%mul3A_2, %dma_wait3A_206] : memref<320000x128xf32, #tpu.memory_space<hbm>> -> memref<80x128xf32, #tpu.memory_space<hbm>>
        %dma_wait3A_208 = arith.constant 0 : i32
        %dma_wait3A_209 = tpu.memref_slice %arg3[%mul3A_2, %dma_wait3A_208] : memref<320000x128xf32, #tpu.memory_space<hbm>> -> memref<80x128xf32, #tpu.memory_space<hbm>>
        tpu.wait_dma2 semaphore(%arg27 : memref<!tpu.dma_semaphore, #tpu.memory_space<semaphore_mem>>) src(%dma_wait3A_209 : memref<80x128xf32, #tpu.memory_space<hbm>>) dst(%arg15 : memref<80x128xf32, #tpu.memory_space<vmem>>)
        %add3A_210 = arith.constant 2 : i32
        %add3A_211 = arith.addi %add3A_196, %add3A_210 : i32
        %mul3A_212 = arith.constant 80 : i32
        %mul3A_213 = arith.muli %add3A_211, %mul3A_212 : i32
        %add3A_214 = arith.addi %mul3A_2, %mul3A_213 : i32
        %dma_start3A_215 = tpu.memref_slice %arg4[%add3A_214] : memref<320000xi32, #tpu.memory_space<hbm>> -> memref<80xi32, #tpu.memory_space<hbm>>
        %dma_start3A_216 = tpu.memref_slice %arg4[%add3A_214] : memref<320000xi32, #tpu.memory_space<hbm>> -> memref<80xi32, #tpu.memory_space<hbm>>
        tpu.enqueue_dma source(%dma_start3A_216 : memref<80xi32, #tpu.memory_space<hbm>>) target(%arg11 : memref<80xi32, #tpu.memory_space<vmem>>) target_semaphore(%arg19 : memref<!tpu.dma_semaphore, #tpu.memory_space<semaphore_mem>>)
        %mul3A_217 = arith.constant 80 : i32
        %mul3A_218 = arith.muli %add3A_211, %mul3A_217 : i32
        %add3A_219 = arith.addi %mul3A_2, %mul3A_218 : i32
        %dma_start3A_220 = arith.constant 0 : i32
        %dma_start3A_221 = tpu.memref_slice %arg3[%add3A_219, %dma_start3A_220] : memref<320000x128xf32, #tpu.memory_space<hbm>> -> memref<80x128xf32, #tpu.memory_space<hbm>>
        %dma_start3A_222 = arith.constant 0 : i32
        %dma_start3A_223 = tpu.memref_slice %arg3[%add3A_219, %dma_start3A_222] : memref<320000x128xf32, #tpu.memory_space<hbm>> -> memref<80x128xf32, #tpu.memory_space<hbm>>
        tpu.enqueue_dma source(%dma_start3A_223 : memref<80x128xf32, #tpu.memory_space<hbm>>) target(%arg15 : memref<80x128xf32, #tpu.memory_space<vmem>>) target_semaphore(%arg23 : memref<!tpu.dma_semaphore, #tpu.memory_space<semaphore_mem>>)
        %mul3A_224 = arith.constant 4 : i32
        %mul3A_225 = arith.muli %scan3A_161, %mul3A_224 : i32
        %add3A_226 = arith.constant 2 : i32
        %add3A_227 = arith.addi %mul3A_225, %add3A_226 : i32
        %dma_wait3A_228 = tpu.memref_slice %arg4[%mul3A_2] : memref<320000xi32, #tpu.memory_space<hbm>> -> memref<80xi32, #tpu.memory_space<hbm>>
        %dma_wait3A_229 = tpu.memref_slice %arg4[%mul3A_2] : memref<320000xi32, #tpu.memory_space<hbm>> -> memref<80xi32, #tpu.memory_space<hbm>>
        tpu.wait_dma2 semaphore(%arg18 : memref<!tpu.dma_semaphore, #tpu.memory_space<semaphore_mem>>) src(%dma_wait3A_229 : memref<80xi32, #tpu.memory_space<hbm>>) dst(%arg10 : memref<80xi32, #tpu.memory_space<vmem>>)
        %dma_wait3A_230 = arith.constant 0 : i32
        %dma_wait3A_231 = tpu.memref_slice %arg3[%mul3A_2, %dma_wait3A_230] : memref<320000x128xf32, #tpu.memory_space<hbm>> -> memref<80x128xf32, #tpu.memory_space<hbm>>
        %dma_wait3A_232 = arith.constant 0 : i32
        %dma_wait3A_233 = tpu.memref_slice %arg3[%mul3A_2, %dma_wait3A_232] : memref<320000x128xf32, #tpu.memory_space<hbm>> -> memref<80x128xf32, #tpu.memory_space<hbm>>
        tpu.wait_dma2 semaphore(%arg22 : memref<!tpu.dma_semaphore, #tpu.memory_space<semaphore_mem>>) src(%dma_wait3A_233 : memref<80x128xf32, #tpu.memory_space<hbm>>) dst(%arg14 : memref<80x128xf32, #tpu.memory_space<vmem>>)
        %dma_start3A_234 = arith.constant 0 : i32
        %dma_start3A_235 = arith.constant 0 : i32
        %dma_start3A_236 = tpu.memref_slice %arg28[%dma_start3A_234, %dma_start3A_235] : memref<10112x128xf32, #tpu.memory_space<vmem_shared>> -> memref<10112x128xf32, #tpu.memory_space<vmem_shared>>
        tpu.enqueue_indirect_dma source(%arg14 : memref<80x128xf32, #tpu.memory_space<vmem>>) target(%dma_start3A_236 : memref<10112x128xf32, #tpu.memory_space<vmem_shared>>) offsets(%arg10 : memref<80xi32, #tpu.memory_space<vmem>>) semaphore(%arg26 : memref<!tpu.dma_semaphore, #tpu.memory_space<semaphore_mem>>) {add = true}
        %dma_wait3A_237 = arith.constant 0 : i32
        %dma_wait3A_238 = tpu.memref_slice %arg3[%mul3A_2, %dma_wait3A_237] : memref<320000x128xf32, #tpu.memory_space<hbm>> -> memref<80x128xf32, #tpu.memory_space<hbm>>
        %dma_wait3A_239 = arith.constant 0 : i32
        %dma_wait3A_240 = tpu.memref_slice %arg3[%mul3A_2, %dma_wait3A_239] : memref<320000x128xf32, #tpu.memory_space<hbm>> -> memref<80x128xf32, #tpu.memory_space<hbm>>
        tpu.wait_dma2 semaphore(%arg24 : memref<!tpu.dma_semaphore, #tpu.memory_space<semaphore_mem>>) src(%dma_wait3A_240 : memref<80x128xf32, #tpu.memory_space<hbm>>) dst(%arg12 : memref<80x128xf32, #tpu.memory_space<vmem>>)
        %add3A_241 = arith.constant 2 : i32
        %add3A_242 = arith.addi %add3A_227, %add3A_241 : i32
        %mul3A_243 = arith.constant 80 : i32
        %mul3A_244 = arith.muli %add3A_242, %mul3A_243 : i32
        %add3A_245 = arith.addi %mul3A_2, %mul3A_244 : i32
        %dma_start3A_246 = tpu.memref_slice %arg4[%add3A_245] : memref<320000xi32, #tpu.memory_space<hbm>> -> memref<80xi32, #tpu.memory_space<hbm>>
        %dma_start3A_247 = tpu.memref_slice %arg4[%add3A_245] : memref<320000xi32, #tpu.memory_space<hbm>> -> memref<80xi32, #tpu.memory_space<hbm>>
        tpu.enqueue_dma source(%dma_start3A_247 : memref<80xi32, #tpu.memory_space<hbm>>) target(%arg8 : memref<80xi32, #tpu.memory_space<vmem>>) target_semaphore(%arg16 : memref<!tpu.dma_semaphore, #tpu.memory_space<semaphore_mem>>)
        %mul3A_248 = arith.constant 80 : i32
        %mul3A_249 = arith.muli %add3A_242, %mul3A_248 : i32
        %add3A_250 = arith.addi %mul3A_2, %mul3A_249 : i32
        %dma_start3A_251 = arith.constant 0 : i32
        %dma_start3A_252 = tpu.memref_slice %arg3[%add3A_250, %dma_start3A_251] : memref<320000x128xf32, #tpu.memory_space<hbm>> -> memref<80x128xf32, #tpu.memory_space<hbm>>
        %dma_start3A_253 = arith.constant 0 : i32
        %dma_start3A_254 = tpu.memref_slice %arg3[%add3A_250, %dma_start3A_253] : memref<320000x128xf32, #tpu.memory_space<hbm>> -> memref<80x128xf32, #tpu.memory_space<hbm>>
        tpu.enqueue_dma source(%dma_start3A_254 : memref<80x128xf32, #tpu.memory_space<hbm>>) target(%arg12 : memref<80x128xf32, #tpu.memory_space<vmem>>) target_semaphore(%arg20 : memref<!tpu.dma_semaphore, #tpu.memory_space<semaphore_mem>>)
        %mul3A_255 = arith.constant 4 : i32
        %mul3A_256 = arith.muli %scan3A_161, %mul3A_255 : i32
        %add3A_257 = arith.constant 3 : i32
        %add3A_258 = arith.addi %mul3A_256, %add3A_257 : i32
        %dma_wait3A_259 = tpu.memref_slice %arg4[%mul3A_2] : memref<320000xi32, #tpu.memory_space<hbm>> -> memref<80xi32, #tpu.memory_space<hbm>>
        %dma_wait3A_260 = tpu.memref_slice %arg4[%mul3A_2] : memref<320000xi32, #tpu.memory_space<hbm>> -> memref<80xi32, #tpu.memory_space<hbm>>
        tpu.wait_dma2 semaphore(%arg19 : memref<!tpu.dma_semaphore, #tpu.memory_space<semaphore_mem>>) src(%dma_wait3A_260 : memref<80xi32, #tpu.memory_space<hbm>>) dst(%arg11 : memref<80xi32, #tpu.memory_space<vmem>>)
        %dma_wait3A_261 = arith.constant 0 : i32
        %dma_wait3A_262 = tpu.memref_slice %arg3[%mul3A_2, %dma_wait3A_261] : memref<320000x128xf32, #tpu.memory_space<hbm>> -> memref<80x128xf32, #tpu.memory_space<hbm>>
        %dma_wait3A_263 = arith.constant 0 : i32
        %dma_wait3A_264 = tpu.memref_slice %arg3[%mul3A_2, %dma_wait3A_263] : memref<320000x128xf32, #tpu.memory_space<hbm>> -> memref<80x128xf32, #tpu.memory_space<hbm>>
        tpu.wait_dma2 semaphore(%arg23 : memref<!tpu.dma_semaphore, #tpu.memory_space<semaphore_mem>>) src(%dma_wait3A_264 : memref<80x128xf32, #tpu.memory_space<hbm>>) dst(%arg15 : memref<80x128xf32, #tpu.memory_space<vmem>>)
        %dma_start3A_265 = arith.constant 0 : i32
        %dma_start3A_266 = arith.constant 0 : i32
        %dma_start3A_267 = tpu.memref_slice %arg28[%dma_start3A_265, %dma_start3A_266] : memref<10112x128xf32, #tpu.memory_space<vmem_shared>> -> memref<10112x128xf32, #tpu.memory_space<vmem_shared>>
        tpu.enqueue_indirect_dma source(%arg15 : memref<80x128xf32, #tpu.memory_space<vmem>>) target(%dma_start3A_267 : memref<10112x128xf32, #tpu.memory_space<vmem_shared>>) offsets(%arg11 : memref<80xi32, #tpu.memory_space<vmem>>) semaphore(%arg27 : memref<!tpu.dma_semaphore, #tpu.memory_space<semaphore_mem>>) {add = true}
        %dma_wait3A_268 = arith.constant 0 : i32
        %dma_wait3A_269 = tpu.memref_slice %arg3[%mul3A_2, %dma_wait3A_268] : memref<320000x128xf32, #tpu.memory_space<hbm>> -> memref<80x128xf32, #tpu.memory_space<hbm>>
        %dma_wait3A_270 = arith.constant 0 : i32
        %dma_wait3A_271 = tpu.memref_slice %arg3[%mul3A_2, %dma_wait3A_270] : memref<320000x128xf32, #tpu.memory_space<hbm>> -> memref<80x128xf32, #tpu.memory_space<hbm>>
        tpu.wait_dma2 semaphore(%arg25 : memref<!tpu.dma_semaphore, #tpu.memory_space<semaphore_mem>>) src(%dma_wait3A_271 : memref<80x128xf32, #tpu.memory_space<hbm>>) dst(%arg13 : memref<80x128xf32, #tpu.memory_space<vmem>>)
        %add3A_272 = arith.constant 2 : i32
        %add3A_273 = arith.addi %add3A_258, %add3A_272 : i32
        %mul3A_274 = arith.constant 80 : i32
        %mul3A_275 = arith.muli %add3A_273, %mul3A_274 : i32
        %add3A_276 = arith.addi %mul3A_2, %mul3A_275 : i32
        %dma_start3A_277 = tpu.memref_slice %arg4[%add3A_276] : memref<320000xi32, #tpu.memory_space<hbm>> -> memref<80xi32, #tpu.memory_space<hbm>>
        %dma_start3A_278 = tpu.memref_slice %arg4[%add3A_276] : memref<320000xi32, #tpu.memory_space<hbm>> -> memref<80xi32, #tpu.memory_space<hbm>>
        tpu.enqueue_dma source(%dma_start3A_278 : memref<80xi32, #tpu.memory_space<hbm>>) target(%arg9 : memref<80xi32, #tpu.memory_space<vmem>>) target_semaphore(%arg17 : memref<!tpu.dma_semaphore, #tpu.memory_space<semaphore_mem>>)
        %mul3A_279 = arith.constant 80 : i32
        %mul3A_280 = arith.muli %add3A_273, %mul3A_279 : i32
        %add3A_281 = arith.addi %mul3A_2, %mul3A_280 : i32
        %dma_start3A_282 = arith.constant 0 : i32
        %dma_start3A_283 = tpu.memref_slice %arg3[%add3A_281, %dma_start3A_282] : memref<320000x128xf32, #tpu.memory_space<hbm>> -> memref<80x128xf32, #tpu.memory_space<hbm>>
        %dma_start3A_284 = arith.constant 0 : i32
        %dma_start3A_285 = tpu.memref_slice %arg3[%add3A_281, %dma_start3A_284] : memref<320000x128xf32, #tpu.memory_space<hbm>> -> memref<80x128xf32, #tpu.memory_space<hbm>>
        tpu.enqueue_dma source(%dma_start3A_285 : memref<80x128xf32, #tpu.memory_space<hbm>>) target(%arg13 : memref<80x128xf32, #tpu.memory_space<vmem>>) target_semaphore(%arg21 : memref<!tpu.dma_semaphore, #tpu.memory_space<semaphore_mem>>)
      }
      %scan3A_126 = arith.constant 61 : i32
      %dma_wait3A_127 = tpu.memref_slice %arg4[%mul3A_2] : memref<320000xi32, #tpu.memory_space<hbm>> -> memref<80xi32, #tpu.memory_space<hbm>>
      %dma_wait3A_128 = tpu.memref_slice %arg4[%mul3A_2] : memref<320000xi32, #tpu.memory_space<hbm>> -> memref<80xi32, #tpu.memory_space<hbm>>
      tpu.wait_dma2 semaphore(%arg16 : memref<!tpu.dma_semaphore, #tpu.memory_space<semaphore_mem>>) src(%dma_wait3A_128 : memref<80xi32, #tpu.memory_space<hbm>>) dst(%arg8 : memref<80xi32, #tpu.memory_space<vmem>>)
      %dma_wait3A_129 = arith.constant 0 : i32
      %dma_wait3A_130 = tpu.memref_slice %arg3[%mul3A_2, %dma_wait3A_129] : memref<320000x128xf32, #tpu.memory_space<hbm>> -> memref<80x128xf32, #tpu.memory_space<hbm>>
      %dma_wait3A_131 = arith.constant 0 : i32
      %dma_wait3A_132 = tpu.memref_slice %arg3[%mul3A_2, %dma_wait3A_131] : memref<320000x128xf32, #tpu.memory_space<hbm>> -> memref<80x128xf32, #tpu.memory_space<hbm>>
      tpu.wait_dma2 semaphore(%arg20 : memref<!tpu.dma_semaphore, #tpu.memory_space<semaphore_mem>>) src(%dma_wait3A_132 : memref<80x128xf32, #tpu.memory_space<hbm>>) dst(%arg12 : memref<80x128xf32, #tpu.memory_space<vmem>>)
      %dma_start3A_133 = arith.constant 0 : i32
      %dma_start3A_134 = arith.constant 0 : i32
      %dma_start3A_135 = tpu.memref_slice %arg28[%dma_start3A_133, %dma_start3A_134] : memref<10112x128xf32, #tpu.memory_space<vmem_shared>> -> memref<10112x128xf32, #tpu.memory_space<vmem_shared>>
      tpu.enqueue_indirect_dma source(%arg12 : memref<80x128xf32, #tpu.memory_space<vmem>>) target(%dma_start3A_135 : memref<10112x128xf32, #tpu.memory_space<vmem_shared>>) offsets(%arg8 : memref<80xi32, #tpu.memory_space<vmem>>) semaphore(%arg24 : memref<!tpu.dma_semaphore, #tpu.memory_space<semaphore_mem>>) {add = true}
      %dma_wait3A_136 = tpu.memref_slice %arg4[%mul3A_2] : memref<320000xi32, #tpu.memory_space<hbm>> -> memref<80xi32, #tpu.memory_space<hbm>>
      %dma_wait3A_137 = tpu.memref_slice %arg4[%mul3A_2] : memref<320000xi32, #tpu.memory_space<hbm>> -> memref<80xi32, #tpu.memory_space<hbm>>
      tpu.wait_dma2 semaphore(%arg17 : memref<!tpu.dma_semaphore, #tpu.memory_space<semaphore_mem>>) src(%dma_wait3A_137 : memref<80xi32, #tpu.memory_space<hbm>>) dst(%arg9 : memref<80xi32, #tpu.memory_space<vmem>>)
      %dma_wait3A_138 = arith.constant 0 : i32
      %dma_wait3A_139 = tpu.memref_slice %arg3[%mul3A_2, %dma_wait3A_138] : memref<320000x128xf32, #tpu.memory_space<hbm>> -> memref<80x128xf32, #tpu.memory_space<hbm>>
      %dma_wait3A_140 = arith.constant 0 : i32
      %dma_wait3A_141 = tpu.memref_slice %arg3[%mul3A_2, %dma_wait3A_140] : memref<320000x128xf32, #tpu.memory_space<hbm>> -> memref<80x128xf32, #tpu.memory_space<hbm>>
      tpu.wait_dma2 semaphore(%arg21 : memref<!tpu.dma_semaphore, #tpu.memory_space<semaphore_mem>>) src(%dma_wait3A_141 : memref<80x128xf32, #tpu.memory_space<hbm>>) dst(%arg13 : memref<80x128xf32, #tpu.memory_space<vmem>>)
      %dma_start3A_142 = arith.constant 0 : i32
      %dma_start3A_143 = arith.constant 0 : i32
      %dma_start3A_144 = tpu.memref_slice %arg28[%dma_start3A_142, %dma_start3A_143] : memref<10112x128xf32, #tpu.memory_space<vmem_shared>> -> memref<10112x128xf32, #tpu.memory_space<vmem_shared>>
      tpu.enqueue_indirect_dma source(%arg13 : memref<80x128xf32, #tpu.memory_space<vmem>>) target(%dma_start3A_144 : memref<10112x128xf32, #tpu.memory_space<vmem_shared>>) offsets(%arg9 : memref<80xi32, #tpu.memory_space<vmem>>) semaphore(%arg25 : memref<!tpu.dma_semaphore, #tpu.memory_space<semaphore_mem>>) {add = true}
      %dma_wait3A_145 = arith.constant 0 : i32
      %dma_wait3A_146 = tpu.memref_slice %arg3[%mul3A_2, %dma_wait3A_145] : memref<320000x128xf32, #tpu.memory_space<hbm>> -> memref<80x128xf32, #tpu.memory_space<hbm>>
      %dma_wait3A_147 = arith.constant 0 : i32
      %dma_wait3A_148 = tpu.memref_slice %arg3[%mul3A_2, %dma_wait3A_147] : memref<320000x128xf32, #tpu.memory_space<hbm>> -> memref<80x128xf32, #tpu.memory_space<hbm>>
      tpu.wait_dma2 semaphore(%arg24 : memref<!tpu.dma_semaphore, #tpu.memory_space<semaphore_mem>>) src(%dma_wait3A_148 : memref<80x128xf32, #tpu.memory_space<hbm>>) dst(%arg12 : memref<80x128xf32, #tpu.memory_space<vmem>>)
      %dma_wait3A_149 = arith.constant 0 : i32
      %dma_wait3A_150 = tpu.memref_slice %arg3[%mul3A_2, %dma_wait3A_149] : memref<320000x128xf32, #tpu.memory_space<hbm>> -> memref<80x128xf32, #tpu.memory_space<hbm>>
      %dma_wait3A_151 = arith.constant 0 : i32
      %dma_wait3A_152 = tpu.memref_slice %arg3[%mul3A_2, %dma_wait3A_151] : memref<320000x128xf32, #tpu.memory_space<hbm>> -> memref<80x128xf32, #tpu.memory_space<hbm>>
      tpu.wait_dma2 semaphore(%arg25 : memref<!tpu.dma_semaphore, #tpu.memory_space<semaphore_mem>>) src(%dma_wait3A_152 : memref<80x128xf32, #tpu.memory_space<hbm>>) dst(%arg13 : memref<80x128xf32, #tpu.memory_space<vmem>>)
      %dma_wait3A_153 = arith.constant 0 : i32
      %dma_wait3A_154 = tpu.memref_slice %arg3[%mul3A_2, %dma_wait3A_153] : memref<320000x128xf32, #tpu.memory_space<hbm>> -> memref<80x128xf32, #tpu.memory_space<hbm>>
      %dma_wait3A_155 = arith.constant 0 : i32
      %dma_wait3A_156 = tpu.memref_slice %arg3[%mul3A_2, %dma_wait3A_155] : memref<320000x128xf32, #tpu.memory_space<hbm>> -> memref<80x128xf32, #tpu.memory_space<hbm>>
      tpu.wait_dma2 semaphore(%arg26 : memref<!tpu.dma_semaphore, #tpu.memory_space<semaphore_mem>>) src(%dma_wait3A_156 : memref<80x128xf32, #tpu.memory_space<hbm>>) dst(%arg14 : memref<80x128xf32, #tpu.memory_space<vmem>>)
      %dma_wait3A_157 = arith.constant 0 : i32
      %dma_wait3A_158 = tpu.memref_slice %arg3[%mul3A_2, %dma_wait3A_157] : memref<320000x128xf32, #tpu.memory_space<hbm>> -> memref<80x128xf32, #tpu.memory_space<hbm>>
      %dma_wait3A_159 = arith.constant 0 : i32
      %dma_wait3A_160 = tpu.memref_slice %arg3[%mul3A_2, %dma_wait3A_159] : memref<320000x128xf32, #tpu.memory_space<hbm>> -> memref<80x128xf32, #tpu.memory_space<hbm>>
      tpu.wait_dma2 semaphore(%arg27 : memref<!tpu.dma_semaphore, #tpu.memory_space<semaphore_mem>>) src(%dma_wait3A_160 : memref<80x128xf32, #tpu.memory_space<hbm>>) dst(%arg15 : memref<80x128xf32, #tpu.memory_space<vmem>>)
    } else {
    }
    %barrier3A_10 = arith.constant 0 : index
    tpu.barrier barrier_id(%barrier3A_10)
    %eq3A_11 = arith.constant 0 : i32
    %eq3A_12 = arith.cmpi eq, %arg0, %eq3A_11 : i32
    %convert_element_type3A_13 = arith.extui %eq3A_12 : i1 to i32
    %cond3A_14 = arith.constant 0 : i32
    %cond3A_15 = arith.cmpi ne, %convert_element_type3A_13, %cond3A_14 : i32
    scf.if %cond3A_15 {
      "tpu.region"() ({
        %run_scoped3A = tpu.sem_alloc : memref<!tpu.dma_semaphore, #tpu.memory_space<semaphore_mem>>
        %dma_start3A = arith.constant 0 : i32
        %dma_start3A_21 = tpu.memref_slice %arg6[%mul3A_0, %dma_start3A] : memref<10112x128xf32, #tpu.memory_space<hbm>> -> memref<632x128xf32, #tpu.memory_space<hbm>>
        %dma_start3A_22 = arith.constant 0 : i32
        %dma_start3A_23 = tpu.memref_slice %arg28[%mul3A_0, %dma_start3A_22] : memref<10112x128xf32, #tpu.memory_space<vmem_shared>> -> memref<632x128xf32, #tpu.memory_space<vmem_shared>>
        tpu.enqueue_dma source(%dma_start3A_23 : memref<632x128xf32, #tpu.memory_space<vmem_shared>>) target(%dma_start3A_21 : memref<632x128xf32, #tpu.memory_space<hbm>>) target_semaphore(%run_scoped3A : memref<!tpu.dma_semaphore, #tpu.memory_space<semaphore_mem>>)
        %dma_wait3A = arith.constant 0 : i32
        %dma_wait3A_24 = tpu.memref_slice %arg6[%mul3A_0, %dma_wait3A] : memref<10112x128xf32, #tpu.memory_space<hbm>> -> memref<632x128xf32, #tpu.memory_space<hbm>>
        %dma_wait3A_25 = arith.constant 0 : i32
        %dma_wait3A_26 = tpu.memref_slice %arg28[%mul3A_0, %dma_wait3A_25] : memref<10112x128xf32, #tpu.memory_space<vmem_shared>> -> memref<632x128xf32, #tpu.memory_space<vmem_shared>>
        tpu.wait_dma2 semaphore(%run_scoped3A : memref<!tpu.dma_semaphore, #tpu.memory_space<semaphore_mem>>) src(%dma_wait3A_26 : memref<632x128xf32, #tpu.memory_space<vmem_shared>>) dst(%dma_wait3A_24 : memref<632x128xf32, #tpu.memory_space<hbm>>)
        tpu.yield
      }) : () -> ()
    } else {
    }
    %eq3A_16 = arith.constant 1 : i32
    %eq3A_17 = arith.cmpi eq, %arg0, %eq3A_16 : i32
    %convert_element_type3A_18 = arith.extui %eq3A_17 : i1 to i32
    %cond3A_19 = arith.constant 0 : i32
    %cond3A_20 = arith.cmpi ne, %convert_element_type3A_18, %cond3A_19 : i32
    scf.if %cond3A_20 {
      "tpu.region"() ({
        %run_scoped3A = tpu.sem_alloc : memref<!tpu.dma_semaphore, #tpu.memory_space<semaphore_mem>>
        %dma_start3A = arith.constant 0 : i32
        %dma_start3A_21 = tpu.memref_slice %arg7[%mul3A_0, %dma_start3A] : memref<10112x128xf32, #tpu.memory_space<hbm>> -> memref<632x128xf32, #tpu.memory_space<hbm>>
        %dma_start3A_22 = arith.constant 0 : i32
        %dma_start3A_23 = tpu.memref_slice %arg28[%mul3A_0, %dma_start3A_22] : memref<10112x128xf32, #tpu.memory_space<vmem_shared>> -> memref<632x128xf32, #tpu.memory_space<vmem_shared>>
        tpu.enqueue_dma source(%dma_start3A_23 : memref<632x128xf32, #tpu.memory_space<vmem_shared>>) target(%dma_start3A_21 : memref<632x128xf32, #tpu.memory_space<hbm>>) target_semaphore(%run_scoped3A : memref<!tpu.dma_semaphore, #tpu.memory_space<semaphore_mem>>)
        %dma_wait3A = arith.constant 0 : i32
        %dma_wait3A_24 = tpu.memref_slice %arg7[%mul3A_0, %dma_wait3A] : memref<10112x128xf32, #tpu.memory_space<hbm>> -> memref<632x128xf32, #tpu.memory_space<hbm>>
        %dma_wait3A_25 = arith.constant 0 : i32
        %dma_wait3A_26 = tpu.memref_slice %arg28[%mul3A_0, %dma_wait3A_25] : memref<10112x128xf32, #tpu.memory_space<vmem_shared>> -> memref<632x128xf32, #tpu.memory_space<vmem_shared>>
        tpu.wait_dma2 semaphore(%run_scoped3A : memref<!tpu.dma_semaphore, #tpu.memory_space<semaphore_mem>>) src(%dma_wait3A_26 : memref<632x128xf32, #tpu.memory_space<vmem_shared>>) dst(%dma_wait3A_24 : memref<632x128xf32, #tpu.memory_space<hbm>>)
        tpu.yield
      }) : () -> ()
    } else {
    }
    return
  }
}

#map = affine_map<(d0, d1) -> (0, 0)>
#map1 = affine_map<(d0, d1) -> (0)>
module attributes {stable_mosaic.version = 14 : i64} {
  func.func @gk(%arg0: i32, %arg1: i32, %arg2: memref<330240x128xf32, #tpu.memory_space<hbm>>, %arg3: memref<327680xi32, #tpu.memory_space<hbm>>, %arg4: memref<327680x128xf32, #tpu.memory_space<hbm>>, %arg5: memref<10240xi32, #tpu.memory_space<vmem>>, %arg6: memref<128x128xf32, #tpu.memory_space<vmem>>, %arg7: memref<128x128xf32, #tpu.memory_space<vmem>>, %arg8: memref<!tpu.dma_semaphore, #tpu.memory_space<semaphore_mem>>, %arg9: memref<!tpu.dma_semaphore, #tpu.memory_space<semaphore_mem>>, %arg10: memref<!tpu.dma_semaphore, #tpu.memory_space<semaphore_mem>>, %arg11: memref<!tpu.dma_semaphore, #tpu.memory_space<semaphore_mem>>, %arg12: memref<10240x128xf32, #tpu.memory_space<vmem_shared>>) attributes {dimension_semantics = [#tpu.dimension_semantics<core_parallel>, #tpu.dimension_semantics<subcore_parallel>], iteration_bounds = array<i64: 2, 16>, scalar_prefetch = 0 : i64, scratch_operands = 8 : i64, tpu.core_type = #tpu.core_type<sc_vector_subcore>, window_params = [{transform_indices = #map}, {transform_indices = #map1}, {transform_indices = #map}]} {
    %mul3A = arith.constant 2 : i32
    %mul3A_0 = arith.muli %arg1, %mul3A : i32
    %add3A = arith.addi %mul3A_0, %arg0 : i32
    %mul3A_1 = arith.constant 10240 : i32
    %mul3A_2 = arith.muli %add3A, %mul3A_1 : i32
    %mul3A_3 = arith.constant 640 : i32
    %mul3A_4 = arith.muli %arg1, %mul3A_3 : i32
    "tpu.region"() ({
      %run_scoped3A = tpu.sem_alloc : memref<!tpu.dma_semaphore, #tpu.memory_space<semaphore_mem>>
      %dma_start3A_19 = arith.constant 0 : i32
      %dma_start3A_20 = tpu.memref_slice %arg12[%mul3A_4, %dma_start3A_19] : memref<10240x128xf32, #tpu.memory_space<vmem_shared>> -> memref<640x128xf32, #tpu.memory_space<vmem_shared>>
      %dma_start3A_21 = arith.constant 0 : i32
      %dma_start3A_22 = tpu.memref_slice %arg2[%mul3A_4, %dma_start3A_21] : memref<330240x128xf32, #tpu.memory_space<hbm>> -> memref<640x128xf32, #tpu.memory_space<hbm>>
      tpu.enqueue_dma source(%dma_start3A_22 : memref<640x128xf32, #tpu.memory_space<hbm>>) target(%dma_start3A_20 : memref<640x128xf32, #tpu.memory_space<vmem_shared>>) target_semaphore(%run_scoped3A : memref<!tpu.dma_semaphore, #tpu.memory_space<semaphore_mem>>)
      %dma_wait3A = arith.constant 0 : i32
      %dma_wait3A_23 = tpu.memref_slice %arg12[%mul3A_4, %dma_wait3A] : memref<10240x128xf32, #tpu.memory_space<vmem_shared>> -> memref<640x128xf32, #tpu.memory_space<vmem_shared>>
      %dma_wait3A_24 = arith.constant 0 : i32
      %dma_wait3A_25 = tpu.memref_slice %arg2[%mul3A_4, %dma_wait3A_24] : memref<330240x128xf32, #tpu.memory_space<hbm>> -> memref<640x128xf32, #tpu.memory_space<hbm>>
      tpu.wait_dma2 semaphore(%run_scoped3A : memref<!tpu.dma_semaphore, #tpu.memory_space<semaphore_mem>>) src(%dma_wait3A_25 : memref<640x128xf32, #tpu.memory_space<hbm>>) dst(%dma_wait3A_23 : memref<640x128xf32, #tpu.memory_space<vmem_shared>>)
      tpu.yield
    }) : () -> ()
    "tpu.region"() ({
      %run_scoped3A = tpu.sem_alloc : memref<!tpu.dma_semaphore, #tpu.memory_space<semaphore_mem>>
      %dma_start3A_19 = tpu.memref_slice %arg3[%mul3A_2] : memref<327680xi32, #tpu.memory_space<hbm>> -> memref<10240xi32, #tpu.memory_space<hbm>>
      %dma_start3A_20 = tpu.memref_slice %arg3[%mul3A_2] : memref<327680xi32, #tpu.memory_space<hbm>> -> memref<10240xi32, #tpu.memory_space<hbm>>
      tpu.enqueue_dma source(%dma_start3A_20 : memref<10240xi32, #tpu.memory_space<hbm>>) target(%arg5 : memref<10240xi32, #tpu.memory_space<vmem>>) target_semaphore(%run_scoped3A : memref<!tpu.dma_semaphore, #tpu.memory_space<semaphore_mem>>)
      %dma_wait3A = tpu.memref_slice %arg3[%mul3A_2] : memref<327680xi32, #tpu.memory_space<hbm>> -> memref<10240xi32, #tpu.memory_space<hbm>>
      %dma_wait3A_21 = tpu.memref_slice %arg3[%mul3A_2] : memref<327680xi32, #tpu.memory_space<hbm>> -> memref<10240xi32, #tpu.memory_space<hbm>>
      tpu.wait_dma2 semaphore(%run_scoped3A : memref<!tpu.dma_semaphore, #tpu.memory_space<semaphore_mem>>) src(%dma_wait3A_21 : memref<10240xi32, #tpu.memory_space<hbm>>) dst(%arg5 : memref<10240xi32, #tpu.memory_space<vmem>>)
      tpu.yield
    }) : () -> ()
    %barrier3A = arith.constant 0 : index
    tpu.barrier barrier_id(%barrier3A)
    %dma_start3A = arith.constant 0 : i32
    %dma_start3A_5 = tpu.memref_slice %arg5[%dma_start3A] : memref<10240xi32, #tpu.memory_space<vmem>> -> memref<128xi32, #tpu.memory_space<vmem>>
    %dma_start3A_6 = arith.constant 0 : i32
    %dma_start3A_7 = arith.constant 0 : i32
    %dma_start3A_8 = tpu.memref_slice %arg12[%dma_start3A_6, %dma_start3A_7] : memref<10240x128xf32, #tpu.memory_space<vmem_shared>> -> memref<10240x128xf32, #tpu.memory_space<vmem_shared>>
    tpu.enqueue_indirect_dma source(%dma_start3A_8 : memref<10240x128xf32, #tpu.memory_space<vmem_shared>>) target(%arg6 : memref<128x128xf32, #tpu.memory_space<vmem>>) offsets(%dma_start3A_5 : memref<128xi32, #tpu.memory_space<vmem>>) semaphore(%arg8 : memref<!tpu.dma_semaphore, #tpu.memory_space<semaphore_mem>>)
    %dma_start3A_9 = arith.constant 128 : i32
    %dma_start3A_10 = tpu.memref_slice %arg5[%dma_start3A_9] : memref<10240xi32, #tpu.memory_space<vmem>> -> memref<128xi32, #tpu.memory_space<vmem>>
    %dma_start3A_11 = arith.constant 0 : i32
    %dma_start3A_12 = arith.constant 0 : i32
    %dma_start3A_13 = tpu.memref_slice %arg12[%dma_start3A_11, %dma_start3A_12] : memref<10240x128xf32, #tpu.memory_space<vmem_shared>> -> memref<10240x128xf32, #tpu.memory_space<vmem_shared>>
    tpu.enqueue_indirect_dma source(%dma_start3A_13 : memref<10240x128xf32, #tpu.memory_space<vmem_shared>>) target(%arg7 : memref<128x128xf32, #tpu.memory_space<vmem>>) offsets(%dma_start3A_10 : memref<128xi32, #tpu.memory_space<vmem>>) semaphore(%arg9 : memref<!tpu.dma_semaphore, #tpu.memory_space<semaphore_mem>>)
    %scan3A = arith.constant 0 : i32
    %scan3A_14 = arith.constant 0 : i32
    %scan3A_15 = arith.constant 40 : i32
    %scan3A_16 = arith.addi %scan3A_14, %scan3A_15 : i32
    %scan3A_17 = arith.constant 1 : i32
    scf.for %scan3A_19 = %scan3A_14 to %scan3A_16 step %scan3A_17  : i32 {
      %mul3A_20 = arith.constant 2 : i32
      %mul3A_21 = arith.muli %scan3A_19, %mul3A_20 : i32
      %add3A_22 = arith.constant 0 : i32
      %add3A_23 = arith.addi %mul3A_21, %add3A_22 : i32
      %mul3A_24 = arith.constant 128 : i32
      %mul3A_25 = arith.muli %add3A_23, %mul3A_24 : i32
      %add3A_26 = arith.addi %mul3A_2, %mul3A_25 : i32
      %dma_wait3A = arith.constant 0 : i32
      %dma_wait3A_27 = tpu.memref_slice %arg4[%add3A_26, %dma_wait3A] : memref<327680x128xf32, #tpu.memory_space<hbm>> -> memref<128x128xf32, #tpu.memory_space<hbm>>
      %dma_wait3A_28 = arith.constant 0 : i32
      %dma_wait3A_29 = tpu.memref_slice %arg4[%add3A_26, %dma_wait3A_28] : memref<327680x128xf32, #tpu.memory_space<hbm>> -> memref<128x128xf32, #tpu.memory_space<hbm>>
      tpu.wait_dma2 semaphore(%arg8 : memref<!tpu.dma_semaphore, #tpu.memory_space<semaphore_mem>>) src(%arg6 : memref<128x128xf32, #tpu.memory_space<vmem>>) dst(%dma_wait3A_29 : memref<128x128xf32, #tpu.memory_space<hbm>>)
      %dma_start3A_30 = arith.constant 0 : i32
      %dma_start3A_31 = tpu.memref_slice %arg4[%add3A_26, %dma_start3A_30] : memref<327680x128xf32, #tpu.memory_space<hbm>> -> memref<128x128xf32, #tpu.memory_space<hbm>>
      %dma_start3A_32 = arith.constant 0 : i32
      %dma_start3A_33 = tpu.memref_slice %arg4[%add3A_26, %dma_start3A_32] : memref<327680x128xf32, #tpu.memory_space<hbm>> -> memref<128x128xf32, #tpu.memory_space<hbm>>
      tpu.enqueue_dma source(%arg6 : memref<128x128xf32, #tpu.memory_space<vmem>>) target(%dma_start3A_33 : memref<128x128xf32, #tpu.memory_space<hbm>>) target_semaphore(%arg10 : memref<!tpu.dma_semaphore, #tpu.memory_space<semaphore_mem>>)
      %dma_wait3A_34 = arith.constant 0 : i32
      %dma_wait3A_35 = tpu.memref_slice %arg4[%add3A_26, %dma_wait3A_34] : memref<327680x128xf32, #tpu.memory_space<hbm>> -> memref<128x128xf32, #tpu.memory_space<hbm>>
      %dma_wait3A_36 = arith.constant 0 : i32
      %dma_wait3A_37 = tpu.memref_slice %arg4[%add3A_26, %dma_wait3A_36] : memref<327680x128xf32, #tpu.memory_space<hbm>> -> memref<128x128xf32, #tpu.memory_space<hbm>>
      tpu.wait_dma2 semaphore(%arg10 : memref<!tpu.dma_semaphore, #tpu.memory_space<semaphore_mem>>) src(%arg6 : memref<128x128xf32, #tpu.memory_space<vmem>>) dst(%dma_wait3A_37 : memref<128x128xf32, #tpu.memory_space<hbm>>)
      %add3A_38 = arith.constant 2 : i32
      %add3A_39 = arith.addi %add3A_23, %add3A_38 : i32
      %lt3A = arith.constant 80 : i32
      %lt3A_40 = arith.cmpi slt, %add3A_39, %lt3A : i32
      %convert_element_type3A = arith.extui %lt3A_40 : i1 to i32
      %cond3A = arith.constant 0 : i32
      %cond3A_41 = arith.cmpi ne, %convert_element_type3A, %cond3A : i32
      scf.if %cond3A_41 {
        %add3A_68 = arith.constant 2 : i32
        %add3A_69 = arith.addi %add3A_23, %add3A_68 : i32
        %mul3A_70 = arith.constant 128 : i32
        %mul3A_71 = arith.muli %add3A_69, %mul3A_70 : i32
        %dma_start3A_72 = tpu.memref_slice %arg5[%mul3A_71] : memref<10240xi32, #tpu.memory_space<vmem>> -> memref<128xi32, #tpu.memory_space<vmem>>
        %dma_start3A_73 = arith.constant 0 : i32
        %dma_start3A_74 = arith.constant 0 : i32
        %dma_start3A_75 = tpu.memref_slice %arg12[%dma_start3A_73, %dma_start3A_74] : memref<10240x128xf32, #tpu.memory_space<vmem_shared>> -> memref<10240x128xf32, #tpu.memory_space<vmem_shared>>
        tpu.enqueue_indirect_dma source(%dma_start3A_75 : memref<10240x128xf32, #tpu.memory_space<vmem_shared>>) target(%arg6 : memref<128x128xf32, #tpu.memory_space<vmem>>) offsets(%dma_start3A_72 : memref<128xi32, #tpu.memory_space<vmem>>) semaphore(%arg8 : memref<!tpu.dma_semaphore, #tpu.memory_space<semaphore_mem>>)
      } else {
      }
      %mul3A_42 = arith.constant 2 : i32
      %mul3A_43 = arith.muli %scan3A_19, %mul3A_42 : i32
      %add3A_44 = arith.constant 1 : i32
      %add3A_45 = arith.addi %mul3A_43, %add3A_44 : i32
      %mul3A_46 = arith.constant 128 : i32
      %mul3A_47 = arith.muli %add3A_45, %mul3A_46 : i32
      %add3A_48 = arith.addi %mul3A_2, %mul3A_47 : i32
      %dma_wait3A_49 = arith.constant 0 : i32
      %dma_wait3A_50 = tpu.memref_slice %arg4[%add3A_48, %dma_wait3A_49] : memref<327680x128xf32, #tpu.memory_space<hbm>> -> memref<128x128xf32, #tpu.memory_space<hbm>>
      %dma_wait3A_51 = arith.constant 0 : i32
      %dma_wait3A_52 = tpu.memref_slice %arg4[%add3A_48, %dma_wait3A_51] : memref<327680x128xf32, #tpu.memory_space<hbm>> -> memref<128x128xf32, #tpu.memory_space<hbm>>
      tpu.wait_dma2 semaphore(%arg9 : memref<!tpu.dma_semaphore, #tpu.memory_space<semaphore_mem>>) src(%arg7 : memref<128x128xf32, #tpu.memory_space<vmem>>) dst(%dma_wait3A_52 : memref<128x128xf32, #tpu.memory_space<hbm>>)
      %dma_start3A_53 = arith.constant 0 : i32
      %dma_start3A_54 = tpu.memref_slice %arg4[%add3A_48, %dma_start3A_53] : memref<327680x128xf32, #tpu.memory_space<hbm>> -> memref<128x128xf32, #tpu.memory_space<hbm>>
      %dma_start3A_55 = arith.constant 0 : i32
      %dma_start3A_56 = tpu.memref_slice %arg4[%add3A_48, %dma_start3A_55] : memref<327680x128xf32, #tpu.memory_space<hbm>> -> memref<128x128xf32, #tpu.memory_space<hbm>>
      tpu.enqueue_dma source(%arg7 : memref<128x128xf32, #tpu.memory_space<vmem>>) target(%dma_start3A_56 : memref<128x128xf32, #tpu.memory_space<hbm>>) target_semaphore(%arg11 : memref<!tpu.dma_semaphore, #tpu.memory_space<semaphore_mem>>)
      %dma_wait3A_57 = arith.constant 0 : i32
      %dma_wait3A_58 = tpu.memref_slice %arg4[%add3A_48, %dma_wait3A_57] : memref<327680x128xf32, #tpu.memory_space<hbm>> -> memref<128x128xf32, #tpu.memory_space<hbm>>
      %dma_wait3A_59 = arith.constant 0 : i32
      %dma_wait3A_60 = tpu.memref_slice %arg4[%add3A_48, %dma_wait3A_59] : memref<327680x128xf32, #tpu.memory_space<hbm>> -> memref<128x128xf32, #tpu.memory_space<hbm>>
      tpu.wait_dma2 semaphore(%arg11 : memref<!tpu.dma_semaphore, #tpu.memory_space<semaphore_mem>>) src(%arg7 : memref<128x128xf32, #tpu.memory_space<vmem>>) dst(%dma_wait3A_60 : memref<128x128xf32, #tpu.memory_space<hbm>>)
      %add3A_61 = arith.constant 2 : i32
      %add3A_62 = arith.addi %add3A_45, %add3A_61 : i32
      %lt3A_63 = arith.constant 80 : i32
      %lt3A_64 = arith.cmpi slt, %add3A_62, %lt3A_63 : i32
      %convert_element_type3A_65 = arith.extui %lt3A_64 : i1 to i32
      %cond3A_66 = arith.constant 0 : i32
      %cond3A_67 = arith.cmpi ne, %convert_element_type3A_65, %cond3A_66 : i32
      scf.if %cond3A_67 {
        %add3A_68 = arith.constant 2 : i32
        %add3A_69 = arith.addi %add3A_45, %add3A_68 : i32
        %mul3A_70 = arith.constant 128 : i32
        %mul3A_71 = arith.muli %add3A_69, %mul3A_70 : i32
        %dma_start3A_72 = tpu.memref_slice %arg5[%mul3A_71] : memref<10240xi32, #tpu.memory_space<vmem>> -> memref<128xi32, #tpu.memory_space<vmem>>
        %dma_start3A_73 = arith.constant 0 : i32
        %dma_start3A_74 = arith.constant 0 : i32
        %dma_start3A_75 = tpu.memref_slice %arg12[%dma_start3A_73, %dma_start3A_74] : memref<10240x128xf32, #tpu.memory_space<vmem_shared>> -> memref<10240x128xf32, #tpu.memory_space<vmem_shared>>
        tpu.enqueue_indirect_dma source(%dma_start3A_75 : memref<10240x128xf32, #tpu.memory_space<vmem_shared>>) target(%arg7 : memref<128x128xf32, #tpu.memory_space<vmem>>) offsets(%dma_start3A_72 : memref<128xi32, #tpu.memory_space<vmem>>) semaphore(%arg9 : memref<!tpu.dma_semaphore, #tpu.memory_space<semaphore_mem>>)
      } else {
      }
    }
    %scan3A_18 = arith.constant 40 : i32
    return
  }
}

module attributes {stable_mosaic.version = 14 : i64} {
  func.func @body(%arg0: i32, %arg1: memref<2000x128xf32, #tpu.memory_space<vmem>>, %arg2: memref<2000x128xf32, #tpu.memory_space<vmem>>, %arg3: memref<2000x16xf32, #tpu.memory_space<vmem>>, %arg4: memref<2000x1xf32, #tpu.memory_space<vmem>>, %arg5: memref<128x128xf32, #tpu.memory_space<vmem>>, %arg6: memref<1x128xf32, #tpu.memory_space<vmem>>, %arg7: memref<128x128xf32, #tpu.memory_space<vmem>>, %arg8: memref<16x128xf32, #tpu.memory_space<vmem>>, %arg9: memref<128x128xf32, #tpu.memory_space<vmem>>, %arg10: memref<1x128xf32, #tpu.memory_space<vmem>>, %arg11: memref<128x128xf32, #tpu.memory_space<vmem>>, %arg12: memref<16x128xf32, #tpu.memory_space<vmem>>, %arg13: memref<128x128xf32, #tpu.memory_space<vmem>>, %arg14: memref<1x128xf32, #tpu.memory_space<vmem>>, %arg15: memref<1x128xf32, #tpu.memory_space<vmem>>, %arg16: memref<1x128xf32, #tpu.memory_space<vmem>>, %arg17: memref<2000x128xf32, #tpu.memory_space<vmem>>, %arg18: memref<2000x128xf32, #tpu.memory_space<vmem>>) attributes {dimension_semantics = [#tpu.dimension_semantics<parallel>], iteration_bounds = array<i64: 160>, scalar_prefetch = 0 : i64, scratch_operands = 0 : i64, tpu.core_type = #tpu.core_type<tc>, window_params = [{transform_indices = @transform_0, window_bounds = array<i64: 2000, 128>}, {transform_indices = @transform_1, window_bounds = array<i64: 2000, 128>}, {transform_indices = @transform_2, window_bounds = array<i64: 2000, 16>}, {transform_indices = @transform_3, window_bounds = array<i64: 2000, 1>}, {pipeline_mode = #tpu.pipeline_mode<synchronous>, transform_indices = @transform_4, window_bounds = array<i64: 128, 128>}, {pipeline_mode = #tpu.pipeline_mode<synchronous>, transform_indices = @transform_5, window_bounds = array<i64: 1, 128>}, {pipeline_mode = #tpu.pipeline_mode<synchronous>, transform_indices = @transform_6, window_bounds = array<i64: 128, 128>}, {pipeline_mode = #tpu.pipeline_mode<synchronous>, transform_indices = @transform_7, window_bounds = array<i64: 16, 128>}, {pipeline_mode = #tpu.pipeline_mode<synchronous>, transform_indices = @transform_8, window_bounds = array<i64: 128, 128>}, {pipeline_mode = #tpu.pipeline_mode<synchronous>, transform_indices = @transform_9, window_bounds = array<i64: 1, 128>}, {pipeline_mode = #tpu.pipeline_mode<synchronous>, transform_indices = @transform_10, window_bounds = array<i64: 128, 128>}, {pipeline_mode = #tpu.pipeline_mode<synchronous>, transform_indices = @transform_11, window_bounds = array<i64: 16, 128>}, {pipeline_mode = #tpu.pipeline_mode<synchronous>, transform_indices = @transform_12, window_bounds = array<i64: 128, 128>}, {pipeline_mode = #tpu.pipeline_mode<synchronous>, transform_indices = @transform_13, window_bounds = array<i64: 1, 128>}, {pipeline_mode = #tpu.pipeline_mode<synchronous>, transform_indices = @transform_14, window_bounds = array<i64: 1, 128>}, {pipeline_mode = #tpu.pipeline_mode<synchronous>, transform_indices = @transform_15, window_bounds = array<i64: 1, 128>}, {transform_indices = @transform_16, window_bounds = array<i64: 2000, 128>}, {transform_indices = @transform_17, window_bounds = array<i64: 2000, 128>}]} {
    %get3A = arith.constant 0 : index
    %get3A_0 = arith.constant 0 : index
    %get3A_1 = vector.load %arg4[%get3A, %get3A_0] : memref<2000x1xf32, #tpu.memory_space<vmem>>, vector<2000x1xf32>
    %get3A_2 = arith.constant 0 : index
    %get3A_3 = arith.constant 0 : index
    %get3A_4 = vector.load %arg15[%get3A_2, %get3A_3] : memref<1x128xf32, #tpu.memory_space<vmem>>, vector<1x128xf32>
    %mul3A = vector.broadcast %get3A_1 : vector<2000x1xf32> to vector<2000x128xf32>
    %mul3A_5 = vector.broadcast %get3A_4 : vector<1x128xf32> to vector<2000x128xf32>
    %mul3A_6 = arith.mulf %mul3A, %mul3A_5 : vector<2000x128xf32>
    %get3A_7 = arith.constant 0 : index
    %get3A_8 = arith.constant 0 : index
    %get3A_9 = vector.load %arg16[%get3A_7, %get3A_8] : memref<1x128xf32, #tpu.memory_space<vmem>>, vector<1x128xf32>
    %add3A = vector.broadcast %get3A_9 : vector<1x128xf32> to vector<2000x128xf32>
    %add3A_10 = arith.addf %mul3A_6, %add3A : vector<2000x128xf32>
    %add3A_11 = arith.constant 5.000000e-01 : f32
    %add3A_12 = vector.broadcast %add3A_11 : f32 to vector<2000x128xf32>
    %add3A_13 = arith.addf %add3A_10, %add3A_12 : vector<2000x128xf32>
    %floor3A = math.floor %add3A_13 : vector<2000x128xf32>
    %sub3A = arith.subf %add3A_10, %floor3A : vector<2000x128xf32>
    %mul3A_14 = arith.mulf %sub3A, %sub3A : vector<2000x128xf32>
    %mul3A_15 = arith.constant -1.46094799 : f32
    %mul3A_16 = vector.broadcast %mul3A_15 : f32 to vector<2000x128xf32>
    %mul3A_17 = arith.mulf %mul3A_16, %mul3A_14 : vector<2000x128xf32>
    %add3A_18 = arith.constant 7.80660868 : f32
    %add3A_19 = vector.broadcast %add3A_18 : f32 to vector<2000x128xf32>
    %add3A_20 = arith.addf %mul3A_17, %add3A_19 : vector<2000x128xf32>
    %mul3A_21 = arith.mulf %add3A_20, %mul3A_14 : vector<2000x128xf32>
    %add3A_22 = arith.constant -26.4067612 : f32
    %add3A_23 = vector.broadcast %add3A_22 : f32 to vector<2000x128xf32>
    %add3A_24 = arith.addf %mul3A_21, %add3A_23 : vector<2000x128xf32>
    %mul3A_25 = arith.mulf %add3A_24, %mul3A_14 : vector<2000x128xf32>
    %add3A_26 = arith.constant 60.242466 : f32
    %add3A_27 = vector.broadcast %add3A_26 : f32 to vector<2000x128xf32>
    %add3A_28 = arith.addf %mul3A_25, %add3A_27 : vector<2000x128xf32>
    %mul3A_29 = arith.mulf %add3A_28, %mul3A_14 : vector<2000x128xf32>
    %add3A_30 = arith.constant -85.4566879 : f32
    %add3A_31 = vector.broadcast %add3A_30 : f32 to vector<2000x128xf32>
    %add3A_32 = arith.addf %mul3A_29, %add3A_31 : vector<2000x128xf32>
    %mul3A_33 = arith.mulf %add3A_32, %mul3A_14 : vector<2000x128xf32>
    %add3A_34 = arith.constant 64.9393921 : f32
    %add3A_35 = vector.broadcast %add3A_34 : f32 to vector<2000x128xf32>
    %add3A_36 = arith.addf %mul3A_33, %add3A_35 : vector<2000x128xf32>
    %mul3A_37 = arith.mulf %add3A_36, %mul3A_14 : vector<2000x128xf32>
    %add3A_38 = arith.constant -19.7392082 : f32
    %add3A_39 = vector.broadcast %add3A_38 : f32 to vector<2000x128xf32>
    %add3A_40 = arith.addf %mul3A_37, %add3A_39 : vector<2000x128xf32>
    %mul3A_41 = arith.mulf %add3A_40, %mul3A_14 : vector<2000x128xf32>
    %add3A_42 = arith.constant 1.000000e+00 : f32
    %add3A_43 = vector.broadcast %add3A_42 : f32 to vector<2000x128xf32>
    %add3A_44 = arith.addf %mul3A_41, %add3A_43 : vector<2000x128xf32>
    %get3A_45 = arith.constant 0 : index
    %get3A_46 = arith.constant 0 : index
    %get3A_47 = vector.load %arg1[%get3A_45, %get3A_46] : memref<2000x128xf32, #tpu.memory_space<vmem>>, vector<2000x128xf32>
    %get3A_48 = arith.constant 0 : index
    %get3A_49 = arith.constant 0 : index
    %get3A_50 = vector.load %arg3[%get3A_48, %get3A_49] : memref<2000x16xf32, #tpu.memory_space<vmem>>, vector<2000x16xf32>
    %get3A_51 = arith.constant 0 : index
    %get3A_52 = arith.constant 0 : index
    %get3A_53 = vector.load %arg2[%get3A_51, %get3A_52] : memref<2000x128xf32, #tpu.memory_space<vmem>>, vector<2000x128xf32>
    %get3A_54 = arith.constant 0 : index
    %get3A_55 = arith.constant 0 : index
    %get3A_56 = vector.load %arg5[%get3A_54, %get3A_55] : memref<128x128xf32, #tpu.memory_space<vmem>>, vector<128x128xf32>
    %dot_general3A = arith.constant dense<0.000000e+00> : vector<2000x128xf32>
    %dot_general3A_57 = tpu.matmul %get3A_53, %get3A_56, %dot_general3A {dimension_numbers = #tpu.dot_dimension_numbers<[1], [0], [0], [1], [0, 0, 1, 1], [], []>, transpose_lhs_hint = false} : vector<2000x128xf32>, vector<128x128xf32>, vector<2000x128xf32> -> vector<2000x128xf32>
    %get3A_58 = arith.constant 0 : index
    %get3A_59 = arith.constant 0 : index
    %get3A_60 = vector.load %arg6[%get3A_58, %get3A_59] : memref<1x128xf32, #tpu.memory_space<vmem>>, vector<1x128xf32>
    %add3A_61 = vector.broadcast %get3A_60 : vector<1x128xf32> to vector<2000x128xf32>
    %add3A_62 = arith.addf %dot_general3A_57, %add3A_61 : vector<2000x128xf32>
    %get3A_63 = arith.constant 0 : index
    %get3A_64 = arith.constant 0 : index
    %get3A_65 = vector.load %arg7[%get3A_63, %get3A_64] : memref<128x128xf32, #tpu.memory_space<vmem>>, vector<128x128xf32>
    %dot_general3A_66 = arith.constant dense<0.000000e+00> : vector<2000x128xf32>
    %dot_general3A_67 = tpu.matmul %get3A_47, %get3A_65, %dot_general3A_66 {dimension_numbers = #tpu.dot_dimension_numbers<[1], [0], [0], [1], [0, 0, 1, 1], [], []>, transpose_lhs_hint = false} : vector<2000x128xf32>, vector<128x128xf32>, vector<2000x128xf32> -> vector<2000x128xf32>
    %get3A_68 = arith.constant 0 : index
    %get3A_69 = arith.constant 0 : index
    %get3A_70 = vector.load %arg8[%get3A_68, %get3A_69] : memref<16x128xf32, #tpu.memory_space<vmem>>, vector<16x128xf32>
    %dot_general3A_71 = arith.constant dense<0.000000e+00> : vector<2000x128xf32>
    %dot_general3A_72 = tpu.matmul %get3A_50, %get3A_70, %dot_general3A_71 {dimension_numbers = #tpu.dot_dimension_numbers<[1], [0], [0], [1], [0, 0, 1, 1], [], []>, transpose_lhs_hint = false} : vector<2000x16xf32>, vector<16x128xf32>, vector<2000x128xf32> -> vector<2000x128xf32>
    %add3A_73 = arith.addf %dot_general3A_67, %dot_general3A_72 : vector<2000x128xf32>
    %get3A_74 = arith.constant 0 : index
    %get3A_75 = arith.constant 0 : index
    %get3A_76 = vector.load %arg9[%get3A_74, %get3A_75] : memref<128x128xf32, #tpu.memory_space<vmem>>, vector<128x128xf32>
    %dot_general3A_77 = arith.constant dense<0.000000e+00> : vector<2000x128xf32>
    %dot_general3A_78 = tpu.matmul %add3A_44, %get3A_76, %dot_general3A_77 {dimension_numbers = #tpu.dot_dimension_numbers<[1], [0], [0], [1], [0, 0, 1, 1], [], []>, transpose_lhs_hint = false} : vector<2000x128xf32>, vector<128x128xf32>, vector<2000x128xf32> -> vector<2000x128xf32>
    %add3A_79 = arith.addf %add3A_73, %dot_general3A_78 : vector<2000x128xf32>
    %get3A_80 = arith.constant 0 : index
    %get3A_81 = arith.constant 0 : index
    %get3A_82 = vector.load %arg10[%get3A_80, %get3A_81] : memref<1x128xf32, #tpu.memory_space<vmem>>, vector<1x128xf32>
    %add3A_83 = vector.broadcast %get3A_82 : vector<1x128xf32> to vector<2000x128xf32>
    %add3A_84 = arith.addf %add3A_79, %add3A_83 : vector<2000x128xf32>
    %get3A_85 = arith.constant 0 : index
    %get3A_86 = arith.constant 0 : index
    %get3A_87 = vector.load %arg11[%get3A_85, %get3A_86] : memref<128x128xf32, #tpu.memory_space<vmem>>, vector<128x128xf32>
    %dot_general3A_88 = arith.constant dense<0.000000e+00> : vector<2000x128xf32>
    %dot_general3A_89 = tpu.matmul %get3A_47, %get3A_87, %dot_general3A_88 {dimension_numbers = #tpu.dot_dimension_numbers<[1], [0], [0], [1], [0, 0, 1, 1], [], []>, transpose_lhs_hint = false} : vector<2000x128xf32>, vector<128x128xf32>, vector<2000x128xf32> -> vector<2000x128xf32>
    %get3A_90 = arith.constant 0 : index
    %get3A_91 = arith.constant 0 : index
    %get3A_92 = vector.load %arg12[%get3A_90, %get3A_91] : memref<16x128xf32, #tpu.memory_space<vmem>>, vector<16x128xf32>
    %dot_general3A_93 = arith.constant dense<0.000000e+00> : vector<2000x128xf32>
    %dot_general3A_94 = tpu.matmul %get3A_50, %get3A_92, %dot_general3A_93 {dimension_numbers = #tpu.dot_dimension_numbers<[1], [0], [0], [1], [0, 0, 1, 1], [], []>, transpose_lhs_hint = false} : vector<2000x16xf32>, vector<16x128xf32>, vector<2000x128xf32> -> vector<2000x128xf32>
    %add3A_95 = arith.addf %dot_general3A_89, %dot_general3A_94 : vector<2000x128xf32>
    %get3A_96 = arith.constant 0 : index
    %get3A_97 = arith.constant 0 : index
    %get3A_98 = vector.load %arg13[%get3A_96, %get3A_97] : memref<128x128xf32, #tpu.memory_space<vmem>>, vector<128x128xf32>
    %dot_general3A_99 = arith.constant dense<0.000000e+00> : vector<2000x128xf32>
    %dot_general3A_100 = tpu.matmul %add3A_44, %get3A_98, %dot_general3A_99 {dimension_numbers = #tpu.dot_dimension_numbers<[1], [0], [0], [1], [0, 0, 1, 1], [], []>, transpose_lhs_hint = false} : vector<2000x128xf32>, vector<128x128xf32>, vector<2000x128xf32> -> vector<2000x128xf32>
    %add3A_101 = arith.addf %add3A_95, %dot_general3A_100 : vector<2000x128xf32>
    %get3A_102 = arith.constant 0 : index
    %get3A_103 = arith.constant 0 : index
    %get3A_104 = vector.load %arg14[%get3A_102, %get3A_103] : memref<1x128xf32, #tpu.memory_space<vmem>>, vector<1x128xf32>
    %add3A_105 = vector.broadcast %get3A_104 : vector<1x128xf32> to vector<2000x128xf32>
    %add3A_106 = arith.addf %add3A_101, %add3A_105 : vector<2000x128xf32>
    %mul3A_107 = arith.mulf %add3A_62, %add3A_84 : vector<2000x128xf32>
    %broadcast_in_dim3A = arith.constant 1.000000e+00 : f32
    %broadcast_in_dim3A_108 = vector.broadcast %broadcast_in_dim3A : f32 to vector<64x1xf32>
    %slice3A = vector.extract_strided_slice %mul3A_107 {offsets = [0, 0], sizes = [2000, 64], strides = [1, 1]} : vector<2000x128xf32> to vector<2000x64xf32>
    %dot_general3A_109 = arith.constant dense<0.000000e+00> : vector<2000x1xf32>
    %dot_general3A_110 = tpu.matmul %slice3A, %broadcast_in_dim3A_108, %dot_general3A_109 {dimension_numbers = #tpu.dot_dimension_numbers<[1], [0], [0], [1], [0, 0, 1, 1], [], []>, transpose_lhs_hint = false} : vector<2000x64xf32>, vector<64x1xf32>, vector<2000x1xf32> -> vector<2000x1xf32>
    %slice3A_111 = vector.extract_strided_slice %mul3A_107 {offsets = [0, 64], sizes = [2000, 64], strides = [1, 1]} : vector<2000x128xf32> to vector<2000x64xf32>
    %dot_general3A_112 = arith.constant dense<0.000000e+00> : vector<2000x1xf32>
    %dot_general3A_113 = tpu.matmul %slice3A_111, %broadcast_in_dim3A_108, %dot_general3A_112 {dimension_numbers = #tpu.dot_dimension_numbers<[1], [0], [0], [1], [0, 0, 1, 1], [], []>, transpose_lhs_hint = false} : vector<2000x64xf32>, vector<64x1xf32>, vector<2000x1xf32> -> vector<2000x1xf32>
    %ge3A = arith.constant 0.000000e+00 : f32
    %ge3A_114 = vector.broadcast %ge3A : f32 to vector<2000x1xf32>
    %ge3A_115 = arith.cmpf oge, %dot_general3A_110, %ge3A_114 : vector<2000x1xf32>
    %mul3A_116 = arith.constant 2.000000e-01 : f32
    %mul3A_117 = vector.broadcast %mul3A_116 : f32 to vector<2000x1xf32>
    %mul3A_118 = arith.mulf %mul3A_117, %dot_general3A_110 : vector<2000x1xf32>
    %select_n3A = arith.select %ge3A_115, %dot_general3A_110, %mul3A_118 : vector<2000x1xi1>, vector<2000x1xf32>
    %ge3A_119 = arith.constant 0.000000e+00 : f32
    %ge3A_120 = vector.broadcast %ge3A_119 : f32 to vector<2000x1xf32>
    %ge3A_121 = arith.cmpf oge, %dot_general3A_113, %ge3A_120 : vector<2000x1xf32>
    %mul3A_122 = arith.constant 2.000000e-01 : f32
    %mul3A_123 = vector.broadcast %mul3A_122 : f32 to vector<2000x1xf32>
    %mul3A_124 = arith.mulf %mul3A_123, %dot_general3A_113 : vector<2000x1xf32>
    %select_n3A_125 = arith.select %ge3A_121, %dot_general3A_113, %mul3A_124 : vector<2000x1xi1>, vector<2000x1xf32>
    %min3A = arith.constant 7.500000e+01 : f32
    %min3A_126 = vector.broadcast %min3A : f32 to vector<2000x1xf32>
    %min3A_127 = arith.minimumf %select_n3A, %min3A_126 : vector<2000x1xf32>
    %exp3A = math.exp %min3A_127 : vector<2000x1xf32>
    %min3A_128 = arith.constant 7.500000e+01 : f32
    %min3A_129 = vector.broadcast %min3A_128 : f32 to vector<2000x1xf32>
    %min3A_130 = arith.minimumf %select_n3A_125, %min3A_129 : vector<2000x1xf32>
    %exp3A_131 = math.exp %min3A_130 : vector<2000x1xf32>
    %broadcast_in_dim3A_132 = arith.constant 0.000000e+00 : f32
    %broadcast_in_dim3A_133 = vector.broadcast %broadcast_in_dim3A_132 : f32 to vector<2000x63xf32>
    %slice3A_134 = vector.extract_strided_slice %add3A_106 {offsets = [0, 0], sizes = [2000, 64], strides = [1, 1]} : vector<2000x128xf32> to vector<2000x64xf32>
    %broadcast_in_dim3A_135 = vector.shape_cast %exp3A : vector<2000x1xf32> to vector<2000x1xf32>
    %broadcast_in_dim3A_136 = vector.broadcast %broadcast_in_dim3A_135 : vector<2000x1xf32> to vector<2000x64xf32>
    %mul3A_137 = arith.mulf %slice3A_134, %broadcast_in_dim3A_136 : vector<2000x64xf32>
    %concatenate3A = tpu.concatenate %mul3A_137, %exp3A, %broadcast_in_dim3A_133 in 1 : vector<2000x64xf32>, vector<2000x1xf32>, vector<2000x63xf32> -> vector<2000x128xf32>
    %swap3A = arith.constant 0 : index
    %swap3A_138 = arith.constant 0 : index
    %swap3A_139 = vector.load %arg17[%swap3A, %swap3A_138] : memref<2000x128xf32, #tpu.memory_space<vmem>>, vector<2000x128xf32>
    tpu.vector_store %arg17[%swap3A, %swap3A_138], %concatenate3A {strides = array<i32>} : memref<2000x128xf32, #tpu.memory_space<vmem>>, vector<2000x128xf32>,
    %slice3A_140 = vector.extract_strided_slice %add3A_106 {offsets = [0, 64], sizes = [2000, 64], strides = [1, 1]} : vector<2000x128xf32> to vector<2000x64xf32>
    %broadcast_in_dim3A_141 = vector.shape_cast %exp3A_131 : vector<2000x1xf32> to vector<2000x1xf32>
    %broadcast_in_dim3A_142 = vector.broadcast %broadcast_in_dim3A_141 : vector<2000x1xf32> to vector<2000x64xf32>
    %mul3A_143 = arith.mulf %slice3A_140, %broadcast_in_dim3A_142 : vector<2000x64xf32>
    %concatenate3A_144 = tpu.concatenate %mul3A_143, %exp3A_131, %broadcast_in_dim3A_133 in 1 : vector<2000x64xf32>, vector<2000x1xf32>, vector<2000x63xf32> -> vector<2000x128xf32>
    %swap3A_145 = arith.constant 0 : index
    %swap3A_146 = arith.constant 0 : index
    %swap3A_147 = vector.load %arg18[%swap3A_145, %swap3A_146] : memref<2000x128xf32, #tpu.memory_space<vmem>>, vector<2000x128xf32>
    tpu.vector_store %arg18[%swap3A_145, %swap3A_146], %concatenate3A_144 {strides = array<i32>} : memref<2000x128xf32, #tpu.memory_space<vmem>>, vector<2000x128xf32>,
    return
  }
  func.func @transform_0(%arg0: i32) -> (i32, i32) {
    %add3A = arith.constant 5 : i32
    %add3A_0 = arith.addi %arg0, %add3A : i32
    %c0_i32 = arith.constant 0 : i32
    %c0_i32_1 = arith.constant 0 : i32
    return %add3A_0, %c0_i32 : i32, i32
  }
  func.func @transform_1(%arg0: i32) -> (i32, i32) {
    %c0_i32 = arith.constant 0 : i32
    %c0_i32_0 = arith.constant 0 : i32
    return %arg0, %c0_i32 : i32, i32
  }
  func.func @transform_2(%arg0: i32) -> (i32, i32) {
    %c0_i32 = arith.constant 0 : i32
    %c0_i32_0 = arith.constant 0 : i32
    return %arg0, %c0_i32 : i32, i32
  }
  func.func @transform_3(%arg0: i32) -> (i32, i32) {
    %c0_i32 = arith.constant 0 : i32
    %c0_i32_0 = arith.constant 0 : i32
    return %arg0, %c0_i32 : i32, i32
  }
  func.func @transform_4(%arg0: i32) -> (i32, i32) {
    %c0_i32 = arith.constant 0 : i32
    %c0_i32_0 = arith.constant 0 : i32
    %c0_i32_1 = arith.constant 0 : i32
    return %c0_i32, %c0_i32_0 : i32, i32
  }
  func.func @transform_5(%arg0: i32) -> (i32, i32) {
    %c0_i32 = arith.constant 0 : i32
    %c0_i32_0 = arith.constant 0 : i32
    %c0_i32_1 = arith.constant 0 : i32
    return %c0_i32, %c0_i32_0 : i32, i32
  }
  func.func @transform_6(%arg0: i32) -> (i32, i32) {
    %c0_i32 = arith.constant 0 : i32
    %c0_i32_0 = arith.constant 0 : i32
    %c0_i32_1 = arith.constant 0 : i32
    return %c0_i32, %c0_i32_0 : i32, i32
  }
  func.func @transform_7(%arg0: i32) -> (i32, i32) {
    %c0_i32 = arith.constant 0 : i32
    %c0_i32_0 = arith.constant 0 : i32
    %c0_i32_1 = arith.constant 0 : i32
    return %c0_i32, %c0_i32_0 : i32, i32
  }
  func.func @transform_8(%arg0: i32) -> (i32, i32) {
    %c0_i32 = arith.constant 0 : i32
    %c0_i32_0 = arith.constant 0 : i32
    %c0_i32_1 = arith.constant 0 : i32
    return %c0_i32, %c0_i32_0 : i32, i32
  }
  func.func @transform_9(%arg0: i32) -> (i32, i32) {
    %c0_i32 = arith.constant 0 : i32
    %c0_i32_0 = arith.constant 0 : i32
    %c0_i32_1 = arith.constant 0 : i32
    return %c0_i32, %c0_i32_0 : i32, i32
  }
  func.func @transform_10(%arg0: i32) -> (i32, i32) {
    %c0_i32 = arith.constant 0 : i32
    %c0_i32_0 = arith.constant 0 : i32
    %c0_i32_1 = arith.constant 0 : i32
    return %c0_i32, %c0_i32_0 : i32, i32
  }
  func.func @transform_11(%arg0: i32) -> (i32, i32) {
    %c0_i32 = arith.constant 0 : i32
    %c0_i32_0 = arith.constant 0 : i32
    %c0_i32_1 = arith.constant 0 : i32
    return %c0_i32, %c0_i32_0 : i32, i32
  }
  func.func @transform_12(%arg0: i32) -> (i32, i32) {
    %c0_i32 = arith.constant 0 : i32
    %c0_i32_0 = arith.constant 0 : i32
    %c0_i32_1 = arith.constant 0 : i32
    return %c0_i32, %c0_i32_0 : i32, i32
  }
  func.func @transform_13(%arg0: i32) -> (i32, i32) {
    %c0_i32 = arith.constant 0 : i32
    %c0_i32_0 = arith.constant 0 : i32
    %c0_i32_1 = arith.constant 0 : i32
    return %c0_i32, %c0_i32_0 : i32, i32
  }
  func.func @transform_14(%arg0: i32) -> (i32, i32) {
    %c0_i32 = arith.constant 0 : i32
    %c0_i32_0 = arith.constant 0 : i32
    %c0_i32_1 = arith.constant 0 : i32
    return %c0_i32, %c0_i32_0 : i32, i32
  }
  func.func @transform_15(%arg0: i32) -> (i32, i32) {
    %c0_i32 = arith.constant 0 : i32
    %c0_i32_0 = arith.constant 0 : i32
    %c0_i32_1 = arith.constant 0 : i32
    return %c0_i32, %c0_i32_0 : i32, i32
  }
  func.func @transform_16(%arg0: i32) -> (i32, i32) {
    %c0_i32 = arith.constant 0 : i32
    %c0_i32_0 = arith.constant 0 : i32
    return %arg0, %c0_i32 : i32, i32
  }
  func.func @transform_17(%arg0: i32) -> (i32, i32) {
    %c0_i32 = arith.constant 0 : i32
    %c0_i32_0 = arith.constant 0 : i32
    return %arg0, %c0_i32 : i32, i32
  }
}

module attributes {stable_mosaic.version = 14 : i64} {
  func.func @body(%arg0: i32, %arg1: memref<400x128xf32, #tpu.memory_space<vmem>>, %arg2: memref<400x128xf32, #tpu.memory_space<vmem>>, %arg3: memref<400x128xf32, #tpu.memory_space<vmem>>, %arg4: memref<128x128xf32, #tpu.memory_space<vmem>>, %arg5: memref<128x128xf32, #tpu.memory_space<vmem>>, %arg6: memref<1x128xf32, #tpu.memory_space<vmem>>, %arg7: memref<1x128xf32, #tpu.memory_space<vmem>>, %arg8: memref<1x128xf32, #tpu.memory_space<vmem>>, %arg9: memref<400x128xf32, #tpu.memory_space<vmem>>) attributes {dimension_semantics = [#tpu.dimension_semantics<parallel>], iteration_bounds = array<i64: 25>, scalar_prefetch = 0 : i64, scratch_operands = 0 : i64, tpu.core_type = #tpu.core_type<tc>, window_params = [{transform_indices = @transform_0, window_bounds = array<i64: 400, 128>}, {transform_indices = @transform_1, window_bounds = array<i64: 400, 128>}, {transform_indices = @transform_2, window_bounds = array<i64: 400, 128>}, {pipeline_mode = #tpu.pipeline_mode<synchronous>, transform_indices = @transform_3, window_bounds = array<i64: 128, 128>}, {pipeline_mode = #tpu.pipeline_mode<synchronous>, transform_indices = @transform_4, window_bounds = array<i64: 128, 128>}, {pipeline_mode = #tpu.pipeline_mode<synchronous>, transform_indices = @transform_5, window_bounds = array<i64: 1, 128>}, {pipeline_mode = #tpu.pipeline_mode<synchronous>, transform_indices = @transform_6, window_bounds = array<i64: 1, 128>}, {pipeline_mode = #tpu.pipeline_mode<synchronous>, transform_indices = @transform_7, window_bounds = array<i64: 1, 128>}, {transform_indices = @transform_8, window_bounds = array<i64: 400, 128>}]} {
    %get3A = arith.constant 0 : index
    %get3A_0 = arith.constant 0 : index
    %get3A_1 = vector.load %arg1[%get3A, %get3A_0] : memref<400x128xf32, #tpu.memory_space<vmem>>, vector<400x128xf32>
    %get3A_2 = arith.constant 0 : index
    %get3A_3 = arith.constant 0 : index
    %get3A_4 = vector.load %arg2[%get3A_2, %get3A_3] : memref<400x128xf32, #tpu.memory_space<vmem>>, vector<400x128xf32>
    %slice3A = vector.extract_strided_slice %get3A_1 {offsets = [0, 64], sizes = [400, 1], strides = [1, 1]} : vector<400x128xf32> to vector<400x1xf32>
    %max3A = arith.constant 1.000000e-16 : f32
    %max3A_5 = vector.broadcast %max3A : f32 to vector<400x1xf32>
    %max3A_6 = arith.maximumf %slice3A, %max3A_5 : vector<400x1xf32>
    %slice3A_7 = vector.extract_strided_slice %get3A_4 {offsets = [0, 64], sizes = [400, 1], strides = [1, 1]} : vector<400x128xf32> to vector<400x1xf32>
    %max3A_8 = arith.constant 1.000000e-16 : f32
    %max3A_9 = vector.broadcast %max3A_8 : f32 to vector<400x1xf32>
    %max3A_10 = arith.maximumf %slice3A_7, %max3A_9 : vector<400x1xf32>
    %slice3A_11 = vector.extract_strided_slice %get3A_1 {offsets = [0, 0], sizes = [400, 64], strides = [1, 1]} : vector<400x128xf32> to vector<400x64xf32>
    %broadcast_in_dim3A = vector.shape_cast %max3A_6 : vector<400x1xf32> to vector<400x1xf32>
    %broadcast_in_dim3A_12 = vector.broadcast %broadcast_in_dim3A : vector<400x1xf32> to vector<400x64xf32>
    %div3A = arith.divf %slice3A_11, %broadcast_in_dim3A_12 : vector<400x64xf32>
    %slice3A_13 = vector.extract_strided_slice %get3A_4 {offsets = [0, 0], sizes = [400, 64], strides = [1, 1]} : vector<400x128xf32> to vector<400x64xf32>
    %broadcast_in_dim3A_14 = vector.shape_cast %max3A_10 : vector<400x1xf32> to vector<400x1xf32>
    %broadcast_in_dim3A_15 = vector.broadcast %broadcast_in_dim3A_14 : vector<400x1xf32> to vector<400x64xf32>
    %div3A_16 = arith.divf %slice3A_13, %broadcast_in_dim3A_15 : vector<400x64xf32>
    %concatenate3A = tpu.concatenate %div3A, %div3A_16 in 1 : vector<400x64xf32>, vector<400x64xf32> -> vector<400x128xf32>
    %get3A_17 = arith.constant 0 : index
    %get3A_18 = arith.constant 0 : index
    %get3A_19 = vector.load %arg4[%get3A_17, %get3A_18] : memref<128x128xf32, #tpu.memory_space<vmem>>, vector<128x128xf32>
    %dot_general3A = arith.constant dense<0.000000e+00> : vector<400x128xf32>
    %dot_general3A_20 = tpu.matmul %concatenate3A, %get3A_19, %dot_general3A {dimension_numbers = #tpu.dot_dimension_numbers<[1], [0], [0], [1], [0, 0, 1, 1], [], []>, transpose_lhs_hint = false} : vector<400x128xf32>, vector<128x128xf32>, vector<400x128xf32> -> vector<400x128xf32>
    %get3A_21 = arith.constant 0 : index
    %get3A_22 = arith.constant 0 : index
    %get3A_23 = vector.load %arg3[%get3A_21, %get3A_22] : memref<400x128xf32, #tpu.memory_space<vmem>>, vector<400x128xf32>
    %get3A_24 = arith.constant 0 : index
    %get3A_25 = arith.constant 0 : index
    %get3A_26 = vector.load %arg5[%get3A_24, %get3A_25] : memref<128x128xf32, #tpu.memory_space<vmem>>, vector<128x128xf32>
    %dot_general3A_27 = arith.constant dense<0.000000e+00> : vector<400x128xf32>
    %dot_general3A_28 = tpu.matmul %get3A_23, %get3A_26, %dot_general3A_27 {dimension_numbers = #tpu.dot_dimension_numbers<[1], [0], [0], [1], [0, 0, 1, 1], [], []>, transpose_lhs_hint = false} : vector<400x128xf32>, vector<128x128xf32>, vector<400x128xf32> -> vector<400x128xf32>
    %add3A = arith.addf %dot_general3A_20, %dot_general3A_28 : vector<400x128xf32>
    %get3A_29 = arith.constant 0 : index
    %get3A_30 = arith.constant 0 : index
    %get3A_31 = vector.load %arg6[%get3A_29, %get3A_30] : memref<1x128xf32, #tpu.memory_space<vmem>>, vector<1x128xf32>
    %add3A_32 = vector.broadcast %get3A_31 : vector<1x128xf32> to vector<400x128xf32>
    %add3A_33 = arith.addf %add3A, %add3A_32 : vector<400x128xf32>
    %max3A_34 = arith.constant 0.000000e+00 : f32
    %max3A_35 = vector.broadcast %max3A_34 : f32 to vector<400x128xf32>
    %max3A_36 = arith.maximumf %add3A_33, %max3A_35 : vector<400x128xf32>
    %reduce_sum3A = arith.constant dense<0.000000e+00> : vector<400xf32>
    %reduce_sum3A_37 = vector.multi_reduction <add>, %max3A_36, %reduce_sum3A [1] : vector<400x128xf32> to vector<400xf32>
    %broadcast_in_dim3A_38 = vector.shape_cast %reduce_sum3A_37 : vector<400xf32> to vector<400x1xf32>
    %div3A_39 = arith.constant 1.280000e+02 : f32
    %div3A_40 = vector.broadcast %div3A_39 : f32 to vector<400x1xf32>
    %div3A_41 = arith.divf %broadcast_in_dim3A_38, %div3A_40 : vector<400x1xf32>
    %sub3A = vector.broadcast %div3A_41 : vector<400x1xf32> to vector<400x128xf32>
    %sub3A_42 = arith.subf %max3A_36, %sub3A : vector<400x128xf32>
    %integer_pow3A = arith.mulf %sub3A_42, %sub3A_42 : vector<400x128xf32>
    %reduce_sum3A_43 = arith.constant dense<0.000000e+00> : vector<400xf32>
    %reduce_sum3A_44 = vector.multi_reduction <add>, %integer_pow3A, %reduce_sum3A_43 [1] : vector<400x128xf32> to vector<400xf32>
    %broadcast_in_dim3A_45 = vector.shape_cast %reduce_sum3A_44 : vector<400xf32> to vector<400x1xf32>
    %div3A_46 = arith.constant 1.280000e+02 : f32
    %div3A_47 = vector.broadcast %div3A_46 : f32 to vector<400x1xf32>
    %div3A_48 = arith.divf %broadcast_in_dim3A_45, %div3A_47 : vector<400x1xf32>
    %sub3A_49 = vector.broadcast %div3A_41 : vector<400x1xf32> to vector<400x128xf32>
    %sub3A_50 = arith.subf %max3A_36, %sub3A_49 : vector<400x128xf32>
    %add3A_51 = arith.constant 9.99999974E-6 : f32
    %add3A_52 = vector.broadcast %add3A_51 : f32 to vector<400x1xf32>
    %add3A_53 = arith.addf %div3A_48, %add3A_52 : vector<400x1xf32>
    %sqrt3A = math.sqrt %add3A_53 : vector<400x1xf32>
    %div3A_54 = vector.broadcast %sqrt3A : vector<400x1xf32> to vector<400x128xf32>
    %div3A_55 = arith.divf %sub3A_50, %div3A_54 : vector<400x128xf32>
    %get3A_56 = arith.constant 0 : index
    %get3A_57 = arith.constant 0 : index
    %get3A_58 = vector.load %arg7[%get3A_56, %get3A_57] : memref<1x128xf32, #tpu.memory_space<vmem>>, vector<1x128xf32>
    %mul3A = vector.broadcast %get3A_58 : vector<1x128xf32> to vector<400x128xf32>
    %mul3A_59 = arith.mulf %div3A_55, %mul3A : vector<400x128xf32>
    %get3A_60 = arith.constant 0 : index
    %get3A_61 = arith.constant 0 : index
    %get3A_62 = vector.load %arg8[%get3A_60, %get3A_61] : memref<1x128xf32, #tpu.memory_space<vmem>>, vector<1x128xf32>
    %add3A_63 = vector.broadcast %get3A_62 : vector<1x128xf32> to vector<400x128xf32>
    %add3A_64 = arith.addf %mul3A_59, %add3A_63 : vector<400x128xf32>
    %swap3A = arith.constant 0 : index
    %swap3A_65 = arith.constant 0 : index
    %swap3A_66 = vector.load %arg9[%swap3A, %swap3A_65] : memref<400x128xf32, #tpu.memory_space<vmem>>, vector<400x128xf32>
    tpu.vector_store %arg9[%swap3A, %swap3A_65], %add3A_64 {strides = array<i32>} : memref<400x128xf32, #tpu.memory_space<vmem>>, vector<400x128xf32>,
    return
  }
  func.func @transform_0(%arg0: i32) -> (i32, i32) {
    %c0_i32 = arith.constant 0 : i32
    %c0_i32_0 = arith.constant 0 : i32
    return %arg0, %c0_i32 : i32, i32
  }
  func.func @transform_1(%arg0: i32) -> (i32, i32) {
    %c0_i32 = arith.constant 0 : i32
    %c0_i32_0 = arith.constant 0 : i32
    return %arg0, %c0_i32 : i32, i32
  }
  func.func @transform_2(%arg0: i32) -> (i32, i32) {
    %c0_i32 = arith.constant 0 : i32
    %c0_i32_0 = arith.constant 0 : i32
    return %arg0, %c0_i32 : i32, i32
  }
  func.func @transform_3(%arg0: i32) -> (i32, i32) {
    %c0_i32 = arith.constant 0 : i32
    %c0_i32_0 = arith.constant 0 : i32
    %c0_i32_1 = arith.constant 0 : i32
    return %c0_i32, %c0_i32_0 : i32, i32
  }
  func.func @transform_4(%arg0: i32) -> (i32, i32) {
    %c0_i32 = arith.constant 0 : i32
    %c0_i32_0 = arith.constant 0 : i32
    %c0_i32_1 = arith.constant 0 : i32
    return %c0_i32, %c0_i32_0 : i32, i32
  }
  func.func @transform_5(%arg0: i32) -> (i32, i32) {
    %c0_i32 = arith.constant 0 : i32
    %c0_i32_0 = arith.constant 0 : i32
    %c0_i32_1 = arith.constant 0 : i32
    return %c0_i32, %c0_i32_0 : i32, i32
  }
  func.func @transform_6(%arg0: i32) -> (i32, i32) {
    %c0_i32 = arith.constant 0 : i32
    %c0_i32_0 = arith.constant 0 : i32
    %c0_i32_1 = arith.constant 0 : i32
    return %c0_i32, %c0_i32_0 : i32, i32
  }
  func.func @transform_7(%arg0: i32) -> (i32, i32) {
    %c0_i32 = arith.constant 0 : i32
    %c0_i32_0 = arith.constant 0 : i32
    %c0_i32_1 = arith.constant 0 : i32
    return %c0_i32, %c0_i32_0 : i32, i32
  }
  func.func @transform_8(%arg0: i32) -> (i32, i32) {
    %c0_i32 = arith.constant 0 : i32
    %c0_i32_0 = arith.constant 0 : i32
    return %arg0, %c0_i32 : i32, i32
  }
}

</mosaic_0001>

<sc_bundles>
// kernel: kernel.10.cloned.1.call-start
scs
__scs_entry_jumppad:
0x0: {  	(pc) =	sbr.rel $0x88, $3  }
0x1: {  	(tag) =	ssettag $0x0;
	lr =	simm.s32 $0x1  }
0x2: {  	[smem:$0x3F90] =	sst lr;
	_ =	strace $0xD0000000  }
0x3: {  	_ = 	snop  }
0x4: {  	_ = 	snop  }
0x5: {  	_ = 	snop  }
0x6: {  	_ = 	snop  }
0x7: {  	_ = 	snop  }
__scs_overlays_trampoline_lowered:
0x8: {  	[smem:$0x3F9F] =	sst s0  }
0x9: {  	[smem:$0x3FA0] =	sst s1  }
0xa: {  	[smem:$0x3FA1] =	sst s2  }
0xb: {  	[smem:$0x3FA2] =	sst s3  }
0xc: {  	[smem:$0x3FA3] =	sst s4  }
0xd: {  	[smem:$0x3FA4] =	sst s5  }
0xe: {  	[smem:$0x3FA5] =	sst s6  }
0xf: {  	[smem:$0x3FA6] =	sst s7  }
0x10: {  	[smem:$0x3FA7] =	sst s8  }
0x11: {  	[smem:$0x3FA8] =	sst s9;
	s0 =	simm.s32 @!p0 $0x0  }
0x12: {  	s1 =	sld [smem:$0x3F8E];
	s0 =	simm.s32 @p0 $0x1  }
0x13: {  	[smem:$0x3FA9] =	sst s0;
	s0 =	simm.s32 @!p1 $0x0  }
0x14: {  	s2 =	sld [smem:$0x3F8D];
	s0 =	simm.s32 @p1 $0x1  }
0x15: {  	[smem:$0x3FAA] =	sst s0;
	s0 =	simm.s32 @!p2 $0x0  }
0x16: {  	s3 =	sld [smem:$0x3FDB];
	s0 =	simm.s32 @p2 $0x1  }
0x17: {  	s4 =	simm.s32 $0x1BF5;
	[smem:$0x3FAC] =	sst s0  }
0x18: {  	s0 =	sld [smem:$0x3F8F];
	_ =	swait.ge [sflag:s4], $0x0  }
0x19: {  	s7 =	sld [smem:$0x3F90]  }
0x1a: {  	s8 =	sadd.s32 $0xFFFFE003, lr  }
0x1b: {  	s9 =	sadd.s32 $0xFFFFFEF7, lr;
	s5 =	simm.s32 $0xFFFFFFFF;
	p2 =	slt.u32 s8, $0xFFFFF086  }
0x1c: {  	p1 =	slt.u32 s9, $0xF7A;
	s5 =	simm.s32 @!p2 $0x0  }
0x1d: {  	s5 =	simm.s32 @p1 $0x1;
	p0 =	seq.s32 s7, s2  }
0x1e: {  	s7 =	smul.u32 @!p0 $0xF7A, s2;
	p2 =	seq.s32 @!p0 s5, $0x0  }
0x1f: {  	s9 =	smul.u32 $0xF7A, s1;
	s8 =	simm.s32 @!p0 $0x1BF5;
	p2 =	por !p2, p0  }
0x20: {  	[sflag:s8] =	ssyncset.s32 @!p0 $0xFFFFF086;
	s6 =	sadd.s32 @!p0 s3, s7;
	s7 =	simm.s32 @!p0 $0x108  }
0x21: {  	s3 =	sadd.s32 s3, s9;
	s6 =	sadd.s32 @!p0 $0x88, s6;
	s7 =	simm.s32 @p2 $0x1082  }
0x22: {  	[simem:s7], [sflag:s8] =	dma.local @!p0 [hbm:s6], $0xF7A  }
0x23: {  	s9 =	sor.u32 $0xD0000000, s2;
	s6 =	simm.s32 $0x108;
	_ =	swait.ge @!p0 [sflag:s8], $0x0  }
0x24: {  	s3 =	sadd.s32 $0x88, s3;
	s6 =	simm.s32 @!p1 $0x1082;
	[sflag:s4] =	ssyncset.s32 $0xFFFFF086  }
0x25: {  	[simem:s6], [sflag:s4] =	dma.local [hbm:s3], $0xF7A  }
0x26: {  	[smem:$0x3F90] =	sst s1;
	(tag) =	ssettag s2;
	_ =	strace s9  }
0x27: {  	s1 =	sld [smem:$0x3FA0]  }
0x28: {  	s2 =	sld [smem:$0x3FA1]  }
0x29: {  	s4 =	sld [smem:$0x3FA3]  }
0x2a: {  	p0 =	seq.s32 s5, $0x0;
	s5 =	sld [smem:$0x3FA4]  }
0x2b: {  	s6 =	sld [smem:$0x3FA5]  }
0x2c: {  	s7 =	sld [smem:$0x3FA6]  }
0x2d: {  	s3 =	simm.s32 $0x108;
	s8 =	sld [smem:$0x3FA7]  }
0x2e: {  	s3 =	simm.s32 @!p0 $0x1082;
	s9 =	sld [smem:$0x3FA8]  }
0x2f: {  	lr =	sadd.s32 s0, s3;
	s0 =	sld [smem:$0x3F9F]  }
0x30: {  	s3 =	sld [smem:$0x3FA2]  }
0x31: {  	[smem:$0x3FAB] =	sst s10  }
0x32: {  	s10 =	sld [smem:$0x3FA9];
	_ =	sdelay $0x3  }
0x33: {  	p0 =	seq.s32 s10, $0x1;
	s10 =	sld [smem:$0x3FAB];
	_ =	sdelay $0x3  }
0x34: {  	[smem:$0x3FAB] =	sst s10  }
0x35: {  	s10 =	sld [smem:$0x3FAA];
	_ =	sdelay $0x3  }
0x36: {  	p1 =	seq.s32 s10, $0x1;
	s10 =	sld [smem:$0x3FAB];
	_ =	sdelay $0x3  }
0x37: {  	[smem:$0x3FAB] =	sst s10  }
0x38: {  	s10 =	sld [smem:$0x3FAC]  }
0x39: {  	_ = 	snop;
	(pc) =	sbr.ind lr, $3  }
0x3a: {  	_ = 	snop  }
0x3b: {  	_ = 	snop  }
0x3c: {  	p2 =	seq.s32 s10, $0x1;
	s10 =	sld [smem:$0x3FAB]  }
0x3d: {  	_ =	shalt  }
0x3e: {  	_ =	shalt  }
0x3f: {  	_ =	shalt  }
0x40: {  	_ =	shalt  }
0x41: {  	_ =	shalt  }
0x42: {  	_ =	shalt  }
0x43: {  	_ =	shalt  }
0x44: {  	_ =	shalt  }
0x45: {  	_ =	shalt  }
0x46: {  	_ =	shalt  }
0x47: {  	_ =	shalt  }
0x48: {  	_ =	shalt  }
0x49: {  	_ =	shalt  }
0x4a: {  	_ =	shalt  }
0x4b: {  	_ =	shalt  }
0x4c: {  	_ =	shalt  }
0x4d: {  	_ =	shalt  }
0x4e: {  	_ =	shalt  }
0x4f: {  	_ =	shalt  }
0x50: {  	_ =	shalt  }
0x51: {  	_ =	shalt  }
0x52: {  	_ =	shalt  }
0x53: {  	_ =	shalt  }
0x54: {  	_ =	shalt  }
0x55: {  	_ =	shalt  }
0x56: {  	_ =	shalt  }
0x57: {  	_ =	shalt  }
0x58: {  	_ =	shalt  }
0x59: {  	_ =	shalt  }
0x5a: {  	_ =	shalt  }
0x5b: {  	_ =	shalt  }
0x5c: {  	_ =	shalt  }
0x5d: {  	_ =	shalt  }
0x5e: {  	_ =	shalt  }
0x5f: {  	_ =	shalt  }
0x60: {  	_ =	shalt  }
0x61: {  	_ =	shalt  }
0x62: {  	_ =	shalt  }
0x63: {  	_ =	shalt  }
0x64: {  	_ =	shalt  }
0x65: {  	_ =	shalt  }
0x66: {  	_ =	shalt  }
0x67: {  	_ =	shalt  }
0x68: {  	_ =	shalt  }
0x69: {  	_ =	shalt  }
0x6a: {  	_ =	shalt  }
0x6b: {  	_ =	shalt  }
0x6c: {  	_ =	shalt  }
0x6d: {  	_ =	shalt  }
0x6e: {  	_ =	shalt  }
0x6f: {  	_ =	shalt  }
0x70: {  	_ =	shalt  }
0x71: {  	_ =	shalt  }
0x72: {  	_ =	shalt  }
0x73: {  	_ =	shalt  }
0x74: {  	_ =	shalt  }
0x75: {  	_ =	shalt  }
0x76: {  	_ =	shalt  }
0x77: {  	_ =	shalt  }
0x78: {  	_ =	shalt  }
0x79: {  	_ =	shalt  }
0x7a: {  	_ =	shalt  }
0x7b: {  	_ =	shalt  }
0x7c: {  	_ =	shalt  }
0x7d: {  	_ =	shalt  }
0x7e: {  	_ =	shalt  }
0x7f: {  	_ =	shalt  }
0x80: {  	_ =	shalt  }
0x81: {  	_ =	shalt  }
0x82: {  	_ =	shalt  }
0x83: {  	_ =	shalt  }
0x84: {  	_ =	shalt  }
0x85: {  	_ =	shalt  }
0x86: {  	_ =	shalt  }
0x87: {  	_ =	shalt  }
.Lfunc_end0:
.L_simem_size_0:
called_computation.1_lowered:
.L_overlay_start_0:
0x88: {  	s2 =	sld [smem:$0x3FD9]  }
0x89: {  	s3 =	sld [smem:$0x3FFE];
	_ =	sdelay $0x1  }
0x8a: {  	s1 =	srdreg.scid  }
0x8b: {  	s0 =	sand.u32 $0x1, s1  }
0x8c: {  	s16 =	sshll.u32 s0, $0xA;
	s2 =	sadd.s32 s3, s2  }
0x8d: {  	s2 =	sadd.s32 s2, s16  }
0x8e: {  	[smem:$0x3FB7] =	sst s2  }
0x8f: {  	_ = 	snop  }
0x90: {  	(tm) =	ssettm $0x1  }
0x91: {  	s17 =	sld [smem:$0x3FFB];
	_ =	sdelay $0x3  }
0x92: {  	_ =	strace s17  }
0x93: {  	s2 =	sld [smem:$0x3FFC];
	_ =	sdelay $0x3  }
0x94: {  	_ =	strace s2  }
0x95: {  	s2 =	sld [smem:$0x3FFD];
	_ =	sdelay $0x3  }
0x96: {  	_ =	strace s2  }
0x97: {  	_ =	strace $0x8FFFFFFF  }
0x98: {  	s18 =	sld [smem:$0x3FDB];
	_ =	sdelay $0x1  }
0x99: {  	s19 =	simm.s32 $_scs_section_size  }
0x9a: {  	s4 =	simm.s32 $_size__tile_overlayer_lowered;
	s5 =	simm.s32 $_tile_overlayer_lowered  }
0x9b: {  	s22 =	simm.s32 $0x1BFF;
	s21 =	sshll.u32 s5, $0x1;
	s2 =	sadd.s32 s19, s18  }
0x9c: {  	s6 =	simm.s32 $0x0;
	s20 =	sshll.u32 s4, $0x1;
	s4 =	sadd.s32 s21, s2  }
0x9d: {  	[timem:s6], [sflag:s22] =	dma.local [hbm:s4], s20  }
0x9e: {  	_ =	swait.ge [sflag:s22], s20  }
0x9f: {  	s3 =	ssub.s32 $0x0, s20;
	[sflag:s22] =	ssyncset.done $0x0  }
0xa0: {  	[sflag:s22] =	ssyncadd.s32 s3;
	_ =	sdelay $0x1  }
0xa1: {  	s23 =	simm.s32 $0x1B8B  }
0xa2: {  	_ =	swait.ge [sflag:s23], $0x1  }
0xa3: {  	[sflag:s23] =	ssyncset.done $0x0  }
0xa4: {  	s25 =	simm.s32 $0x1B8E;
	s24 =	sld [smem:$0x3FFE];
	[sflag:s23] =	ssyncadd.s32 $0xFFFFFFFF  }
0xa5: {  	s26 =	simm.s32 $execute0_lowered;
	[smem:$0x3FD2] =	sst s25  }
0xa6: {  	s4 =	sshll.u32 s26, $0x1;
	_ =	strace $0x80000049;
	[dreg:$0x1] =	wrdreg $0xFFFFFFFF  }
0xa7: {  	s28 =	simm.s32 $_size_execute0_lowered;
	s2 =	sadd.s32 s2, s4;
	[dreg:$0x0] =	wrdreg $0x0  }
0xa8: {  	s4 =	sshll.u32 s28, $0x1;
	[dreg:$0x2] =	wrdreg s2  }
0xa9: {  	[dreg:$0x3] =	wrdreg s4  }
0xaa: {  	[dreg:$0x4] =	wrdreg $0xC0  }
0xab: {  	_ =	task [dreg:s6], $0x5FFFF  }
0xac: {  	[dreg:$0x1] =	wrdreg $0xFFFFFFFF  }
0xad: {  	[dreg:$0x0] =	wrdreg $0x60  }
0xae: {  	[dreg:$0x2] =	wrdreg s24  }
0xaf: {  	[dreg:$0x3] =	wrdreg $0xA8000  }
0xb0: {  	[dreg:$0x4] =	wrdreg $0x9  }
0xb1: {  	_ =	task.clear_ibuf [dreg:s6], $0x5FFFF;
	_ =	strace $0x90000049  }
0xb2: {  	s29 =	simm.s32 $0x9;
	_ =	strace $0x8000004B  }
0xb3: {  	_ =	swait.ge [sflag:s29], $0x1  }
0xb4: {  	[sflag:s29] =	ssyncadd.s32 $0xFFFFFFFF  }
0xb5: {  	_ =	strace $0x9000004B  }
0xb6: {  	_ =	sfence  }
0xb7: {  	s30 =	sld [smem:$0x0];
	_ =	sdelay $0x2  }
0xb8: {  	s31 =	sshll.u32 s1, $0xD;
	s1 =	sshrl.u32 s1, $0x2  }
0xb9: {  	s3 =	sand.u32 $0x4000, s31;
	s1 =	sadd.s32 s1, s30  }
0xba: {  	s0 =	sor.u32 s3, s0;
	s1 =	sshll.u32 s1, $0x11  }
0xbb: {  	s0 =	sor.u32 s1, s0  }
0xbc: {  	s0 =	sadd.s32 $0x8F2B, s0  }
0xbd: {  	[sflag:s0] =	ssyncadd.remote.s32 $0x1  }
0xbe: {  	_ =	sfence.sel $0xFFFF  }
0xbf: {  	[dreg:$0x0] =	wrdreg $0xFFFFFFFF;
	(pc) =	sbr.abs _section_cstart, $3  }
0xc0: {  	[dreg:$0x1] =	wrdreg $0xFFFFFFFF  }
0xc1: {  	_ =	task.clear_ibuf [dreg:s6], $0x2FFFF;
	_ =	strace $0x9FFFFFFF  }
0xc2: {  	(tm) =	ssettm $0x7FFFFFFF  }
0xc3: {  	_ =	shalt  }
tec
execute0_lowered:
.L_overlay_start_1:
0x0: {  	(tag) =	ssettag $0x1  }
0x1: {  	s4 =	rddreg [dreg:$0x0]  }
0x2: {  	s2 =	rddreg [dreg:$0x1];
	s1 =	stileid.u32  }
0x3: {  	s3 =	srdreg.scid;
	s0 =	rddreg [dreg:$0x2]  }
0x4: {  	s17 =	simm.s32 $0x1;
	s18 =	simm.s32 $0x3;
	s19 =	simm.s32 $0x2  }
0x5: {  	s20 =	simm.s32 $0x4;
	s21 =	simm.s32 $0x0;
	s6 =	smul.u32 $0x2800, s1  }
0x6: {  	s9 =	sand.u32 $0x1, s3;
	s5 =	sshll.u32 s1, $0x1;
	s10 =	smul.u32 $0x50000, s1  }
0x7: {  	s3 =	simm.s32 $0x0;
	s11 =	sadd.s32 $0x517C00, s4;
	s15 =	smul.u32 $0x280000, s1  }
0x8: {  	s26 =	sshll.u32 s1, $0x6;
	s5 =	sor.u32 s9, s5;
	s16 =	smul.u32 $0x140000, s9  }
0x9: {  	[smem:$0x7FF] =	sst s3;
	s8 =	ssub.s32 $0x2, s9;
	s28 =	smul.u32 $0x28000, s9  }
0xa: {  	s7 =	smul.u32 $0x500, s5;
	_ =	strace $0x8000004A;
	s6 =	sadd.s32 s6, s4  }
0xb: {  	s25 =	sshrl.u32 s8, $0x1;
	s12 =	sshrl.u32 s10, $0x2;
	s13 =	smul.u32 $0x140000, s5  }
0xc: {  	s14 =	smul.u32 $0x28000, s5;
	s5 =	sor.u32 $0x1C05, s26;
	s10 =	sadd.s32 s10, s11  }
0xd: {  	s8 =	ssub.s32 s8, s25;
	s12 =	sadd.s32 s12, s2;
	s30 =	sadd.s32 s16, s15  }
0xe: {  	s10 =	sadd.s32 s28, s10;
	s15 =	simm.s32 $0x2800;
	s16 =	simm.s32 $0x6800  }
0xf: {  	s7 =	sadd.s32 s7, s4;
	s4 =	sadd.s32 $0x3C00, s6;
	s13 =	sshrl.u32 s13, $0x3  }
0x10: {  	s29 =	sadd.s32 s14, s11;
	s31 =	sshrl.u32 s30, $0x3;
	s10 =	sadd.s32 $0x800, s10  }
0x11: {  	s12 =	sshrl.u32 s12, $0x3;
	s14 =	simm.s32 $0x80;
	s6 =	sadd.s32 $0x50DC00, s7  }
0x12: {  	s13 =	sadd.s32 s11, s13;
	s7 =	smax.u32 s8, $0x1;
	s9 =	sadd.s32 $0x27800, s29  }
0x13: {  	s11 =	sadd.s32 s31, s11;
	s8 =	sadd.s32 $0x27000, s13;
	s13 =	simm.s32 $0x5  }
.LBB2_1:
0x14: {  	[spmem:s12], [sflag:s5] =	dma.local [hbm:s4], $0x2800  }
0x15: {  	_ =	swait.ge [sflag:s13], $0x2800  }
0x16: {  	[sflag:s13] =	ssyncset.done $0x0  }
0x17: {  	[sflag:s13] =	ssyncadd.s32 $0xFFFFD800  }
0x18: {  	[tilespmem:s3], [sflag:$0x5] =	stream.linear.gather [hbm4b:s6+s3], $0x2800, $0x38;
	[tilespmem:$0x1E800] =	vst v63  }
0x19: {  	_ =	swait.ge [sflag:s13], $0x2800  }
0x1a: {  	[sflag:s13] =	ssyncset.done $0x0  }
0x1b: {  	[sflag:s13] =	ssyncadd.s32 $0xFFFFD800  }
0x1c: {  	[bflag:$0x0] =	sbarrier.arrive $0xFFFF  }
0x1d: {  	[tilespmem:s15], [sflag:$0x1] =	stream.indirect.gather [spmem:s2], $0x80, s3, s14, $0xb8;
	[tilespmem:$0x1E800] =	vst v63  }
0x1e: {  	_ = 	snop  }
0x1f: {  	[tilespmem:s16], [sflag:$0x2] =	stream.indirect.gather [spmem:s2], $0x80, s14, s14, $0xb8;
	[tilespmem:$0x1E800] =	vst v63  }
0x20: {  	_ =	swait.ge [sflag:s17], $0x4000  }
0x21: {  	[sflag:s17] =	ssyncset.done $0x0  }
0x22: {  	s22 =	sadd.s32 $0x0, s11;
	[sflag:s17] =	ssyncadd.s32 $0xFFFFC000  }
0x23: {  	[hbm4b:s22+s3] =	stream.linear.scatter [tilespmem:s15], [sflag:$0x3], $0x4000, $0x38;
	[tilespmem:$0x1E800] =	vst v63  }
0x24: {  	_ =	swait.ge [sflag:s18], $0x4000  }
0x25: {  	[sflag:s18] =	ssyncset.done $0x0  }
0x26: {  	s30 =	simm.s32 $0x100;
	[sflag:s18] =	ssyncadd.s32 $0xFFFFC000  }
0x27: {  	[tilespmem:s15], [sflag:$0x1] =	stream.indirect.gather [spmem:s2], $0x80, s30, s14, $0xb8;
	[tilespmem:$0x1E800] =	vst v63  }
0x28: {  	_ =	swait.ge [sflag:s19], $0x4000  }
0x29: {  	[sflag:s19] =	ssyncset.done $0x0  }
0x2a: {  	s31 =	sadd.s32 $0x0, s10;
	[sflag:s19] =	ssyncadd.s32 $0xFFFFC000  }
0x2b: {  	[hbm4b:s31+s3] =	stream.linear.scatter [tilespmem:s16], [sflag:$0x4], $0x4000, $0x38;
	[tilespmem:$0x1E800] =	vst v63  }
0x2c: {  	_ =	swait.ge [sflag:s20], $0x4000  }
0x2d: {  	s23 =	simm.s32 $0x1000;
	[sflag:s20] =	ssyncset.done $0x0  }
0x2e: {  	s24 =	simm.s32 $0x280;
	s22 =	simm.s32 $0x180;
	[sflag:s20] =	ssyncadd.s32 $0xFFFFC000  }
.LBB2_2:
0x2f: {  	[tilespmem:s16], [sflag:$0x2] =	stream.indirect.gather [spmem:s2], $0x80, s22, s14, $0xb8;
	[tilespmem:$0x1E800] =	vst v63  }
0x30: {  	s25 =	smov.u32 s23;
	s22 =	smov.u32 s24  }
0x31: {  	p0 =	sne.s32 s23, $0x26000;
	s23 =	sadd.s32 $0x1000, s23;
	_ =	swait.ge [sflag:s17], $0x4000  }
0x32: {  	[sflag:s17] =	ssyncset.done $0x0  }
0x33: {  	s26 =	sadd.s32 s25, s11;
	[sflag:s17] =	ssyncadd.s32 $0xFFFFC000  }
0x34: {  	[hbm4b:s26+s3] =	stream.linear.scatter [tilespmem:s15], [sflag:$0x3], $0x4000, $0x38;
	[tilespmem:$0x1E800] =	vst v63  }
0x35: {  	_ =	swait.ge [sflag:s18], $0x4000  }
0x36: {  	[sflag:s18] =	ssyncset.done $0x0  }
0x37: {  	s26 =	sadd.s32 $0xFFFFFF80, s24;
	[sflag:s18] =	ssyncadd.s32 $0xFFFFC000  }
0x38: {  	[tilespmem:s15], [sflag:$0x1] =	stream.indirect.gather [spmem:s2], $0x80, s26, s14, $0xb8;
	[tilespmem:$0x1E800] =	vst v63  }
0x39: {  	_ =	swait.ge [sflag:s19], $0x4000  }
0x3a: {  	[sflag:s19] =	ssyncset.done $0x0  }
.Ltmp0:
0x3b: {  	s25 =	sadd.s32 s25, s10;
	[sflag:s19] =	ssyncadd.s32 $0xFFFFC000;
	(pc) =	sbr.rel @p0 .LBB2_2-.Ltmp0, $4  }
0x3c: {  	[hbm4b:s25+s3] =	stream.linear.scatter [tilespmem:s16], [sflag:$0x4], $0x4000, $0x38;
	[tilespmem:$0x1E800] =	vst v63  }
0x3d: {  	_ =	swait.ge [sflag:s20], $0x4000  }
0x3e: {  	[sflag:s20] =	ssyncset.done $0x0  }
0x3f: {  	s24 =	sadd.s32 $0x100, s24;
	[sflag:s20] =	ssyncadd.s32 $0xFFFFC000  }
0x40: {  	[tilespmem:s16], [sflag:$0x2] =	stream.indirect.gather [spmem:s2], $0x80, s22, s14, $0xb8;
	[tilespmem:$0x1E800] =	vst v63  }
0x41: {  	_ =	swait.ge [sflag:s17], $0x4000  }
0x42: {  	[sflag:s17] =	ssyncset.done $0x0  }
0x43: {  	[sflag:s17] =	ssyncadd.s32 $0xFFFFC000  }
0x44: {  	[hbm4b:s8+s3] =	stream.linear.scatter [tilespmem:s15], [sflag:$0x3], $0x4000, $0x38;
	[tilespmem:$0x1E800] =	vst v63  }
0x45: {  	_ =	swait.ge [sflag:s18], $0x4000  }
0x46: {  	[sflag:s18] =	ssyncset.done $0x0  }
0x47: {  	[sflag:s18] =	ssyncadd.s32 $0xFFFFC000  }
0x48: {  	s21 =	sadd.s32 $0x1, s21;
	_ =	swait.ge [sflag:s19], $0x4000  }
0x49: {  	p0 =	sne.s32 s21, s7;
	[sflag:s19] =	ssyncset.done $0x0  }
.Ltmp1:
0x4a: {  	[sflag:s19] =	ssyncadd.s32 $0xFFFFC000;
	(pc) =	sbr.rel @p0 .LBB2_1-.Ltmp1, $4  }
0x4b: {  	[hbm4b:s9+s3] =	stream.linear.scatter [tilespmem:s16], [sflag:$0x4], $0x4000, $0x38;
	[tilespmem:$0x1E800] =	vst v63  }
0x4c: {  	_ =	swait.ge [sflag:s20], $0x4000  }
0x4d: {  	[sflag:s20] =	ssyncset.done $0x0  }
0x4e: {  	[sflag:s20] =	ssyncadd.s32 $0xFFFFC000  }
0x4f: {  	_ =	sfence.sel $0x180000  }
0x50: {  	[bflag:$0x0] =	sbarrier.arrive $0xFFFF  }
0x51: {  	p0 =	sne.s32 s1, $0x0;
	_ =	strace $0x9000004A  }
0x52: {  	s0 =	sadd.s32 @!p0 $0x100000, s0;
	[bflag:$0x2] =	sbarrier.arrive $0xFFFF  }
0x53: {  	[sflag:s0] =	ssyncadd.tile.s32 @!p0 $0x1;
	_ =	shalt  }
.Lfunc_end2:
_tile_overlayer_lowered:
.L_overlay_start_2:
0x54: {  	(tag) =	ssettag $0x2  }
0x55: {  	s0 =	rddreg [dreg:$0x0];
	s2 =	stileid.u32  }
0x56: {  	s1 =	rddreg [dreg:$0x1];
	p0 =	sne.s32 s2, $0x0  }
0x57: {  	s3 =	rddreg [dreg:$0x2];
	[bflag:$0x3] =	sbarrier.arrive $0xFFFF;
	s2 =	simm.s32 @!p0 $0x1C05  }
0x58: {  	[timem:s3], [sflag:s2] =	dma.local @!p0 [hbm:s0], s1  }
0x59: {  	s0 =	simm.s32 @!p0 $0x5  }
0x5a: {  	_ =	swait.ge @!p0 [sflag:s0], s1  }
0x5b: {  	s1 =	ssub.s32 @!p0 $0x0, s1;
	[sflag:s0] =	ssyncset.done @!p0 $0x0  }
0x5c: {  	[sflag:s0] =	ssyncadd.s32 @!p0 s1  }
0x5d: {  	[bflag:$0x3] =	sbarrier.arrive $0xFFFF  }
0x5e: {  	_ =	shalt  }

// kernel: kernel.13.cloned.1.call-start
scs
__scs_entry_jumppad:
0x0: {  	(pc) =	sbr.rel $0x88, $3  }
0x1: {  	(tag) =	ssettag $0x0;
	lr =	simm.s32 $0x1  }
0x2: {  	[smem:$0x3F90] =	sst lr;
	_ =	strace $0xD0000000  }
0x3: {  	_ = 	snop  }
0x4: {  	_ = 	snop  }
0x5: {  	_ = 	snop  }
0x6: {  	_ = 	snop  }
0x7: {  	_ = 	snop  }
__scs_overlays_trampoline_lowered:
0x8: {  	[smem:$0x3F9F] =	sst s0  }
0x9: {  	[smem:$0x3FA0] =	sst s1  }
0xa: {  	[smem:$0x3FA1] =	sst s2  }
0xb: {  	[smem:$0x3FA2] =	sst s3  }
0xc: {  	[smem:$0x3FA3] =	sst s4  }
0xd: {  	[smem:$0x3FA4] =	sst s5  }
0xe: {  	[smem:$0x3FA5] =	sst s6  }
0xf: {  	[smem:$0x3FA6] =	sst s7  }
0x10: {  	[smem:$0x3FA7] =	sst s8  }
0x11: {  	[smem:$0x3FA8] =	sst s9;
	s0 =	simm.s32 @!p0 $0x0  }
0x12: {  	s1 =	sld [smem:$0x3F8E];
	s0 =	simm.s32 @p0 $0x1  }
0x13: {  	[smem:$0x3FA9] =	sst s0;
	s0 =	simm.s32 @!p1 $0x0  }
0x14: {  	s2 =	sld [smem:$0x3F8D];
	s0 =	simm.s32 @p1 $0x1  }
0x15: {  	[smem:$0x3FAA] =	sst s0;
	s0 =	simm.s32 @!p2 $0x0  }
0x16: {  	s3 =	sld [smem:$0x3FDB];
	s0 =	simm.s32 @p2 $0x1  }
0x17: {  	s4 =	simm.s32 $0x1BF5;
	[smem:$0x3FAC] =	sst s0  }
0x18: {  	s0 =	sld [smem:$0x3F8F];
	_ =	swait.ge [sflag:s4], $0x0  }
0x19: {  	s7 =	sld [smem:$0x3F90]  }
0x1a: {  	s8 =	sadd.s32 $0xFFFFE003, lr  }
0x1b: {  	s9 =	sadd.s32 $0xFFFFFEF7, lr;
	s5 =	simm.s32 $0xFFFFFFFF;
	p2 =	slt.u32 s8, $0xFFFFF086  }
0x1c: {  	p1 =	slt.u32 s9, $0xF7A;
	s5 =	simm.s32 @!p2 $0x0  }
0x1d: {  	s5 =	simm.s32 @p1 $0x1;
	p0 =	seq.s32 s7, s2  }
0x1e: {  	s7 =	smul.u32 @!p0 $0xF7A, s2;
	p2 =	seq.s32 @!p0 s5, $0x0  }
0x1f: {  	s9 =	smul.u32 $0xF7A, s1;
	s8 =	simm.s32 @!p0 $0x1BF5;
	p2 =	por !p2, p0  }
0x20: {  	[sflag:s8] =	ssyncset.s32 @!p0 $0xFFFFF086;
	s6 =	sadd.s32 @!p0 s3, s7;
	s7 =	simm.s32 @!p0 $0x108  }
0x21: {  	s3 =	sadd.s32 s3, s9;
	s6 =	sadd.s32 @!p0 $0x88, s6;
	s7 =	simm.s32 @p2 $0x1082  }
0x22: {  	[simem:s7], [sflag:s8] =	dma.local @!p0 [hbm:s6], $0xF7A  }
0x23: {  	s9 =	sor.u32 $0xD0000000, s2;
	s6 =	simm.s32 $0x108;
	_ =	swait.ge @!p0 [sflag:s8], $0x0  }
0x24: {  	s3 =	sadd.s32 $0x88, s3;
	s6 =	simm.s32 @!p1 $0x1082;
	[sflag:s4] =	ssyncset.s32 $0xFFFFF086  }
0x25: {  	[simem:s6], [sflag:s4] =	dma.local [hbm:s3], $0xF7A  }
0x26: {  	[smem:$0x3F90] =	sst s1;
	(tag) =	ssettag s2;
	_ =	strace s9  }
0x27: {  	s1 =	sld [smem:$0x3FA0]  }
0x28: {  	s2 =	sld [smem:$0x3FA1]  }
0x29: {  	s4 =	sld [smem:$0x3FA3]  }
0x2a: {  	p0 =	seq.s32 s5, $0x0;
	s5 =	sld [smem:$0x3FA4]  }
0x2b: {  	s6 =	sld [smem:$0x3FA5]  }
0x2c: {  	s7 =	sld [smem:$0x3FA6]  }
0x2d: {  	s3 =	simm.s32 $0x108;
	s8 =	sld [smem:$0x3FA7]  }
0x2e: {  	s3 =	simm.s32 @!p0 $0x1082;
	s9 =	sld [smem:$0x3FA8]  }
0x2f: {  	lr =	sadd.s32 s0, s3;
	s0 =	sld [smem:$0x3F9F]  }
0x30: {  	s3 =	sld [smem:$0x3FA2]  }
0x31: {  	[smem:$0x3FAB] =	sst s10  }
0x32: {  	s10 =	sld [smem:$0x3FA9];
	_ =	sdelay $0x3  }
0x33: {  	p0 =	seq.s32 s10, $0x1;
	s10 =	sld [smem:$0x3FAB];
	_ =	sdelay $0x3  }
0x34: {  	[smem:$0x3FAB] =	sst s10  }
0x35: {  	s10 =	sld [smem:$0x3FAA];
	_ =	sdelay $0x3  }
0x36: {  	p1 =	seq.s32 s10, $0x1;
	s10 =	sld [smem:$0x3FAB];
	_ =	sdelay $0x3  }
0x37: {  	[smem:$0x3FAB] =	sst s10  }
0x38: {  	s10 =	sld [smem:$0x3FAC]  }
0x39: {  	_ = 	snop;
	(pc) =	sbr.ind lr, $3  }
0x3a: {  	_ = 	snop  }
0x3b: {  	_ = 	snop  }
0x3c: {  	p2 =	seq.s32 s10, $0x1;
	s10 =	sld [smem:$0x3FAB]  }
0x3d: {  	_ =	shalt  }
0x3e: {  	_ =	shalt  }
0x3f: {  	_ =	shalt  }
0x40: {  	_ =	shalt  }
0x41: {  	_ =	shalt  }
0x42: {  	_ =	shalt  }
0x43: {  	_ =	shalt  }
0x44: {  	_ =	shalt  }
0x45: {  	_ =	shalt  }
0x46: {  	_ =	shalt  }
0x47: {  	_ =	shalt  }
0x48: {  	_ =	shalt  }
0x49: {  	_ =	shalt  }
0x4a: {  	_ =	shalt  }
0x4b: {  	_ =	shalt  }
0x4c: {  	_ =	shalt  }
0x4d: {  	_ =	shalt  }
0x4e: {  	_ =	shalt  }
0x4f: {  	_ =	shalt  }
0x50: {  	_ =	shalt  }
0x51: {  	_ =	shalt  }
0x52: {  	_ =	shalt  }
0x53: {  	_ =	shalt  }
0x54: {  	_ =	shalt  }
0x55: {  	_ =	shalt  }
0x56: {  	_ =	shalt  }
0x57: {  	_ =	shalt  }
0x58: {  	_ =	shalt  }
0x59: {  	_ =	shalt  }
0x5a: {  	_ =	shalt  }
0x5b: {  	_ =	shalt  }
0x5c: {  	_ =	shalt  }
0x5d: {  	_ =	shalt  }
0x5e: {  	_ =	shalt  }
0x5f: {  	_ =	shalt  }
0x60: {  	_ =	shalt  }
0x61: {  	_ =	shalt  }
0x62: {  	_ =	shalt  }
0x63: {  	_ =	shalt  }
0x64: {  	_ =	shalt  }
0x65: {  	_ =	shalt  }
0x66: {  	_ =	shalt  }
0x67: {  	_ =	shalt  }
0x68: {  	_ =	shalt  }
0x69: {  	_ =	shalt  }
0x6a: {  	_ =	shalt  }
0x6b: {  	_ =	shalt  }
0x6c: {  	_ =	shalt  }
0x6d: {  	_ =	shalt  }
0x6e: {  	_ =	shalt  }
0x6f: {  	_ =	shalt  }
0x70: {  	_ =	shalt  }
0x71: {  	_ =	shalt  }
0x72: {  	_ =	shalt  }
0x73: {  	_ =	shalt  }
0x74: {  	_ =	shalt  }
0x75: {  	_ =	shalt  }
0x76: {  	_ =	shalt  }
0x77: {  	_ =	shalt  }
0x78: {  	_ =	shalt  }
0x79: {  	_ =	shalt  }
0x7a: {  	_ =	shalt  }
0x7b: {  	_ =	shalt  }
0x7c: {  	_ =	shalt  }
0x7d: {  	_ =	shalt  }
0x7e: {  	_ =	shalt  }
0x7f: {  	_ =	shalt  }
0x80: {  	_ =	shalt  }
0x81: {  	_ =	shalt  }
0x82: {  	_ =	shalt  }
0x83: {  	_ =	shalt  }
0x84: {  	_ =	shalt  }
0x85: {  	_ =	shalt  }
0x86: {  	_ =	shalt  }
0x87: {  	_ =	shalt  }
.Lfunc_end0:
.L_simem_size_0:
called_computation.2_lowered:
.L_overlay_start_0:
0x88: {  	s2 =	sld [smem:$0x3FD9]  }
0x89: {  	s3 =	sld [smem:$0x3FFE];
	_ =	sdelay $0x1  }
0x8a: {  	s1 =	srdreg.scid  }
0x8b: {  	s0 =	sand.u32 $0x1, s1  }
0x8c: {  	s17 =	sshll.u32 s0, $0xA;
	s2 =	sadd.s32 s3, s2  }
0x8d: {  	s2 =	sadd.s32 s2, s17  }
0x8e: {  	[smem:$0x3FB7] =	sst s2  }
0x8f: {  	_ = 	snop  }
0x90: {  	s2 =	sld [smem:$0x3FC5]  }
0x91: {  	s18 =	sld [smem:$0x3FD0];
	(tm) =	ssettm $0x1  }
0x92: {  	s4 =	sld [smem:$0x3FFB];
	_ =	sdelay $0x3  }
0x93: {  	_ =	strace s4  }
0x94: {  	s4 =	sld [smem:$0x3FFC];
	_ =	sdelay $0x3  }
0x95: {  	_ =	strace s4  }
0x96: {  	s4 =	sld [smem:$0x3FFD];
	_ =	sdelay $0x3  }
0x97: {  	_ =	strace s4  }
0x98: {  	_ =	strace $0x8FFFFFFF  }
0x99: {  	s19 =	sld [smem:$0x3FDB];
	_ =	sdelay $0x1  }
0x9a: {  	s5 =	simm.s32 $_scs_section_size  }
0x9b: {  	s6 =	simm.s32 $_size__tile_overlayer_lowered;
	s7 =	simm.s32 $_tile_overlayer_lowered  }
0x9c: {  	s22 =	simm.s32 $0x1BFF;
	s21 =	sshll.u32 s7, $0x1;
	s4 =	sadd.s32 s5, s19  }
0x9d: {  	s8 =	simm.s32 $0x0;
	s20 =	sshll.u32 s6, $0x1;
	s6 =	sadd.s32 s21, s4  }
0x9e: {  	[timem:s8], [sflag:s22] =	dma.local [hbm:s6], s20  }
0x9f: {  	_ =	swait.ge [sflag:s22], s20  }
0xa0: {  	s5 =	ssub.s32 $0x0, s20;
	[sflag:s22] =	ssyncset.done $0x0  }
0xa1: {  	[sflag:s22] =	ssyncadd.s32 s5;
	_ =	sdelay $0x1  }
0xa2: {  	s23 =	simm.s32 $0x1B8B  }
0xa3: {  	_ =	swait.ge [sflag:s23], $0x1  }
0xa4: {  	[sflag:s23] =	ssyncset.done $0x0  }
0xa5: {  	s25 =	simm.s32 $0x1B8E;
	s24 =	sld [smem:$0x3FFE];
	[sflag:s23] =	ssyncadd.s32 $0xFFFFFFFF  }
0xa6: {  	s26 =	simm.s32 $execute0_lowered;
	[smem:$0x3FD2] =	sst s25  }
0xa7: {  	s6 =	sshll.u32 s26, $0x1;
	_ =	strace $0x8000004C;
	[dreg:$0x1] =	wrdreg $0xFFFFFFFF  }
0xa8: {  	s28 =	simm.s32 $_size_execute0_lowered;
	s4 =	sadd.s32 s4, s6;
	[dreg:$0x0] =	wrdreg $0x0  }
0xa9: {  	s6 =	sshll.u32 s28, $0x1;
	[dreg:$0x2] =	wrdreg s4  }
0xaa: {  	[dreg:$0x3] =	wrdreg s6  }
0xab: {  	[dreg:$0x4] =	wrdreg $0xC0  }
0xac: {  	_ =	task [dreg:s8], $0x5FFFF  }
0xad: {  	[dreg:$0x1] =	wrdreg $0xFFFFFFFF  }
0xae: {  	[dreg:$0x0] =	wrdreg $0x60  }
0xaf: {  	[dreg:$0x2] =	wrdreg s24  }
0xb0: {  	[dreg:$0x3] =	wrdreg s2  }
0xb1: {  	[dreg:$0x4] =	wrdreg s18  }
0xb2: {  	[dreg:$0x5] =	wrdreg $0xA2000  }
0xb3: {  	[dreg:$0x6] =	wrdreg $0x9  }
0xb4: {  	_ =	task.clear_ibuf [dreg:s8], $0x7FFFF;
	_ =	strace $0x9000004C  }
0xb5: {  	s29 =	simm.s32 $0x9;
	_ =	strace $0x8000004E  }
0xb6: {  	_ =	swait.ge [sflag:s29], $0x1  }
0xb7: {  	[sflag:s29] =	ssyncadd.s32 $0xFFFFFFFF  }
0xb8: {  	_ =	strace $0x9000004E  }
0xb9: {  	_ =	sfence  }
0xba: {  	s30 =	sld [smem:$0x0];
	_ =	sdelay $0x2  }
0xbb: {  	s31 =	sshll.u32 s1, $0xD;
	s1 =	sshrl.u32 s1, $0x2  }
0xbc: {  	s3 =	sand.u32 $0x4000, s31;
	s1 =	sadd.s32 s1, s30  }
0xbd: {  	s0 =	sor.u32 s3, s0;
	s1 =	sshll.u32 s1, $0x11  }
0xbe: {  	s0 =	sor.u32 s1, s0  }
0xbf: {  	s0 =	sadd.s32 $0x8F2B, s0  }
0xc0: {  	[sflag:s0] =	ssyncadd.remote.s32 $0x1  }
0xc1: {  	_ =	sfence.sel $0xFFFF  }
0xc2: {  	[dreg:$0x0] =	wrdreg $0xFFFFFFFF;
	(pc) =	sbr.abs _section_cstart, $3  }
0xc3: {  	[dreg:$0x1] =	wrdreg $0xFFFFFFFF  }
0xc4: {  	_ =	task.clear_ibuf [dreg:s8], $0x2FFFF;
	_ =	strace $0x9FFFFFFF  }
0xc5: {  	(tm) =	ssettm $0x7FFFFFFF  }
tec
execute0_lowered:
.L_overlay_start_1:
0x0: {  	(tag) =	ssettag $0x1  }
0x1: {  	s0 =	rddreg [dreg:$0x0]  }
0x2: {  	s1 =	rddreg [dreg:$0x1];
	s2 =	simm.s32 $0x0  }
0x3: {  	s3 =	srdreg.scid;
	s17 =	stileid.u32;
	s30 =	simm.s32 $0xD  }
0x4: {  	[smem:$0x7FF] =	sst s2;
	s5 =	smul.u32 $0x4E20, s17;
	s6 =	sadd.s32 $0x13DBC00, s0  }
0x5: {  	s3 =	sand.u32 $0x1, s3;
	s7 =	sadd.s32 $0x18BDC00, s0;
	s10 =	smul.u32 $0x4E200, s17  }
0x6: {  	s4 =	ssub.s32 $0x2, s3;
	p0 =	sne.s32 s3, $0x0;
	s3 =	simm.s32 $0x4  }
0x7: {  	s8 =	sshrl.u32 s4, $0x1;
	s9 =	sshrl.u32 s5, $0x3;
	s19 =	sadd.s32 $0x50, s5  }
0x8: {  	s21 =	sadd.s32 $0xA0, s5;
	s13 =	sadd.s32 $0xF0, s5;
	s25 =	sadd.s32 $0x140, s5  }
0x9: {  	s5 =	sadd.s32 $0x190, s5;
	s8 =	ssub.s32 s4, s8;
	s18 =	sadd.s32 s1, s9  }
0xa: {  	s4 =	sadd.s32 s7, s10;
	s11 =	sshrl.u32 s19, $0x3;
	s9 =	sshll.u32 s19, $0x4  }
0xb: {  	s12 =	sshrl.u32 s21, $0x3;
	s23 =	sshrl.u32 s13, $0x3;
	s24 =	sshll.u32 s13, $0x4  }
0xc: {  	s26 =	sshll.u32 s25, $0x4;
	s15 =	sshrl.u32 s25, $0x3;
	s16 =	sshll.u32 s5, $0x4  }
0xd: {  	s5 =	sshrl.u32 s5, $0x3;
	s13 =	sadd.s32 s6, s10;
	s19 =	smul.u32 $0x9C4, s17  }
0xe: {  	s25 =	sshll.u32 s17, $0x6;
	[dreg:$0x5] =	wrdreg s18;
	s11 =	sadd.s32 s1, s11  }
0xf: {  	s20 =	sadd.s32 s7, s9;
	s12 =	sadd.s32 s1, s12;
	[dreg:$0x6] =	wrdreg s11  }
0x10: {  	s14 =	sadd.s32 s7, s24;
	s31 =	sadd.s32 s7, s26;
	[dreg:$0x7] =	wrdreg s20  }
0x11: {  	s10 =	sadd.s32 s6, s9;
	s18 =	sadd.s32 s6, s26;
	[dreg:$0x8] =	wrdreg s12  }
0x12: {  	s5 =	sadd.s32 s1, s5;
	s28 =	sor.u32 $0x1C0D, s25;
	[dreg:$0xb] =	wrdreg s14  }
0x13: {  	s26 =	smax.u32 s8, $0x1;
	s8 =	simm.s32 $0x5;
	[dreg:$0xc] =	wrdreg s31  }
0x14: {  	s9 =	simm.s32 $0xB;
	s11 =	sshll.u32 s21, $0x4;
	[dreg:$0xe] =	wrdreg s10  }
0x15: {  	s12 =	sadd.s32 s1, s23;
	[dreg:$0x11] =	wrdreg s18;
	s20 =	sadd.s32 s1, s15  }
0x16: {  	[dreg:$0x14] =	wrdreg s5;
	s21 =	smul.u32 $0x4F000, s17;
	s23 =	sadd.s32 $0x50DC00, s0  }
0x17: {  	s1 =	sadd.s32 s19, s1;
	s0 =	sadd.s32 $0x535400, s0;
	s31 =	smul.u32 $0x2780, s17  }
0x18: {  	s18 =	simm.s32 $0x200;
	s10 =	simm.s32 $0x50;
	[dreg:$0xa] =	wrdreg s12  }
0x19: {  	s14 =	simm.s32 $0x2;
	s22 =	sadd.s32 s7, s11;
	[dreg:$0x13] =	wrdreg s20  }
0x1a: {  	s15 =	simm.s32 $0x6;
	s7 =	sadd.s32 s7, s16;
	[dreg:$0x9] =	wrdreg s22  }
0x1b: {  	s17 =	simm.s32 $0x7A00;
	s11 =	sadd.s32 s6, s11;
	[dreg:$0xd] =	wrdreg s7  }
0x1c: {  	s19 =	simm.s32 $0x3;
	s12 =	sadd.s32 s6, s24;
	[dreg:$0xf] =	wrdreg s11  }
0x1d: {  	s5 =	simm.s32 $0x8;
	s6 =	sadd.s32 s6, s16;
	[dreg:$0x10] =	wrdreg s12  }
0x1e: {  	s29 =	sadd.s32 $0x5A, s1;
	s1 =	simm.s32 $0x2A00;
	[dreg:$0x12] =	wrdreg s6  }
0x1f: {  	s16 =	simm.s32 $0x180;
	s20 =	simm.s32 $0xC;
	s22 =	rddreg [dreg:$0x3]  }
0x20: {  	s24 =	sshrl.u32 s21, $0x2;
	_ =	strace $0x8000004D;
	[dreg:$0x15] =	wrdreg s23  }
.Ltmp0:
0x21: {  	s6 =	simm.s32 $0x1;
	[dreg:$0x16] =	wrdreg s0;
	(pc) =	sbr.rel .LBB2_1-.Ltmp0, $4  }
0x22: {  	s11 =	simm.s32 $0x100;
	s12 =	simm.s32 $0x5200;
	[dreg:$0x19] =	wrdreg s26  }
0x23: {  	s7 =	simm.s32 $0xA;
	s21 =	simm.s32 $0x0;
	[dreg:$0x1a] =	wrdreg s31  }
0x24: {  	s0 =	sadd.s32 s24, s22;
	s23 =	simm.s32 $0x7;
	[dreg:$0x18] =	wrdreg s28  }
0x25: {  	s24 =	simm.s32 $0x9;
	[dreg:$0x17] =	wrdreg s0;
	s0 =	simm.s32 $0x80  }
.LBB2_7:
0x26: {  	[tilespmem:s1], [sflag:$0x6] =	stream.linear.gather [hbm4b:s26+s2], $0x2800, $0x38;
	[tilespmem:$0x1DE00] =	vst v63  }
0x27: {  	s26 =	rddreg [dreg:$0x16]  }
.LBB2_8:
0x28: {  	_ =	swait.ge [sflag:s6], $0x50  }
0x29: {  	[sflag:s6] =	ssyncset.done $0x0  }
0x2a: {  	[sflag:s6] =	ssyncadd.s32 $0xFFFFFFB0  }
0x2b: {  	_ =	swait.ge [sflag:s8], $0x2800  }
0x2c: {  	[sflag:s8] =	ssyncset.done $0x0  }
0x2d: {  	[sflag:s8] =	ssyncadd.s32 $0xFFFFD800  }
0x2e: {  	[spmem:s22] =	stream.indirect.scatter.add.f32 [tilespmem:s18], [sflag:$0x9], $0x80, s2, s10, $0xb8;
	[tilespmem:$0x1DE00] =	vst v63  }
0x2f: {  	_ =	swait.ge [sflag:s14], $0x50  }
0x30: {  	[sflag:s14] =	ssyncset.done $0x0  }
0x31: {  	[sflag:s14] =	ssyncadd.s32 $0xFFFFFFB0  }
0x32: {  	_ =	swait.ge [sflag:s15], $0x2800  }
0x33: {  	[sflag:s15] =	ssyncset.done $0x0  }
0x34: {  	[sflag:s15] =	ssyncadd.s32 $0xFFFFD800  }
0x35: {  	[spmem:s22] =	stream.indirect.scatter.add.f32 [tilespmem:s1], [sflag:$0xA], $0x80, s0, s10, $0xb8;
	[tilespmem:$0x1DE00] =	vst v63  }
0x36: {  	_ =	swait.ge [sflag:s24], $0x2800  }
0x37: {  	[sflag:s24] =	ssyncset.done $0x0  }
0x38: {  	[sflag:s24] =	ssyncadd.s32 $0xFFFFD800  }
0x39: {  	_ =	swait.ge [sflag:s7], $0x2800  }
0x3a: {  	[sflag:s7] =	ssyncset.done $0x0  }
0x3b: {  	[sflag:s7] =	ssyncadd.s32 $0xFFFFD800  }
0x3c: {  	_ =	swait.ge [sflag:s9], $0x2800  }
0x3d: {  	[sflag:s9] =	ssyncset.done $0x0  }
0x3e: {  	[sflag:s9] =	ssyncadd.s32 $0xFFFFD800  }
0x3f: {  	_ =	swait.ge [sflag:s20], $0x2800  }
0x40: {  	[sflag:s20] =	ssyncset.done $0x0  }
0x41: {  	[sflag:s20] =	ssyncadd.s32 $0xFFFFD800  }
0x42: {  	s28 =	rddreg [dreg:$0x1a];
	[bflag:$0x0] =	sbarrier.arrive $0xFFFF  }
0x43: {  	s30 =	simm.s32 $0xD;
	s26 =	sadd.s32 s26, s28;
	s28 =	rddreg [dreg:$0x18]  }
0x44: {  	[hbm:s26], [sflag:s28] =	dma.local [spmem:s25], $0x2780  }
0x45: {  	_ =	swait.ge [sflag:s30], $0x2780  }
0x46: {  	s21 =	sadd.s32 $0x1, s21;
	s31 =	rddreg [dreg:$0x19]  }
0x47: {  	p1 =	sne.s32 s21, s31  }
.Ltmp1:
0x48: {  	_ = 	snop;
	(pc) =	sbr.rel @!p1 .LBB2_9-.Ltmp1, $3  }
0x49: {  	_ =	sdelay $0x1  }
0x4a: {  	[sflag:s30] =	ssyncset.done $0x0  }
0x4b: {  	[sflag:s30] =	ssyncadd.s32 $0xFFFFD880  }
.LBB2_1:
0x4c: {  	s25 =	rddreg [dreg:$0x17]  }
0x4d: {  	s26 =	rddreg [dreg:$0x2];
	s25 =	sshrl.u32 s25, $0x3  }
0x4e: {  	[spmem:s25], [sflag:s28] =	dma.local [hbm:s26], $0x2780  }
0x4f: {  	_ =	swait.ge [sflag:s30], $0x2780  }
.Ltmp2:
0x50: {  	[sflag:s30] =	ssyncset.done $0x0;
	(pc) =	sbr.rel @p0 .LBB2_5-.Ltmp2, $4  }
0x51: {  	[sflag:s30] =	ssyncadd.s32 $0xFFFFD880  }
0x52: {  	[bflag:$0x0] =	sbarrier.arrive $0xFFFF  }
0x53: {  	s26 =	simm.s32 $0x0;
	s31 =	rddreg [dreg:$0x5]  }
0x54: {  	[tilespmem:s2], [sflag:$0x1] =	stream.linear.gather [hbm4b:s31+s2], $0x50, $0x38;
	[tilespmem:$0x1DE00] =	vst v63  }
0x55: {  	[tilespmem:s18], [sflag:$0x5] =	stream.linear.gather [hbm4b:s13+s26], $0x2800, $0x38;
	[tilespmem:$0x1DE00] =	vst v63  }
0x56: {  	s28 =	rddreg [dreg:$0x6]  }
0x57: {  	[tilespmem:s0], [sflag:$0x2] =	stream.linear.gather [hbm4b:s28+s26], $0x50, $0x38;
	[tilespmem:$0x1DE00] =	vst v63  }
0x58: {  	s28 =	rddreg [dreg:$0xe]  }
0x59: {  	[tilespmem:s1], [sflag:$0x6] =	stream.linear.gather [hbm4b:s28+s26], $0x2800, $0x38;
	[tilespmem:$0x1DE00] =	vst v63  }
0x5a: {  	_ =	swait.ge [sflag:s6], $0x50  }
0x5b: {  	[sflag:s6] =	ssyncset.done $0x0  }
0x5c: {  	[sflag:s6] =	ssyncadd.s32 $0xFFFFFFB0  }
0x5d: {  	_ =	swait.ge [sflag:s8], $0x2800  }
0x5e: {  	[sflag:s8] =	ssyncset.done $0x0  }
0x5f: {  	[sflag:s8] =	ssyncadd.s32 $0xFFFFD800  }
0x60: {  	[spmem:s22] =	stream.indirect.scatter.add.f32 [tilespmem:s18], [sflag:$0x9], $0x80, s26, s10, $0xb8;
	[tilespmem:$0x1DE00] =	vst v63  }
0x61: {  	s28 =	rddreg [dreg:$0x8]  }
0x62: {  	[tilespmem:s11], [sflag:$0x3] =	stream.linear.gather [hbm4b:s28+s26], $0x50, $0x38;
	[tilespmem:$0x1DE00] =	vst v63  }
0x63: {  	s28 =	rddreg [dreg:$0xf]  }
0x64: {  	[tilespmem:s12], [sflag:$0x7] =	stream.linear.gather [hbm4b:s28+s26], $0x2800, $0x38;
	[tilespmem:$0x1DE00] =	vst v63  }
0x65: {  	_ =	swait.ge [sflag:s14], $0x50  }
0x66: {  	[sflag:s14] =	ssyncset.done $0x0  }
0x67: {  	[sflag:s14] =	ssyncadd.s32 $0xFFFFFFB0  }
0x68: {  	_ =	swait.ge [sflag:s15], $0x2800  }
0x69: {  	[sflag:s15] =	ssyncset.done $0x0  }
0x6a: {  	[sflag:s15] =	ssyncadd.s32 $0xFFFFD800  }
0x6b: {  	[spmem:s22] =	stream.indirect.scatter.add.f32 [tilespmem:s1], [sflag:$0xA], $0x80, s0, s10, $0xb8;
	[tilespmem:$0x1DE00] =	vst v63  }
0x6c: {  	s28 =	rddreg [dreg:$0xa]  }
0x6d: {  	[tilespmem:s16], [sflag:$0x4] =	stream.linear.gather [hbm4b:s28+s26], $0x50, $0x38;
	[tilespmem:$0x1DE00] =	vst v63  }
0x6e: {  	s28 =	rddreg [dreg:$0x10]  }
0x6f: {  	[tilespmem:s17], [sflag:$0x8] =	stream.linear.gather [hbm4b:s28+s26], $0x2800, $0x38;
	[tilespmem:$0x1DE00] =	vst v63  }
0x70: {  	_ =	swait.ge [sflag:s19], $0x50  }
0x71: {  	[sflag:s19] =	ssyncset.done $0x0  }
0x72: {  	[sflag:s19] =	ssyncadd.s32 $0xFFFFFFB0  }
0x73: {  	_ =	swait.ge [sflag:s23], $0x2800  }
0x74: {  	[sflag:s23] =	ssyncset.done $0x0  }
0x75: {  	[sflag:s23] =	ssyncadd.s32 $0xFFFFD800  }
0x76: {  	[spmem:s22] =	stream.indirect.scatter.add.f32 [tilespmem:s12], [sflag:$0xB], $0x80, s11, s10, $0xb8;
	[tilespmem:$0x1DE00] =	vst v63  }
0x77: {  	_ =	swait.ge [sflag:s24], $0x2800  }
0x78: {  	[sflag:s24] =	ssyncset.done $0x0  }
0x79: {  	s28 =	rddreg [dreg:$0x13];
	[sflag:s24] =	ssyncadd.s32 $0xFFFFD800  }
0x7a: {  	[tilespmem:s26], [sflag:$0x1] =	stream.linear.gather [hbm4b:s28+s26], $0x50, $0x38;
	[tilespmem:$0x1DE00] =	vst v63  }
0x7b: {  	s28 =	rddreg [dreg:$0x11]  }
0x7c: {  	[tilespmem:s18], [sflag:$0x5] =	stream.linear.gather [hbm4b:s28+s26], $0x2800, $0x38;
	[tilespmem:$0x1DE00] =	vst v63  }
0x7d: {  	_ =	swait.ge [sflag:s3], $0x50  }
0x7e: {  	[sflag:s3] =	ssyncset.done $0x0  }
0x7f: {  	[sflag:s3] =	ssyncadd.s32 $0xFFFFFFB0  }
0x80: {  	_ =	swait.ge [sflag:s5], $0x2800  }
0x81: {  	[sflag:s5] =	ssyncset.done $0x0  }
0x82: {  	[sflag:s5] =	ssyncadd.s32 $0xFFFFD800  }
0x83: {  	[spmem:s22] =	stream.indirect.scatter.add.f32 [tilespmem:s17], [sflag:$0xC], $0x80, s16, s10, $0xb8;
	[tilespmem:$0x1DE00] =	vst v63  }
0x84: {  	_ =	swait.ge [sflag:s7], $0x2800  }
0x85: {  	[sflag:s7] =	ssyncset.done $0x0  }
0x86: {  	s28 =	rddreg [dreg:$0x14];
	[sflag:s7] =	ssyncadd.s32 $0xFFFFD800  }
0x87: {  	[tilespmem:s0], [sflag:$0x2] =	stream.linear.gather [hbm4b:s28+s26], $0x50, $0x38;
	[tilespmem:$0x1DE00] =	vst v63  }
0x88: {  	s28 =	rddreg [dreg:$0x12]  }
0x89: {  	[tilespmem:s1], [sflag:$0x6] =	stream.linear.gather [hbm4b:s28+s26], $0x2800, $0x38;
	[tilespmem:$0x1DE00] =	vst v63  }
0x8a: {  	_ =	swait.ge [sflag:s6], $0x50  }
0x8b: {  	[sflag:s6] =	ssyncset.done $0x0  }
0x8c: {  	[sflag:s6] =	ssyncadd.s32 $0xFFFFFFB0  }
0x8d: {  	_ =	swait.ge [sflag:s8], $0x2800  }
0x8e: {  	[sflag:s8] =	ssyncset.done $0x0  }
0x8f: {  	[sflag:s8] =	ssyncadd.s32 $0xFFFFD800  }
0x90: {  	[spmem:s22] =	stream.indirect.scatter.add.f32 [tilespmem:s18], [sflag:$0x9], $0x80, s2, s10, $0xb8;
	[tilespmem:$0x1DE00] =	vst v63  }
0x91: {  	_ =	swait.ge [sflag:s9], $0x2800  }
0x92: {  	[sflag:s9] =	ssyncset.done $0x0  }
0x93: {  	s31 =	sadd.s32 $0xFFFFFFE2, s29;
	s30 =	sadd.s32 $0x0, s13;
	[sflag:s9] =	ssyncadd.s32 $0xFFFFD800  }
0x94: {  	[tilespmem:s11], [sflag:$0x3] =	stream.linear.gather [hbm4b:s31+s2], $0x50, $0x38;
	[tilespmem:$0x1DE00] =	vst v63  }
0x95: {  	s31 =	sadd.s32 $0x1E00, s30  }
0x96: {  	[tilespmem:s12], [sflag:$0x7] =	stream.linear.gather [hbm4b:s31+s2], $0x2800, $0x38;
	[tilespmem:$0x1DE00] =	vst v63  }
0x97: {  	_ =	swait.ge [sflag:s14], $0x50  }
0x98: {  	[sflag:s14] =	ssyncset.done $0x0  }
0x99: {  	[sflag:s14] =	ssyncadd.s32 $0xFFFFFFB0  }
0x9a: {  	_ =	swait.ge [sflag:s15], $0x2800  }
0x9b: {  	[sflag:s15] =	ssyncset.done $0x0  }
0x9c: {  	[sflag:s15] =	ssyncadd.s32 $0xFFFFD800  }
0x9d: {  	[spmem:s22] =	stream.indirect.scatter.add.f32 [tilespmem:s1], [sflag:$0xA], $0x80, s0, s10, $0xb8;
	[tilespmem:$0x1DE00] =	vst v63  }
0x9e: {  	_ =	swait.ge [sflag:s20], $0x2800  }
0x9f: {  	[sflag:s20] =	ssyncset.done $0x0  }
0xa0: {  	s31 =	sadd.s32 $0xFFFFFFEC, s29;
	[sflag:s20] =	ssyncadd.s32 $0xFFFFD800  }
0xa1: {  	[tilespmem:s16], [sflag:$0x4] =	stream.linear.gather [hbm4b:s31+s2], $0x50, $0x38;
	[tilespmem:$0x1DE00] =	vst v63  }
0xa2: {  	s31 =	sadd.s32 $0x2300, s30  }
0xa3: {  	[tilespmem:s17], [sflag:$0x8] =	stream.linear.gather [hbm4b:s31+s2], $0x2800, $0x38;
	[tilespmem:$0x1DE00] =	vst v63  }
0xa4: {  	_ =	swait.ge [sflag:s19], $0x50  }
0xa5: {  	[sflag:s19] =	ssyncset.done $0x0  }
0xa6: {  	[sflag:s19] =	ssyncadd.s32 $0xFFFFFFB0  }
0xa7: {  	_ =	swait.ge [sflag:s23], $0x2800  }
0xa8: {  	[sflag:s23] =	ssyncset.done $0x0  }
0xa9: {  	[sflag:s23] =	ssyncadd.s32 $0xFFFFD800  }
0xaa: {  	[spmem:s22] =	stream.indirect.scatter.add.f32 [tilespmem:s12], [sflag:$0xB], $0x80, s11, s10, $0xb8;
	[tilespmem:$0x1DE00] =	vst v63  }
0xab: {  	_ =	swait.ge [sflag:s24], $0x2800  }
0xac: {  	[sflag:s24] =	ssyncset.done $0x0  }
0xad: {  	s31 =	sadd.s32 $0xFFFFFFF6, s29;
	[sflag:s24] =	ssyncadd.s32 $0xFFFFD800  }
0xae: {  	[tilespmem:s2], [sflag:$0x1] =	stream.linear.gather [hbm4b:s31+s2], $0x50, $0x38;
	[tilespmem:$0x1DE00] =	vst v63  }
0xaf: {  	s31 =	sadd.s32 $0x2800, s30  }
0xb0: {  	[tilespmem:s18], [sflag:$0x5] =	stream.linear.gather [hbm4b:s31+s2], $0x2800, $0x38;
	[tilespmem:$0x1DE00] =	vst v63  }
0xb1: {  	_ =	swait.ge [sflag:s3], $0x50  }
0xb2: {  	[sflag:s3] =	ssyncset.done $0x0  }
0xb3: {  	[sflag:s3] =	ssyncadd.s32 $0xFFFFFFB0  }
0xb4: {  	_ =	swait.ge [sflag:s5], $0x2800  }
0xb5: {  	[sflag:s5] =	ssyncset.done $0x0  }
0xb6: {  	[sflag:s5] =	ssyncadd.s32 $0xFFFFD800  }
0xb7: {  	[spmem:s22] =	stream.indirect.scatter.add.f32 [tilespmem:s17], [sflag:$0xC], $0x80, s16, s10, $0xb8;
	[tilespmem:$0x1DE00] =	vst v63  }
0xb8: {  	_ =	swait.ge [sflag:s7], $0x2800  }
0xb9: {  	s28 =	simm.s32 $0x1400;
	[sflag:s7] =	ssyncset.done $0x0  }
0xba: {  	s26 =	sadd.s32 $0x2D00, s30;
	s30 =	sadd.s32 $0x28, s29;
	[sflag:s7] =	ssyncadd.s32 $0xFFFFD800  }
0xbb: {  	[tilespmem:s0], [sflag:$0x2] =	stream.linear.gather [hbm4b:s29+s2], $0x50, $0x38;
	[tilespmem:$0x1DE00] =	vst v63  }
.LBB2_3:
0xbc: {  	[tilespmem:s1], [sflag:$0x6] =	stream.linear.gather [hbm4b:s26+s2], $0x2800, $0x38;
	[tilespmem:$0x1DE00] =	vst v63  }
0xbd: {  	s26 =	smov.u32 s28  }
0xbe: {  	p1 =	seq.s32 s28, $0x4B000;
	s28 =	sadd.s32 $0x1400, s28;
	_ =	swait.ge [sflag:s6], $0x50  }
0xbf: {  	[sflag:s6] =	ssyncset.done $0x0  }
0xc0: {  	[sflag:s6] =	ssyncadd.s32 $0xFFFFFFB0  }
0xc1: {  	_ =	swait.ge [sflag:s8], $0x2800  }
0xc2: {  	[sflag:s8] =	ssyncset.done $0x0  }
0xc3: {  	[sflag:s8] =	ssyncadd.s32 $0xFFFFD800  }
0xc4: {  	[spmem:s22] =	stream.indirect.scatter.add.f32 [tilespmem:s18], [sflag:$0x9], $0x80, s2, s10, $0xb8;
	[tilespmem:$0x1DE00] =	vst v63  }
0xc5: {  	_ =	swait.ge [sflag:s9], $0x2800  }
0xc6: {  	[sflag:s9] =	ssyncset.done $0x0  }
0xc7: {  	s31 =	sadd.s32 $0xFFFFFFE2, s30;
	s26 =	sadd.s32 s26, s13;
	[sflag:s9] =	ssyncadd.s32 $0xFFFFD800  }
0xc8: {  	[tilespmem:s11], [sflag:$0x3] =	stream.linear.gather [hbm4b:s31+s2], $0x50, $0x38;
	[tilespmem:$0x1DE00] =	vst v63  }
0xc9: {  	s31 =	sadd.s32 $0x1E00, s26  }
0xca: {  	[tilespmem:s12], [sflag:$0x7] =	stream.linear.gather [hbm4b:s31+s2], $0x2800, $0x38;
	[tilespmem:$0x1DE00] =	vst v63  }
0xcb: {  	_ =	swait.ge [sflag:s14], $0x50  }
0xcc: {  	[sflag:s14] =	ssyncset.done $0x0  }
0xcd: {  	[sflag:s14] =	ssyncadd.s32 $0xFFFFFFB0  }
0xce: {  	_ =	swait.ge [sflag:s15], $0x2800  }
0xcf: {  	[sflag:s15] =	ssyncset.done $0x0  }
0xd0: {  	[sflag:s15] =	ssyncadd.s32 $0xFFFFD800  }
0xd1: {  	[spmem:s22] =	stream.indirect.scatter.add.f32 [tilespmem:s1], [sflag:$0xA], $0x80, s0, s10, $0xb8;
	[tilespmem:$0x1DE00] =	vst v63  }
0xd2: {  	_ =	swait.ge [sflag:s20], $0x2800  }
0xd3: {  	[sflag:s20] =	ssyncset.done $0x0  }
0xd4: {  	s31 =	sadd.s32 $0xFFFFFFEC, s30;
	[sflag:s20] =	ssyncadd.s32 $0xFFFFD800  }
0xd5: {  	[tilespmem:s16], [sflag:$0x4] =	stream.linear.gather [hbm4b:s31+s2], $0x50, $0x38;
	[tilespmem:$0x1DE00] =	vst v63  }
0xd6: {  	s31 =	sadd.s32 $0x2300, s26  }
0xd7: {  	[tilespmem:s17], [sflag:$0x8] =	stream.linear.gather [hbm4b:s31+s2], $0x2800, $0x38;
	[tilespmem:$0x1DE00] =	vst v63  }
0xd8: {  	_ =	swait.ge [sflag:s19], $0x50  }
0xd9: {  	[sflag:s19] =	ssyncset.done $0x0  }
0xda: {  	[sflag:s19] =	ssyncadd.s32 $0xFFFFFFB0  }
0xdb: {  	_ =	swait.ge [sflag:s23], $0x2800  }
0xdc: {  	[sflag:s23] =	ssyncset.done $0x0  }
0xdd: {  	[sflag:s23] =	ssyncadd.s32 $0xFFFFD800  }
0xde: {  	[spmem:s22] =	stream.indirect.scatter.add.f32 [tilespmem:s12], [sflag:$0xB], $0x80, s11, s10, $0xb8;
	[tilespmem:$0x1DE00] =	vst v63  }
0xdf: {  	_ =	swait.ge [sflag:s24], $0x2800  }
0xe0: {  	[sflag:s24] =	ssyncset.done $0x0  }
0xe1: {  	s31 =	sadd.s32 $0xFFFFFFF6, s30;
	[sflag:s24] =	ssyncadd.s32 $0xFFFFD800  }
0xe2: {  	[tilespmem:s2], [sflag:$0x1] =	stream.linear.gather [hbm4b:s31+s2], $0x50, $0x38;
	[tilespmem:$0x1DE00] =	vst v63  }
0xe3: {  	s31 =	sadd.s32 $0x2800, s26  }
0xe4: {  	[tilespmem:s18], [sflag:$0x5] =	stream.linear.gather [hbm4b:s31+s2], $0x2800, $0x38;
	[tilespmem:$0x1DE00] =	vst v63  }
0xe5: {  	_ =	swait.ge [sflag:s3], $0x50  }
0xe6: {  	[sflag:s3] =	ssyncset.done $0x0  }
0xe7: {  	[sflag:s3] =	ssyncadd.s32 $0xFFFFFFB0  }
0xe8: {  	_ =	swait.ge [sflag:s5], $0x2800  }
0xe9: {  	[sflag:s5] =	ssyncset.done $0x0  }
0xea: {  	[sflag:s5] =	ssyncadd.s32 $0xFFFFD800  }
0xeb: {  	[spmem:s22] =	stream.indirect.scatter.add.f32 [tilespmem:s17], [sflag:$0xC], $0x80, s16, s10, $0xb8;
	[tilespmem:$0x1DE00] =	vst v63  }
.Ltmp3:
0xec: {  	_ =	swait.ge [sflag:s7], $0x2800;
	(pc) =	sbr.rel @!p1 .LBB2_3-.Ltmp3, $4  }
0xed: {  	[sflag:s7] =	ssyncset.done $0x0  }
0xee: {  	[sflag:s7] =	ssyncadd.s32 $0xFFFFD800  }
0xef: {  	[tilespmem:s0], [sflag:$0x2] =	stream.linear.gather [hbm4b:s30+s2], $0x50, $0x38;
	[tilespmem:$0x1DE00] =	vst v63  }
0xf0: {  	s26 =	sadd.s32 $0x2D00, s26;
	s30 =	sadd.s32 $0x28, s30  }
.Ltmp4:
0xf1: {  	(pc) =	sbr.rel .LBB2_8-.Ltmp4, $3  }
0xf2: {  	_ =	sdelay $0x1  }
0xf3: {  	[tilespmem:s1], [sflag:$0x6] =	stream.linear.gather [hbm4b:s26+s2], $0x2800, $0x38;
	[tilespmem:$0x1DE00] =	vst v63  }
0xf4: {  	s26 =	rddreg [dreg:$0x15]  }
.LBB2_5:
0xf5: {  	[tilespmem:s18], [sflag:$0x5] =	stream.linear.gather [hbm4b:s4+s26], $0x2800, $0x38;
	[tilespmem:$0x1DE00] =	vst v63  }
0xf6: {  	s28 =	rddreg [dreg:$0x6]  }
0xf7: {  	[tilespmem:s0], [sflag:$0x2] =	stream.linear.gather [hbm4b:s28+s26], $0x50, $0x38;
	[tilespmem:$0x1DE00] =	vst v63  }
0xf8: {  	s28 =	rddreg [dreg:$0x7]  }
0xf9: {  	[tilespmem:s1], [sflag:$0x6] =	stream.linear.gather [hbm4b:s28+s26], $0x2800, $0x38;
	[tilespmem:$0x1DE00] =	vst v63  }
0xfa: {  	_ =	swait.ge [sflag:s6], $0x50  }
0xfb: {  	[sflag:s6] =	ssyncset.done $0x0  }
0xfc: {  	[sflag:s6] =	ssyncadd.s32 $0xFFFFFFB0  }
0xfd: {  	_ =	swait.ge [sflag:s8], $0x2800  }
0xfe: {  	[sflag:s8] =	ssyncset.done $0x0  }
0xff: {  	[sflag:s8] =	ssyncadd.s32 $0xFFFFD800  }
0x100: {  	[spmem:s22] =	stream.indirect.scatter.add.f32 [tilespmem:s18], [sflag:$0x9], $0x80, s26, s10, $0xb8;
	[tilespmem:$0x1DE00] =	vst v63  }
0x101: {  	s28 =	rddreg [dreg:$0x8]  }
0x102: {  	[tilespmem:s11], [sflag:$0x3] =	stream.linear.gather [hbm4b:s28+s26], $0x50, $0x38;
	[tilespmem:$0x1DE00] =	vst v63  }
0x103: {  	s28 =	rddreg [dreg:$0x9]  }
0x104: {  	[tilespmem:s12], [sflag:$0x7] =	stream.linear.gather [hbm4b:s28+s26], $0x2800, $0x38;
	[tilespmem:$0x1DE00] =	vst v63  }
0x105: {  	_ =	swait.ge [sflag:s14], $0x50  }
0x106: {  	[sflag:s14] =	ssyncset.done $0x0  }
0x107: {  	[sflag:s14] =	ssyncadd.s32 $0xFFFFFFB0  }
0x108: {  	_ =	swait.ge [sflag:s15], $0x2800  }
0x109: {  	[sflag:s15] =	ssyncset.done $0x0  }
0x10a: {  	[sflag:s15] =	ssyncadd.s32 $0xFFFFD800  }
0x10b: {  	[spmem:s22] =	stream.indirect.scatter.add.f32 [tilespmem:s1], [sflag:$0xA], $0x80, s0, s10, $0xb8;
	[tilespmem:$0x1DE00] =	vst v63  }
0x10c: {  	s28 =	rddreg [dreg:$0xa]  }
0x10d: {  	[tilespmem:s16], [sflag:$0x4] =	stream.linear.gather [hbm4b:s28+s26], $0x50, $0x38;
	[tilespmem:$0x1DE00] =	vst v63  }
0x10e: {  	s28 =	rddreg [dreg:$0xb]  }
0x10f: {  	[tilespmem:s17], [sflag:$0x8] =	stream.linear.gather [hbm4b:s28+s26], $0x2800, $0x38;
	[tilespmem:$0x1DE00] =	vst v63  }
0x110: {  	_ =	swait.ge [sflag:s19], $0x50  }
0x111: {  	[sflag:s19] =	ssyncset.done $0x0  }
0x112: {  	[sflag:s19] =	ssyncadd.s32 $0xFFFFFFB0  }
0x113: {  	_ =	swait.ge [sflag:s23], $0x2800  }
0x114: {  	[sflag:s23] =	ssyncset.done $0x0  }
0x115: {  	[sflag:s23] =	ssyncadd.s32 $0xFFFFD800  }
0x116: {  	[spmem:s22] =	stream.indirect.scatter.add.f32 [tilespmem:s12], [sflag:$0xB], $0x80, s11, s10, $0xb8;
	[tilespmem:$0x1DE00] =	vst v63  }
0x117: {  	_ =	swait.ge [sflag:s24], $0x2800  }
0x118: {  	[sflag:s24] =	ssyncset.done $0x0  }
0x119: {  	s28 =	rddreg [dreg:$0x13];
	[sflag:s24] =	ssyncadd.s32 $0xFFFFD800  }
0x11a: {  	[tilespmem:s26], [sflag:$0x1] =	stream.linear.gather [hbm4b:s28+s26], $0x50, $0x38;
	[tilespmem:$0x1DE00] =	vst v63  }
0x11b: {  	s28 =	rddreg [dreg:$0xc]  }
0x11c: {  	[tilespmem:s18], [sflag:$0x5] =	stream.linear.gather [hbm4b:s28+s26], $0x2800, $0x38;
	[tilespmem:$0x1DE00] =	vst v63  }
0x11d: {  	_ =	swait.ge [sflag:s3], $0x50  }
0x11e: {  	[sflag:s3] =	ssyncset.done $0x0  }
0x11f: {  	[sflag:s3] =	ssyncadd.s32 $0xFFFFFFB0  }
0x120: {  	_ =	swait.ge [sflag:s5], $0x2800  }
0x121: {  	[sflag:s5] =	ssyncset.done $0x0  }
0x122: {  	[sflag:s5] =	ssyncadd.s32 $0xFFFFD800  }
0x123: {  	[spmem:s22] =	stream.indirect.scatter.add.f32 [tilespmem:s17], [sflag:$0xC], $0x80, s16, s10, $0xb8;
	[tilespmem:$0x1DE00] =	vst v63  }
0x124: {  	_ =	swait.ge [sflag:s7], $0x2800  }
0x125: {  	[sflag:s7] =	ssyncset.done $0x0  }
0x126: {  	s28 =	rddreg [dreg:$0x14];
	[sflag:s7] =	ssyncadd.s32 $0xFFFFD800  }
0x127: {  	[tilespmem:s0], [sflag:$0x2] =	stream.linear.gather [hbm4b:s28+s26], $0x50, $0x38;
	[tilespmem:$0x1DE00] =	vst v63  }
0x128: {  	s28 =	rddreg [dreg:$0xd]  }
0x129: {  	[tilespmem:s1], [sflag:$0x6] =	stream.linear.gather [hbm4b:s28+s26], $0x2800, $0x38;
	[tilespmem:$0x1DE00] =	vst v63  }
0x12a: {  	_ =	swait.ge [sflag:s6], $0x50  }
0x12b: {  	[sflag:s6] =	ssyncset.done $0x0  }
0x12c: {  	[sflag:s6] =	ssyncadd.s32 $0xFFFFFFB0  }
0x12d: {  	_ =	swait.ge [sflag:s8], $0x2800  }
0x12e: {  	[sflag:s8] =	ssyncset.done $0x0  }
0x12f: {  	[sflag:s8] =	ssyncadd.s32 $0xFFFFD800  }
0x130: {  	[spmem:s22] =	stream.indirect.scatter.add.f32 [tilespmem:s18], [sflag:$0x9], $0x80, s2, s10, $0xb8;
	[tilespmem:$0x1DE00] =	vst v63  }
0x131: {  	_ =	swait.ge [sflag:s9], $0x2800  }
0x132: {  	[sflag:s9] =	ssyncset.done $0x0  }
0x133: {  	s31 =	sadd.s32 $0xFFFFFFE2, s29;
	s30 =	sadd.s32 $0x0, s4;
	[sflag:s9] =	ssyncadd.s32 $0xFFFFD800  }
0x134: {  	[tilespmem:s11], [sflag:$0x3] =	stream.linear.gather [hbm4b:s31+s2], $0x50, $0x38;
	[tilespmem:$0x1DE00] =	vst v63  }
0x135: {  	s31 =	sadd.s32 $0x1E00, s30  }
0x136: {  	[tilespmem:s12], [sflag:$0x7] =	stream.linear.gather [hbm4b:s31+s2], $0x2800, $0x38;
	[tilespmem:$0x1DE00] =	vst v63  }
0x137: {  	_ =	swait.ge [sflag:s14], $0x50  }
0x138: {  	[sflag:s14] =	ssyncset.done $0x0  }
0x139: {  	[sflag:s14] =	ssyncadd.s32 $0xFFFFFFB0  }
0x13a: {  	_ =	swait.ge [sflag:s15], $0x2800  }
0x13b: {  	[sflag:s15] =	ssyncset.done $0x0  }
0x13c: {  	[sflag:s15] =	ssyncadd.s32 $0xFFFFD800  }
0x13d: {  	[spmem:s22] =	stream.indirect.scatter.add.f32 [tilespmem:s1], [sflag:$0xA], $0x80, s0, s10, $0xb8;
	[tilespmem:$0x1DE00] =	vst v63  }
0x13e: {  	_ =	swait.ge [sflag:s20], $0x2800  }
0x13f: {  	[sflag:s20] =	ssyncset.done $0x0  }
0x140: {  	s31 =	sadd.s32 $0xFFFFFFEC, s29;
	[sflag:s20] =	ssyncadd.s32 $0xFFFFD800  }
0x141: {  	[tilespmem:s16], [sflag:$0x4] =	stream.linear.gather [hbm4b:s31+s2], $0x50, $0x38;
	[tilespmem:$0x1DE00] =	vst v63  }
0x142: {  	s31 =	sadd.s32 $0x2300, s30  }
0x143: {  	[tilespmem:s17], [sflag:$0x8] =	stream.linear.gather [hbm4b:s31+s2], $0x2800, $0x38;
	[tilespmem:$0x1DE00] =	vst v63  }
0x144: {  	_ =	swait.ge [sflag:s19], $0x50  }
0x145: {  	[sflag:s19] =	ssyncset.done $0x0  }
0x146: {  	[sflag:s19] =	ssyncadd.s32 $0xFFFFFFB0  }
0x147: {  	_ =	swait.ge [sflag:s23], $0x2800  }
0x148: {  	[sflag:s23] =	ssyncset.done $0x0  }
0x149: {  	[sflag:s23] =	ssyncadd.s32 $0xFFFFD800  }
0x14a: {  	[spmem:s22] =	stream.indirect.scatter.add.f32 [tilespmem:s12], [sflag:$0xB], $0x80, s11, s10, $0xb8;
	[tilespmem:$0x1DE00] =	vst v63  }
0x14b: {  	_ =	swait.ge [sflag:s24], $0x2800  }
0x14c: {  	[sflag:s24] =	ssyncset.done $0x0  }
0x14d: {  	s31 =	sadd.s32 $0xFFFFFFF6, s29;
	[sflag:s24] =	ssyncadd.s32 $0xFFFFD800  }
0x14e: {  	[tilespmem:s2], [sflag:$0x1] =	stream.linear.gather [hbm4b:s31+s2], $0x50, $0x38;
	[tilespmem:$0x1DE00] =	vst v63  }
0x14f: {  	s31 =	sadd.s32 $0x2800, s30  }
0x150: {  	[tilespmem:s18], [sflag:$0x5] =	stream.linear.gather [hbm4b:s31+s2], $0x2800, $0x38;
	[tilespmem:$0x1DE00] =	vst v63  }
0x151: {  	_ =	swait.ge [sflag:s3], $0x50  }
0x152: {  	[sflag:s3] =	ssyncset.done $0x0  }
0x153: {  	[sflag:s3] =	ssyncadd.s32 $0xFFFFFFB0  }
0x154: {  	_ =	swait.ge [sflag:s5], $0x2800  }
0x155: {  	[sflag:s5] =	ssyncset.done $0x0  }
0x156: {  	[sflag:s5] =	ssyncadd.s32 $0xFFFFD800  }
0x157: {  	[spmem:s22] =	stream.indirect.scatter.add.f32 [tilespmem:s17], [sflag:$0xC], $0x80, s16, s10, $0xb8;
	[tilespmem:$0x1DE00] =	vst v63  }
0x158: {  	_ =	swait.ge [sflag:s7], $0x2800  }
0x159: {  	s28 =	simm.s32 $0x1400;
	[sflag:s7] =	ssyncset.done $0x0  }
0x15a: {  	s26 =	sadd.s32 $0x2D00, s30;
	s30 =	sadd.s32 $0x28, s29;
	[sflag:s7] =	ssyncadd.s32 $0xFFFFD800  }
0x15b: {  	[tilespmem:s0], [sflag:$0x2] =	stream.linear.gather [hbm4b:s29+s2], $0x50, $0x38;
	[tilespmem:$0x1DE00] =	vst v63  }
.LBB2_6:
0x15c: {  	[tilespmem:s1], [sflag:$0x6] =	stream.linear.gather [hbm4b:s26+s2], $0x2800, $0x38;
	[tilespmem:$0x1DE00] =	vst v63  }
0x15d: {  	s26 =	smov.u32 s28  }
0x15e: {  	p1 =	sne.s32 s28, $0x4B000;
	s28 =	sadd.s32 $0x1400, s28;
	_ =	swait.ge [sflag:s6], $0x50  }
0x15f: {  	[sflag:s6] =	ssyncset.done $0x0  }
0x160: {  	[sflag:s6] =	ssyncadd.s32 $0xFFFFFFB0  }
0x161: {  	_ =	swait.ge [sflag:s8], $0x2800  }
0x162: {  	[sflag:s8] =	ssyncset.done $0x0  }
0x163: {  	[sflag:s8] =	ssyncadd.s32 $0xFFFFD800  }
0x164: {  	[spmem:s22] =	stream.indirect.scatter.add.f32 [tilespmem:s18], [sflag:$0x9], $0x80, s2, s10, $0xb8;
	[tilespmem:$0x1DE00] =	vst v63  }
0x165: {  	_ =	swait.ge [sflag:s9], $0x2800  }
0x166: {  	[sflag:s9] =	ssyncset.done $0x0  }
0x167: {  	s31 =	sadd.s32 $0xFFFFFFE2, s30;
	s26 =	sadd.s32 s26, s4;
	[sflag:s9] =	ssyncadd.s32 $0xFFFFD800  }
0x168: {  	[tilespmem:s11], [sflag:$0x3] =	stream.linear.gather [hbm4b:s31+s2], $0x50, $0x38;
	[tilespmem:$0x1DE00] =	vst v63  }
0x169: {  	s31 =	sadd.s32 $0x1E00, s26  }
0x16a: {  	[tilespmem:s12], [sflag:$0x7] =	stream.linear.gather [hbm4b:s31+s2], $0x2800, $0x38;
	[tilespmem:$0x1DE00] =	vst v63  }
0x16b: {  	_ =	swait.ge [sflag:s14], $0x50  }
0x16c: {  	[sflag:s14] =	ssyncset.done $0x0  }
0x16d: {  	[sflag:s14] =	ssyncadd.s32 $0xFFFFFFB0  }
0x16e: {  	_ =	swait.ge [sflag:s15], $0x2800  }
0x16f: {  	[sflag:s15] =	ssyncset.done $0x0  }
0x170: {  	[sflag:s15] =	ssyncadd.s32 $0xFFFFD800  }
0x171: {  	[spmem:s22] =	stream.indirect.scatter.add.f32 [tilespmem:s1], [sflag:$0xA], $0x80, s0, s10, $0xb8;
	[tilespmem:$0x1DE00] =	vst v63  }
0x172: {  	_ =	swait.ge [sflag:s20], $0x2800  }
0x173: {  	[sflag:s20] =	ssyncset.done $0x0  }
0x174: {  	s31 =	sadd.s32 $0xFFFFFFEC, s30;
	[sflag:s20] =	ssyncadd.s32 $0xFFFFD800  }
0x175: {  	[tilespmem:s16], [sflag:$0x4] =	stream.linear.gather [hbm4b:s31+s2], $0x50, $0x38;
	[tilespmem:$0x1DE00] =	vst v63  }
0x176: {  	s31 =	sadd.s32 $0x2300, s26  }
0x177: {  	[tilespmem:s17], [sflag:$0x8] =	stream.linear.gather [hbm4b:s31+s2], $0x2800, $0x38;
	[tilespmem:$0x1DE00] =	vst v63  }
0x178: {  	_ =	swait.ge [sflag:s19], $0x50  }
0x179: {  	[sflag:s19] =	ssyncset.done $0x0  }
0x17a: {  	[sflag:s19] =	ssyncadd.s32 $0xFFFFFFB0  }
0x17b: {  	_ =	swait.ge [sflag:s23], $0x2800  }
0x17c: {  	[sflag:s23] =	ssyncset.done $0x0  }
0x17d: {  	[sflag:s23] =	ssyncadd.s32 $0xFFFFD800  }
0x17e: {  	[spmem:s22] =	stream.indirect.scatter.add.f32 [tilespmem:s12], [sflag:$0xB], $0x80, s11, s10, $0xb8;
	[tilespmem:$0x1DE00] =	vst v63  }
0x17f: {  	_ =	swait.ge [sflag:s24], $0x2800  }
0x180: {  	[sflag:s24] =	ssyncset.done $0x0  }
0x181: {  	s31 =	sadd.s32 $0xFFFFFFF6, s30;
	[sflag:s24] =	ssyncadd.s32 $0xFFFFD800  }
0x182: {  	[tilespmem:s2], [sflag:$0x1] =	stream.linear.gather [hbm4b:s31+s2], $0x50, $0x38;
	[tilespmem:$0x1DE00] =	vst v63  }
0x183: {  	s31 =	sadd.s32 $0x2800, s26  }
0x184: {  	[tilespmem:s18], [sflag:$0x5] =	stream.linear.gather [hbm4b:s31+s2], $0x2800, $0x38;
	[tilespmem:$0x1DE00] =	vst v63  }
0x185: {  	_ =	swait.ge [sflag:s3], $0x50  }
0x186: {  	[sflag:s3] =	ssyncset.done $0x0  }
0x187: {  	[sflag:s3] =	ssyncadd.s32 $0xFFFFFFB0  }
0x188: {  	_ =	swait.ge [sflag:s5], $0x2800  }
0x189: {  	[sflag:s5] =	ssyncset.done $0x0  }
0x18a: {  	[sflag:s5] =	ssyncadd.s32 $0xFFFFD800  }
0x18b: {  	[spmem:s22] =	stream.indirect.scatter.add.f32 [tilespmem:s17], [sflag:$0xC], $0x80, s16, s10, $0xb8;
	[tilespmem:$0x1DE00] =	vst v63  }
.Ltmp5:
0x18c: {  	_ =	swait.ge [sflag:s7], $0x2800;
	(pc) =	sbr.rel @p1 .LBB2_6-.Ltmp5, $4  }
0x18d: {  	[sflag:s7] =	ssyncset.done $0x0  }
0x18e: {  	[sflag:s7] =	ssyncadd.s32 $0xFFFFD800  }
0x18f: {  	[tilespmem:s0], [sflag:$0x2] =	stream.linear.gather [hbm4b:s30+s2], $0x50, $0x38;
	[tilespmem:$0x1DE00] =	vst v63  }
0x190: {  	s26 =	sadd.s32 $0x2D00, s26;
	s30 =	sadd.s32 $0x28, s30  }
.Ltmp6:
0x191: {  	_ = 	snop;
	(pc) =	sbr.rel .LBB2_7-.Ltmp6, $1  }
0x192: {  	_ =	sdelay $0x3  }
.LBB2_9:
0x193: {  	_ =	sfence.sel $0x180000  }
0x194: {  	[bflag:$0x0] =	sbarrier.arrive $0xFFFF  }
0x195: {  	_ =	strace $0x9000004D  }
0x196: {  	s0 =	stileid.u32;
	[bflag:$0x2] =	sbarrier.arrive $0xFFFF  }
0x197: {  	p0 =	sne.s32 s0, $0x0;
	s0 =	rddreg [dreg:$0x4]  }
0x198: {  	s0 =	sadd.s32 @!p0 $0x100000, s0  }
0x199: {  	[sflag:s0] =	ssyncadd.tile.s32 @!p0 $0x1;
	_ =	shalt  }
.Lfunc_end2:
_tile_overlayer_lowered:
.L_overlay_start_2:
0x19a: {  	(tag) =	ssettag $0x2  }
0x19b: {  	s0 =	rddreg [dreg:$0x0];
	s2 =	stileid.u32  }
0x19c: {  	s1 =	rddreg [dreg:$0x1];
	p0 =	sne.s32 s2, $0x0  }
0x19d: {  	s3 =	rddreg [dreg:$0x2];
	[bflag:$0x3] =	sbarrier.arrive $0xFFFF;
	s2 =	simm.s32 @!p0 $0x1C0D  }
0x19e: {  	[timem:s3], [sflag:s2] =	dma.local @!p0 [hbm:s0], s1  }
0x19f: {  	s0 =	simm.s32 @!p0 $0xD  }
0x1a0: {  	_ =	swait.ge @!p0 [sflag:s0], s1  }
0x1a1: {  	s1 =	ssub.s32 @!p0 $0x0, s1;
	[sflag:s0] =	ssyncset.done @!p0 $0x0  }
0x1a2: {  	[sflag:s0] =	ssyncadd.s32 @!p0 s1  }
0x1a3: {  	[bflag:$0x3] =	sbarrier.arrive $0xFFFF  }
0x1a4: {  	_ =	shalt  }

// kernel: kernel.7.cloned.1.call-start
scs
__scs_entry_jumppad:
0x0: {  	(pc) =	sbr.rel $0x88, $3  }
0x1: {  	(tag) =	ssettag $0x0;
	lr =	simm.s32 $0x1  }
0x2: {  	[smem:$0x3F90] =	sst lr;
	_ =	strace $0xD0000000  }
0x3: {  	_ = 	snop  }
0x4: {  	_ = 	snop  }
0x5: {  	_ = 	snop  }
0x6: {  	_ = 	snop  }
0x7: {  	_ = 	snop  }
__scs_overlays_trampoline_lowered:
0x8: {  	[smem:$0x3F9F] =	sst s0  }
0x9: {  	[smem:$0x3FA0] =	sst s1  }
0xa: {  	[smem:$0x3FA1] =	sst s2  }
0xb: {  	[smem:$0x3FA2] =	sst s3  }
0xc: {  	[smem:$0x3FA3] =	sst s4  }
0xd: {  	[smem:$0x3FA4] =	sst s5  }
0xe: {  	[smem:$0x3FA5] =	sst s6  }
0xf: {  	[smem:$0x3FA6] =	sst s7  }
0x10: {  	[smem:$0x3FA7] =	sst s8  }
0x11: {  	[smem:$0x3FA8] =	sst s9;
	s0 =	simm.s32 @!p0 $0x0  }
0x12: {  	s1 =	sld [smem:$0x3F8E];
	s0 =	simm.s32 @p0 $0x1  }
0x13: {  	[smem:$0x3FA9] =	sst s0;
	s0 =	simm.s32 @!p1 $0x0  }
0x14: {  	s2 =	sld [smem:$0x3F8D];
	s0 =	simm.s32 @p1 $0x1  }
0x15: {  	[smem:$0x3FAA] =	sst s0;
	s0 =	simm.s32 @!p2 $0x0  }
0x16: {  	s3 =	sld [smem:$0x3FDB];
	s0 =	simm.s32 @p2 $0x1  }
0x17: {  	s4 =	simm.s32 $0x1BF5;
	[smem:$0x3FAC] =	sst s0  }
0x18: {  	s0 =	sld [smem:$0x3F8F];
	_ =	swait.ge [sflag:s4], $0x0  }
0x19: {  	s7 =	sld [smem:$0x3F90]  }
0x1a: {  	s8 =	sadd.s32 $0xFFFFE003, lr  }
0x1b: {  	s9 =	sadd.s32 $0xFFFFFEF7, lr;
	s5 =	simm.s32 $0xFFFFFFFF;
	p2 =	slt.u32 s8, $0xFFFFF086  }
0x1c: {  	p1 =	slt.u32 s9, $0xF7A;
	s5 =	simm.s32 @!p2 $0x0  }
0x1d: {  	s5 =	simm.s32 @p1 $0x1;
	p0 =	seq.s32 s7, s2  }
0x1e: {  	s7 =	smul.u32 @!p0 $0xF7A, s2;
	p2 =	seq.s32 @!p0 s5, $0x0  }
0x1f: {  	s9 =	smul.u32 $0xF7A, s1;
	s8 =	simm.s32 @!p0 $0x1BF5;
	p2 =	por !p2, p0  }
0x20: {  	[sflag:s8] =	ssyncset.s32 @!p0 $0xFFFFF086;
	s6 =	sadd.s32 @!p0 s3, s7;
	s7 =	simm.s32 @!p0 $0x108  }
0x21: {  	s3 =	sadd.s32 s3, s9;
	s6 =	sadd.s32 @!p0 $0x88, s6;
	s7 =	simm.s32 @p2 $0x1082  }
0x22: {  	[simem:s7], [sflag:s8] =	dma.local @!p0 [hbm:s6], $0xF7A  }
0x23: {  	s9 =	sor.u32 $0xD0000000, s2;
	s6 =	simm.s32 $0x108;
	_ =	swait.ge @!p0 [sflag:s8], $0x0  }
0x24: {  	s3 =	sadd.s32 $0x88, s3;
	s6 =	simm.s32 @!p1 $0x1082;
	[sflag:s4] =	ssyncset.s32 $0xFFFFF086  }
0x25: {  	[simem:s6], [sflag:s4] =	dma.local [hbm:s3], $0xF7A  }
0x26: {  	[smem:$0x3F90] =	sst s1;
	(tag) =	ssettag s2;
	_ =	strace s9  }
0x27: {  	s1 =	sld [smem:$0x3FA0]  }
0x28: {  	s2 =	sld [smem:$0x3FA1]  }
0x29: {  	s4 =	sld [smem:$0x3FA3]  }
0x2a: {  	p0 =	seq.s32 s5, $0x0;
	s5 =	sld [smem:$0x3FA4]  }
0x2b: {  	s6 =	sld [smem:$0x3FA5]  }
0x2c: {  	s7 =	sld [smem:$0x3FA6]  }
0x2d: {  	s3 =	simm.s32 $0x108;
	s8 =	sld [smem:$0x3FA7]  }
0x2e: {  	s3 =	simm.s32 @!p0 $0x1082;
	s9 =	sld [smem:$0x3FA8]  }
0x2f: {  	lr =	sadd.s32 s0, s3;
	s0 =	sld [smem:$0x3F9F]  }
0x30: {  	s3 =	sld [smem:$0x3FA2]  }
0x31: {  	[smem:$0x3FAB] =	sst s10  }
0x32: {  	s10 =	sld [smem:$0x3FA9];
	_ =	sdelay $0x3  }
0x33: {  	p0 =	seq.s32 s10, $0x1;
	s10 =	sld [smem:$0x3FAB];
	_ =	sdelay $0x3  }
0x34: {  	[smem:$0x3FAB] =	sst s10  }
0x35: {  	s10 =	sld [smem:$0x3FAA];
	_ =	sdelay $0x3  }
0x36: {  	p1 =	seq.s32 s10, $0x1;
	s10 =	sld [smem:$0x3FAB];
	_ =	sdelay $0x3  }
0x37: {  	[smem:$0x3FAB] =	sst s10  }
0x38: {  	s10 =	sld [smem:$0x3FAC]  }
0x39: {  	_ = 	snop;
	(pc) =	sbr.ind lr, $3  }
0x3a: {  	_ = 	snop  }
0x3b: {  	_ = 	snop  }
0x3c: {  	p2 =	seq.s32 s10, $0x1;
	s10 =	sld [smem:$0x3FAB]  }
0x3d: {  	_ =	shalt  }
0x3e: {  	_ =	shalt  }
0x3f: {  	_ =	shalt  }
0x40: {  	_ =	shalt  }
0x41: {  	_ =	shalt  }
0x42: {  	_ =	shalt  }
0x43: {  	_ =	shalt  }
0x44: {  	_ =	shalt  }
0x45: {  	_ =	shalt  }
0x46: {  	_ =	shalt  }
0x47: {  	_ =	shalt  }
0x48: {  	_ =	shalt  }
0x49: {  	_ =	shalt  }
0x4a: {  	_ =	shalt  }
0x4b: {  	_ =	shalt  }
0x4c: {  	_ =	shalt  }
0x4d: {  	_ =	shalt  }
0x4e: {  	_ =	shalt  }
0x4f: {  	_ =	shalt  }
0x50: {  	_ =	shalt  }
0x51: {  	_ =	shalt  }
0x52: {  	_ =	shalt  }
0x53: {  	_ =	shalt  }
0x54: {  	_ =	shalt  }
0x55: {  	_ =	shalt  }
0x56: {  	_ =	shalt  }
0x57: {  	_ =	shalt  }
0x58: {  	_ =	shalt  }
0x59: {  	_ =	shalt  }
0x5a: {  	_ =	shalt  }
0x5b: {  	_ =	shalt  }
0x5c: {  	_ =	shalt  }
0x5d: {  	_ =	shalt  }
0x5e: {  	_ =	shalt  }
0x5f: {  	_ =	shalt  }
0x60: {  	_ =	shalt  }
0x61: {  	_ =	shalt  }
0x62: {  	_ =	shalt  }
0x63: {  	_ =	shalt  }
0x64: {  	_ =	shalt  }
0x65: {  	_ =	shalt  }
0x66: {  	_ =	shalt  }
0x67: {  	_ =	shalt  }
0x68: {  	_ =	shalt  }
0x69: {  	_ =	shalt  }
0x6a: {  	_ =	shalt  }
0x6b: {  	_ =	shalt  }
0x6c: {  	_ =	shalt  }
0x6d: {  	_ =	shalt  }
0x6e: {  	_ =	shalt  }
0x6f: {  	_ =	shalt  }
0x70: {  	_ =	shalt  }
0x71: {  	_ =	shalt  }
0x72: {  	_ =	shalt  }
0x73: {  	_ =	shalt  }
0x74: {  	_ =	shalt  }
0x75: {  	_ =	shalt  }
0x76: {  	_ =	shalt  }
0x77: {  	_ =	shalt  }
0x78: {  	_ =	shalt  }
0x79: {  	_ =	shalt  }
0x7a: {  	_ =	shalt  }
0x7b: {  	_ =	shalt  }
0x7c: {  	_ =	shalt  }
0x7d: {  	_ =	shalt  }
0x7e: {  	_ =	shalt  }
0x7f: {  	_ =	shalt  }
0x80: {  	_ =	shalt  }
0x81: {  	_ =	shalt  }
0x82: {  	_ =	shalt  }
0x83: {  	_ =	shalt  }
0x84: {  	_ =	shalt  }
0x85: {  	_ =	shalt  }
0x86: {  	_ =	shalt  }
0x87: {  	_ =	shalt  }
.Lfunc_end0:
.L_simem_size_0:
called_computation_lowered:
.L_overlay_start_0:
0x88: {  	s2 =	sld [smem:$0x3FD9]  }
0x89: {  	s3 =	sld [smem:$0x3FFE];
	_ =	sdelay $0x1  }
0x8a: {  	s1 =	srdreg.scid  }
0x8b: {  	s0 =	sand.u32 $0x1, s1  }
0x8c: {  	s17 =	sshll.u32 s0, $0xA;
	s2 =	sadd.s32 s3, s2  }
0x8d: {  	s2 =	sadd.s32 s2, s17  }
0x8e: {  	[smem:$0x3FB7] =	sst s2  }
0x8f: {  	_ = 	snop  }
0x90: {  	s2 =	sld [smem:$0x3FC9]  }
0x91: {  	s18 =	sld [smem:$0x3FD0];
	(tm) =	ssettm $0x1  }
0x92: {  	s4 =	sld [smem:$0x3FFB];
	_ =	sdelay $0x3  }
0x93: {  	_ =	strace s4  }
0x94: {  	s4 =	sld [smem:$0x3FFC];
	_ =	sdelay $0x3  }
0x95: {  	_ =	strace s4  }
0x96: {  	s4 =	sld [smem:$0x3FFD];
	_ =	sdelay $0x3  }
0x97: {  	_ =	strace s4  }
0x98: {  	_ =	strace $0x8FFFFFFF  }
0x99: {  	s19 =	sld [smem:$0x3FDB];
	_ =	sdelay $0x1  }
0x9a: {  	s5 =	simm.s32 $_scs_section_size  }
0x9b: {  	s6 =	simm.s32 $_size__tile_overlayer_lowered;
	s7 =	simm.s32 $_tile_overlayer_lowered  }
0x9c: {  	s22 =	simm.s32 $0x1BFF;
	s21 =	sshll.u32 s7, $0x1;
	s4 =	sadd.s32 s5, s19  }
0x9d: {  	s8 =	simm.s32 $0x0;
	s20 =	sshll.u32 s6, $0x1;
	s6 =	sadd.s32 s21, s4  }
0x9e: {  	[timem:s8], [sflag:s22] =	dma.local [hbm:s6], s20  }
0x9f: {  	_ =	swait.ge [sflag:s22], s20  }
0xa0: {  	s5 =	ssub.s32 $0x0, s20;
	[sflag:s22] =	ssyncset.done $0x0  }
0xa1: {  	[sflag:s22] =	ssyncadd.s32 s5;
	_ =	sdelay $0x1  }
0xa2: {  	s23 =	simm.s32 $0x1B8B  }
0xa3: {  	_ =	swait.ge [sflag:s23], $0x1  }
0xa4: {  	[sflag:s23] =	ssyncset.done $0x0  }
0xa5: {  	s25 =	simm.s32 $0x1B8E;
	s24 =	sld [smem:$0x3FFE];
	[sflag:s23] =	ssyncadd.s32 $0xFFFFFFFF  }
0xa6: {  	s26 =	simm.s32 $execute0_lowered;
	[smem:$0x3FD2] =	sst s25  }
0xa7: {  	s6 =	sshll.u32 s26, $0x1;
	_ =	strace $0x80000046;
	[dreg:$0x1] =	wrdreg $0xFFFFFFFF  }
0xa8: {  	s28 =	simm.s32 $_size_execute0_lowered;
	s4 =	sadd.s32 s4, s6;
	[dreg:$0x0] =	wrdreg $0x0  }
0xa9: {  	s6 =	sshll.u32 s28, $0x1;
	[dreg:$0x2] =	wrdreg s4  }
0xaa: {  	[dreg:$0x3] =	wrdreg s6  }
0xab: {  	[dreg:$0x4] =	wrdreg $0xC0  }
0xac: {  	_ =	task [dreg:s8], $0x5FFFF  }
0xad: {  	[dreg:$0x1] =	wrdreg $0xFFFFFFFF  }
0xae: {  	[dreg:$0x0] =	wrdreg $0x60  }
0xaf: {  	[dreg:$0x2] =	wrdreg s2  }
0xb0: {  	[dreg:$0x3] =	wrdreg s18  }
0xb1: {  	[dreg:$0x4] =	wrdreg s24  }
0xb2: {  	[dreg:$0x5] =	wrdreg $0x9  }
0xb3: {  	_ =	task.clear_ibuf [dreg:s8], $0x6FFFF;
	_ =	strace $0x90000046  }
0xb4: {  	s29 =	simm.s32 $0x9;
	_ =	strace $0x80000048  }
0xb5: {  	_ =	swait.ge [sflag:s29], $0x1  }
0xb6: {  	[sflag:s29] =	ssyncadd.s32 $0xFFFFFFFF  }
0xb7: {  	_ =	strace $0x90000048  }
0xb8: {  	_ =	sfence  }
0xb9: {  	s30 =	sld [smem:$0x0];
	_ =	sdelay $0x2  }
0xba: {  	s31 =	sshll.u32 s1, $0xD;
	s1 =	sshrl.u32 s1, $0x2  }
0xbb: {  	s3 =	sand.u32 $0x4000, s31;
	s1 =	sadd.s32 s1, s30  }
0xbc: {  	s0 =	sor.u32 s3, s0;
	s1 =	sshll.u32 s1, $0x11  }
0xbd: {  	s0 =	sor.u32 s1, s0  }
0xbe: {  	s0 =	sadd.s32 $0x8F2B, s0  }
0xbf: {  	[sflag:s0] =	ssyncadd.remote.s32 $0x1  }
0xc0: {  	_ =	sfence.sel $0xFFFF  }
0xc1: {  	[dreg:$0x0] =	wrdreg $0xFFFFFFFF;
	(pc) =	sbr.abs _section_cstart, $3  }
0xc2: {  	[dreg:$0x1] =	wrdreg $0xFFFFFFFF  }
0xc3: {  	_ =	task.clear_ibuf [dreg:s8], $0x2FFFF;
	_ =	strace $0x9FFFFFFF  }
0xc4: {  	(tm) =	ssettm $0x7FFFFFFF  }
0xc5: {  	_ =	shalt  }
tec
execute0_lowered:
.L_overlay_start_1:
0x0: {  	(tag) =	ssettag $0x1  }
0x1: {  	s1 =	rddreg [dreg:$0x0]  }
0x2: {  	s4 =	rddreg [dreg:$0x1]  }
0x3: {  	s5 =	rddreg [dreg:$0x2]  }
0x4: {  	s0 =	rddreg [dreg:$0x3]  }
0x5: {  	s6 =	srdreg.scid;
	s2 =	stileid.u32;
	s3 =	simm.s32 $0x0  }
0x6: {  	s12 =	simm.s32 $0x6480;
	s13 =	simm.s32 $0x1;
	s14 =	simm.s32 $0x3  }
0x7: {  	s15 =	simm.s32 $0x2;
	s16 =	simm.s32 $0x4;
	s17 =	simm.s32 $0x0  }
0x8: {  	s6 =	sand.u32 $0x1, s6;
	s7 =	sshll.u32 s2, $0x1;
	s11 =	smul.u32 $0x50A00, s2  }
0x9: {  	[smem:$0x7FF] =	sst s3;
	s7 =	sor.u32 s6, s7;
	s31 =	smul.u32 $0x28500, s6  }
0xa: {  	s9 =	sadd.s32 $0x3C00, s5;
	s30 =	ssub.s32 $0x2, s6;
	s8 =	smul.u32 $0x2850, s7  }
0xb: {  	_ =	strace $0x80000047;
	s7 =	smul.u32 $0x28500, s7;
	s10 =	sshrl.u32 s30, $0x1  }
0xc: {  	s5 =	ssub.s32 s30, s10;
	s10 =	simm.s32 $0x78;
	s8 =	sshrl.u32 s8, $0x3  }
0xd: {  	s5 =	smax.u32 s5, $0x1;
	s7 =	sadd.s32 s9, s7;
	s9 =	sadd.s32 s11, s9  }
0xe: {  	s11 =	simm.s32 $0x2880;
	s4 =	sadd.s32 s4, s8;
	s6 =	sadd.s32 $0x27600, s7  }
0xf: {  	s7 =	sadd.s32 $0x27D80, s7;
	s8 =	sadd.s32 s31, s9;
	s9 =	simm.s32 $0x5  }
.LBB2_1:
0x10: {  	[tilespmem:s3], [sflag:$0x5] =	stream.linear.gather [hbm4b:s4+s3], $0x2850, $0x38;
	[tilespmem:$0xA080] =	vst v63  }
0x11: {  	_ =	swait.ge [sflag:s9], $0x2850  }
0x12: {  	[sflag:s9] =	ssyncset.done $0x0  }
0x13: {  	[sflag:s9] =	ssyncadd.s32 $0xFFFFD7B0  }
0x14: {  	[tilespmem:s11], [sflag:$0x1] =	stream.indirect.gather [hbm4b:s1+s10], $0x80, s3, s10, $0xb8;
	[tilespmem:$0xA080] =	vst v63  }
0x15: {  	_ = 	snop  }
0x16: {  	[tilespmem:s12], [sflag:$0x2] =	stream.indirect.gather [hbm4b:s1+s10], $0x80, s10, s10, $0xb8;
	[tilespmem:$0xA080] =	vst v63  }
0x17: {  	_ =	swait.ge [sflag:s13], $0x3C00  }
0x18: {  	[sflag:s13] =	ssyncset.done $0x0  }
0x19: {  	s18 =	sadd.s32 $0x0, s8;
	[sflag:s13] =	ssyncadd.s32 $0xFFFFC400  }
0x1a: {  	[hbm4b:s18+s3] =	stream.linear.scatter [tilespmem:s11], [sflag:$0x3], $0x3C00, $0x38;
	[tilespmem:$0xA080] =	vst v63  }
0x1b: {  	_ =	swait.ge [sflag:s14], $0x3C00  }
0x1c: {  	[sflag:s14] =	ssyncset.done $0x0  }
0x1d: {  	s19 =	simm.s32 $0xF0;
	[sflag:s14] =	ssyncadd.s32 $0xFFFFC400  }
0x1e: {  	[tilespmem:s11], [sflag:$0x1] =	stream.indirect.gather [hbm4b:s1+s10], $0x80, s19, s10, $0xb8;
	[tilespmem:$0xA080] =	vst v63  }
0x1f: {  	_ =	swait.ge [sflag:s15], $0x3C00  }
0x20: {  	[sflag:s15] =	ssyncset.done $0x0  }
0x21: {  	s18 =	sadd.s32 $0x780, s18;
	[sflag:s15] =	ssyncadd.s32 $0xFFFFC400  }
0x22: {  	[hbm4b:s18+s3] =	stream.linear.scatter [tilespmem:s12], [sflag:$0x4], $0x3C00, $0x38;
	[tilespmem:$0xA080] =	vst v63  }
0x23: {  	_ =	swait.ge [sflag:s16], $0x3C00  }
0x24: {  	s20 =	simm.s32 $0x258;
	[sflag:s16] =	ssyncset.done $0x0  }
0x25: {  	s19 =	simm.s32 $0xF00;
	s18 =	simm.s32 $0x168;
	[sflag:s16] =	ssyncadd.s32 $0xFFFFC400  }
.LBB2_2:
0x26: {  	[tilespmem:s12], [sflag:$0x2] =	stream.indirect.gather [hbm4b:s1+s10], $0x80, s18, s10, $0xb8;
	[tilespmem:$0xA080] =	vst v63  }
0x27: {  	s21 =	smov.u32 s19;
	s18 =	smov.u32 s20  }
0x28: {  	p0 =	sne.s32 s19, $0x26700;
	s19 =	sadd.s32 $0xF00, s19;
	_ =	swait.ge [sflag:s13], $0x3C00  }
0x29: {  	[sflag:s13] =	ssyncset.done $0x0  }
0x2a: {  	s21 =	sadd.s32 s21, s8;
	[sflag:s13] =	ssyncadd.s32 $0xFFFFC400  }
0x2b: {  	[hbm4b:s21+s3] =	stream.linear.scatter [tilespmem:s11], [sflag:$0x3], $0x3C00, $0x38;
	[tilespmem:$0xA080] =	vst v63  }
0x2c: {  	_ =	swait.ge [sflag:s14], $0x3C00  }
0x2d: {  	[sflag:s14] =	ssyncset.done $0x0  }
0x2e: {  	s22 =	sadd.s32 $0xFFFFFF88, s20;
	[sflag:s14] =	ssyncadd.s32 $0xFFFFC400  }
0x2f: {  	[tilespmem:s11], [sflag:$0x1] =	stream.indirect.gather [hbm4b:s1+s10], $0x80, s22, s10, $0xb8;
	[tilespmem:$0xA080] =	vst v63  }
0x30: {  	_ =	swait.ge [sflag:s15], $0x3C00  }
0x31: {  	[sflag:s15] =	ssyncset.done $0x0  }
.Ltmp0:
0x32: {  	s21 =	sadd.s32 $0x780, s21;
	[sflag:s15] =	ssyncadd.s32 $0xFFFFC400;
	(pc) =	sbr.rel @p0 .LBB2_2-.Ltmp0, $4  }
0x33: {  	[hbm4b:s21+s3] =	stream.linear.scatter [tilespmem:s12], [sflag:$0x4], $0x3C00, $0x38;
	[tilespmem:$0xA080] =	vst v63  }
0x34: {  	_ =	swait.ge [sflag:s16], $0x3C00  }
0x35: {  	[sflag:s16] =	ssyncset.done $0x0  }
0x36: {  	s20 =	sadd.s32 $0xF0, s20;
	[sflag:s16] =	ssyncadd.s32 $0xFFFFC400  }
0x37: {  	[tilespmem:s12], [sflag:$0x2] =	stream.indirect.gather [hbm4b:s1+s10], $0x80, s18, s10, $0xb8;
	[tilespmem:$0xA080] =	vst v63  }
0x38: {  	_ =	swait.ge [sflag:s13], $0x3C00  }
0x39: {  	[sflag:s13] =	ssyncset.done $0x0  }
0x3a: {  	[sflag:s13] =	ssyncadd.s32 $0xFFFFC400  }
0x3b: {  	[hbm4b:s6+s3] =	stream.linear.scatter [tilespmem:s11], [sflag:$0x3], $0x3C00, $0x38;
	[tilespmem:$0xA080] =	vst v63  }
0x3c: {  	_ =	swait.ge [sflag:s14], $0x3C00  }
0x3d: {  	[sflag:s14] =	ssyncset.done $0x0  }
0x3e: {  	[sflag:s14] =	ssyncadd.s32 $0xFFFFC400  }
0x3f: {  	s17 =	sadd.s32 $0x1, s17;
	_ =	swait.ge [sflag:s15], $0x3C00  }
0x40: {  	p0 =	sne.s32 s17, s5;
	[sflag:s15] =	ssyncset.done $0x0  }
.Ltmp1:
0x41: {  	[sflag:s15] =	ssyncadd.s32 $0xFFFFC400;
	(pc) =	sbr.rel @p0 .LBB2_1-.Ltmp1, $4  }
0x42: {  	[hbm4b:s7+s3] =	stream.linear.scatter [tilespmem:s12], [sflag:$0x4], $0x3C00, $0x38;
	[tilespmem:$0xA080] =	vst v63  }
0x43: {  	_ =	swait.ge [sflag:s16], $0x3C00  }
0x44: {  	[sflag:s16] =	ssyncset.done $0x0  }
0x45: {  	[sflag:s16] =	ssyncadd.s32 $0xFFFFC400  }
0x46: {  	_ =	sfence.sel $0x180000  }
0x47: {  	[bflag:$0x0] =	sbarrier.arrive $0xFFFF  }
0x48: {  	p0 =	sne.s32 s2, $0x0;
	_ =	strace $0x90000047  }
0x49: {  	s0 =	sadd.s32 @!p0 $0x100000, s0;
	[bflag:$0x2] =	sbarrier.arrive $0xFFFF  }
0x4a: {  	[sflag:s0] =	ssyncadd.tile.s32 @!p0 $0x1;
	_ =	shalt  }
.Lfunc_end2:
_tile_overlayer_lowered:
.L_overlay_start_2:
0x4b: {  	(tag) =	ssettag $0x2  }
0x4c: {  	s0 =	rddreg [dreg:$0x0];
	s2 =	stileid.u32  }
0x4d: {  	s1 =	rddreg [dreg:$0x1];
	p0 =	sne.s32 s2, $0x0  }
0x4e: {  	s3 =	rddreg [dreg:$0x2];
	[bflag:$0x3] =	sbarrier.arrive $0xFFFF;
	s2 =	simm.s32 @!p0 $0x1C05  }
0x4f: {  	[timem:s3], [sflag:s2] =	dma.local @!p0 [hbm:s0], s1  }
0x50: {  	s0 =	simm.s32 @!p0 $0x5  }
0x51: {  	_ =	swait.ge @!p0 [sflag:s0], s1  }
0x52: {  	s1 =	ssub.s32 @!p0 $0x0, s1;
	[sflag:s0] =	ssyncset.done @!p0 $0x0  }
0x53: {  	[sflag:s0] =	ssyncadd.s32 @!p0 s1  }
0x54: {  	[bflag:$0x3] =	sbarrier.arrive $0xFFFF  }
0x55: {  	_ =	shalt  }

</sc_bundles>
